<compile_context>
chip_gen: v7x
topology: tpu7x:2x2x1
jax: 0.10.2.dev20260603
libtpu: 0.0.44.dev20260713+nightly
codegen_flags: <defaults>
</compile_context>

<pallas_src>
import functools

import jax
import jax.numpy as jnp
from jax import lax
from jax.experimental import pallas as pl
from jax.experimental.pallas import tpu as pltpu
from jax.experimental.pallas import tpu_sc as plsc

NC = 2
NS = 16
NW = NC * NS


def _silu(v):
    return v * jax.nn.sigmoid(v)


def _pre_body(h_ref, w1s_ref, w1d_ref, be1_ref, hs_ref, hd_ref):
    hb = h_ref[...]
    hs_ref[...] = jnp.dot(hb, w1s_ref[...], preferred_element_type=jnp.float32)
    hd_ref[...] = (jnp.dot(hb, w1d_ref[...], preferred_element_type=jnp.float32)
                   + be1_ref[...])


def _tc_pre(h, w1s, w1d, be1, *, interpret=False):
    n, dh = h.shape
    bn = 2000
    grid = (n // bn,)
    return pl.pallas_call(
        _pre_body,
        grid=grid,
        in_specs=[
            pl.BlockSpec((bn, dh), lambda i: (i, 0)),
            pl.BlockSpec((dh, dh), lambda i: (0, 0)),
            pl.BlockSpec((dh, dh), lambda i: (0, 0)),
            pl.BlockSpec((1, dh), lambda i: (0, 0)),
        ],
        out_specs=[
            pl.BlockSpec((bn, dh), lambda i: (i, 0)),
            pl.BlockSpec((bn, dh), lambda i: (i, 0)),
        ],
        out_shape=[
            jax.ShapeDtypeStruct((n, dh), jnp.float32),
            jax.ShapeDtypeStruct((n, dh), jnp.float32),
        ],
        interpret=interpret,
    )(h, w1s, w1d, be1)


def _sc_gather(hs, hd, x16, src, dst):
    n, dh = hs.shape
    e = src.shape[0]
    pt = e // NW
    G = 400
    SUB = 80
    nsub = G // SUB
    nchunk = pt // G
    assert pt % G == 0 and G % SUB == 0

    mesh = plsc.VectorSubcoreMesh(core_axis_name="c", subcore_axis_name="s",
                                  num_cores=NC, num_subcores=NS)

    @functools.partial(
        pl.kernel,
        out_type=(
            jax.ShapeDtypeStruct((e, dh), jnp.float32),
            jax.ShapeDtypeStruct((e, dh), jnp.float32),
            jax.ShapeDtypeStruct((e, 16), jnp.float32),
            jax.ShapeDtypeStruct((e, 16), jnp.float32),
        ),
        mesh=mesh,
        scratch_types=[
            pltpu.VMEM((G,), jnp.int32),
            pltpu.VMEM((G,), jnp.int32),
            pltpu.VMEM((G, dh), jnp.float32),
            pltpu.VMEM((G, dh), jnp.float32),
            pltpu.VMEM((G, 16), jnp.float32),
            pltpu.VMEM((G, 16), jnp.float32),
            pltpu.SemaphoreType.DMA,
        ],
        compiler_params=pltpu.CompilerParams(use_tc_tiling_on_sc=False),
    )
    def gather_kernel(hs_hbm, hd_hbm, x_hbm, src_hbm, dst_hbm,
                      g1_hbm, g2_hbm, xs_hbm, xd_hbm,
                      sidx_v, didx_v, g1_v, g2_v, xs_v, xd_v, sem):
        wid = lax.axis_index("s") * NC + lax.axis_index("c")
        base = wid * pt

        def chunk(c, carry):
            off = base + c * G
            pltpu.sync_copy(src_hbm.at[pl.ds(off, G)], sidx_v)
            pltpu.sync_copy(dst_hbm.at[pl.ds(off, G)], didx_v)
            cps = []
            for s in range(nsub):
                si = sidx_v.at[pl.ds(s * SUB, SUB)]
                di = didx_v.at[pl.ds(s * SUB, SUB)]
                cps.append(pltpu.async_copy(
                    hs_hbm.at[si], g1_v.at[pl.ds(s * SUB, SUB)], sem))
                cps.append(pltpu.async_copy(
                    hd_hbm.at[di], g2_v.at[pl.ds(s * SUB, SUB)], sem))
                cps.append(pltpu.async_copy(
                    x_hbm.at[si], xs_v.at[pl.ds(s * SUB, SUB)], sem))
                cps.append(pltpu.async_copy(
                    x_hbm.at[di], xd_v.at[pl.ds(s * SUB, SUB)], sem))
            for cp in cps:
                cp.wait()
            pltpu.sync_copy(g1_v, g1_hbm.at[pl.ds(off, G)])
            pltpu.sync_copy(g2_v, g2_hbm.at[pl.ds(off, G)])
            pltpu.sync_copy(xs_v, xs_hbm.at[pl.ds(off, G)])
            pltpu.sync_copy(xd_v, xd_hbm.at[pl.ds(off, G)])
            return carry

        lax.fori_loop(0, nchunk, chunk, 0)

    return gather_kernel(hs, hd, x16, src, dst)


def _edge_body(g1_ref, g2_ref, xs_ref, xd_ref, ea_ref,
               w1e_ref, wsq_ref, we2_ref, be2_ref,
               wx1_ref, bx1_ref, wx2r_ref, bx2_ref,
               msg_ref, wv_ref):
    d16 = xs_ref[...] - xd_ref[...]
    sq = jnp.sum(d16 * d16, axis=-1, keepdims=True)
    pre = (g1_ref[...] + g2_ref[...]
           + sq * wsq_ref[...]
           + jnp.dot(ea_ref[...].astype(jnp.bfloat16), w1e_ref[...],
                     preferred_element_type=jnp.float32))
    m1 = _silu(pre).astype(jnp.bfloat16)
    msg = _silu(jnp.dot(m1, we2_ref[...], preferred_element_type=jnp.float32)
                + be2_ref[...])
    msgb = msg.astype(jnp.bfloat16)
    t = _silu(jnp.dot(msgb, wx1_ref[...], preferred_element_type=jnp.float32)
              + bx1_ref[...])
    w = jnp.sum(t * wx2r_ref[...], axis=-1, keepdims=True) + bx2_ref[0, 0]
    msg_ref[...] = msg
    wv_ref[...] = d16 * w


def _tc_edge(g1, g2, xs, xd, ea, w1e, wsq, we2, be2, wx1, bx1, wx2r, bx2,
             *, interpret=False):
    e, dh = g1.shape
    de = ea.shape[1]
    be = 4000
    grid = (e // be,)
    wspec = lambda shape: pl.BlockSpec(shape, lambda i: tuple(0 for _ in shape))
    return pl.pallas_call(
        _edge_body,
        grid=grid,
        in_specs=[
            pl.BlockSpec((be, dh), lambda i: (i, 0)),
            pl.BlockSpec((be, dh), lambda i: (i, 0)),
            pl.BlockSpec((be, 16), lambda i: (i, 0)),
            pl.BlockSpec((be, 16), lambda i: (i, 0)),
            pl.BlockSpec((be, de), lambda i: (i, 0)),
            wspec((de, dh)),
            wspec((1, dh)),
            wspec((dh, dh)),
            wspec((1, dh)),
            wspec((dh, dh)),
            wspec((1, dh)),
            wspec((1, dh)),
            wspec((1, 1)),
        ],
        out_specs=[
            pl.BlockSpec((be, dh), lambda i: (i, 0)),
            pl.BlockSpec((be, 16), lambda i: (i, 0)),
        ],
        out_shape=[
            jax.ShapeDtypeStruct((e, dh), jnp.float32),
            jax.ShapeDtypeStruct((e, 16), jnp.float32),
        ],
        interpret=interpret,
    )(g1, g2, xs, xd, ea, w1e.astype(jnp.bfloat16), wsq,
      we2.astype(jnp.bfloat16), be2, wx1.astype(jnp.bfloat16), bx1, wx2r, bx2)


def _sc_scatter(msg, wv, dst, src, n):
    e, dm = msg.shape
    pt = e // NW
    G = 80
    nchunk = pt // G
    rz = n // NS
    ZB = 25
    nz = rz // ZB
    assert pt % G == 0 and rz % ZB == 0

    mesh = plsc.VectorSubcoreMesh(core_axis_name="c", subcore_axis_name="s",
                                  num_cores=NC, num_subcores=NS)

    @functools.partial(
        pl.kernel,
        out_type=(
            jax.ShapeDtypeStruct((NC * n, dm), jnp.float32),
            jax.ShapeDtypeStruct((NC * n, 16), jnp.float32),
            jax.ShapeDtypeStruct((NC * n, 16), jnp.float32),
        ),
        mesh=mesh,
        scratch_types=[
            pltpu.VMEM((2, G), jnp.int32),
            pltpu.VMEM((2, G), jnp.int32),
            pltpu.VMEM((2, G, dm), jnp.float32),
            pltpu.VMEM((2, G, 16), jnp.float32),
            pltpu.VMEM((G, 16), jnp.float32),
            pltpu.VMEM((ZB, dm), jnp.float32),
            pltpu.VMEM((ZB, 16), jnp.float32),
            pltpu.VMEM_SHARED((n, dm), jnp.float32),
            pltpu.VMEM_SHARED((n, 16), jnp.float32),
            pltpu.VMEM_SHARED((n, 16), jnp.float32),
            pltpu.SemaphoreType.DMA,
        ],
        compiler_params=pltpu.CompilerParams(use_tc_tiling_on_sc=False),
    )
    def scatter_kernel(msg_hbm, wv_hbm, dst_hbm, src_hbm,
                       pd_hbm, pc_hbm, ps_hbm,
                       didx_v, sidx_v, msg_v, wv_v, ones_v, zbd_v, zbs_v,
                       acc_d, acc_c, acc_s, sem_l):
        cid = lax.axis_index("c")
        sid = lax.axis_index("s")
        wid = sid * NC + cid
        base = wid * pt
        r0 = sid * rz

        def zrow_d(i, carry):
            r = i // (dm // 16)
            c = (i % (dm // 16)) * 16
            zbd_v[r, pl.ds(c, 16)] = jnp.zeros((16,), jnp.float32)
            return carry
        lax.fori_loop(0, ZB * (dm // 16), zrow_d, 0)

        lanes = lax.iota(jnp.int32, 16)
        one_row = jnp.where(lanes == 0, 1.0, 0.0).astype(jnp.float32)

        def zrow_s(i, carry):
            zbs_v[i, :] = jnp.zeros((16,), jnp.float32)
            return carry
        lax.fori_loop(0, ZB, zrow_s, 0)

        def orow(i, carry):
            ones_v[i, :] = one_row
            return carry
        lax.fori_loop(0, G, orow, 0)

        def zinit(j, carry):
            pltpu.sync_copy(zbd_v, acc_d.at[pl.ds(r0 + j * ZB, ZB)])
            pltpu.sync_copy(zbs_v, acc_c.at[pl.ds(r0 + j * ZB, ZB)])
            pltpu.sync_copy(zbs_v, acc_s.at[pl.ds(r0 + j * ZB, ZB)])
            return carry
        lax.fori_loop(0, nz, zinit, 0)
        plsc.subcore_barrier()

        def fire_loads(c, b):
            off = base + c * G
            pltpu.async_copy(dst_hbm.at[pl.ds(off, G)], didx_v.at[b], sem_l)
            pltpu.async_copy(src_hbm.at[pl.ds(off, G)], sidx_v.at[b], sem_l)
            pltpu.async_copy(msg_hbm.at[pl.ds(off, G)], msg_v.at[b], sem_l)
            pltpu.async_copy(wv_hbm.at[pl.ds(off, G)], wv_v.at[b], sem_l)

        def drain_loads(b):
            pltpu.make_async_copy(dst_hbm.at[pl.ds(base, G)], didx_v.at[b], sem_l).wait()
            pltpu.make_async_copy(src_hbm.at[pl.ds(base, G)], sidx_v.at[b], sem_l).wait()
            pltpu.make_async_copy(msg_hbm.at[pl.ds(base, G)], msg_v.at[b], sem_l).wait()
            pltpu.make_async_copy(wv_hbm.at[pl.ds(base, G)], wv_v.at[b], sem_l).wait()

        fire_loads(0, 0)

        def chunk(c, carry):
            b = c % 2

            @pl.when(c + 1 < nchunk)
            def _():
                fire_loads(c + 1, 1 - b)

            drain_loads(b)
            pltpu.sync_copy(msg_v.at[b], acc_d.at[didx_v.at[b]], add=True)
            pltpu.sync_copy(ones_v, acc_c.at[didx_v.at[b]], add=True)
            pltpu.sync_copy(wv_v.at[b], acc_s.at[sidx_v.at[b]], add=True)
            return carry

        lax.fori_loop(0, nchunk, chunk, 0)
        plsc.subcore_barrier()

        def dump(j, carry):
            rr = r0 + j * ZB
            pltpu.sync_copy(acc_d.at[pl.ds(rr, ZB)], zbd_v)
            pltpu.sync_copy(zbd_v, pd_hbm.at[pl.ds(cid * n + rr, ZB)])
            pltpu.sync_copy(acc_c.at[pl.ds(rr, ZB)], zbs_v)
            pltpu.sync_copy(zbs_v, pc_hbm.at[pl.ds(cid * n + rr, ZB)])
            pltpu.sync_copy(acc_s.at[pl.ds(rr, ZB)], zbs_v)
            pltpu.sync_copy(zbs_v, ps_hbm.at[pl.ds(cid * n + rr, ZB)])
            return carry
        lax.fori_loop(0, nz, dump, 0)

    return scatter_kernel(msg, wv, dst, src)


def _post_body(pd0_ref, pd1_ref, pc0_ref, pc1_ref, ps0_ref, ps1_ref,
               h_ref, x16_ref,
               wh1a_ref, wh1b_ref, bh1_ref, wh2_ref, bh2_ref,
               lng_ref, lnb_ref, hn_ref, xn_ref):
    agg_s = pd0_ref[0] + pd1_ref[0]
    pc = pc0_ref[0] + pc1_ref[0]
    cnt = jnp.maximum(pc[:, 0:1], 1.0)
    agg = agg_s / cnt
    hb = h_ref[...]
    t = _silu(jnp.dot(hb, wh1a_ref[...], preferred_element_type=jnp.float32)
              + jnp.dot(agg, wh1b_ref[...], preferred_element_type=jnp.float32)
              + bh1_ref[...])
    ph = jnp.dot(t, wh2_ref[...], preferred_element_type=jnp.float32) + bh2_ref[...]
    pre = hb + ph
    mu = jnp.mean(pre, axis=-1, keepdims=True)
    var = jnp.mean((pre - mu) ** 2, axis=-1, keepdims=True)
    hn_ref[...] = (pre - mu) * jax.lax.rsqrt(var + 1e-5) * lng_ref[...] + lnb_ref[...]
    ps = ps0_ref[0] + ps1_ref[0]
    xn_ref[...] = x16_ref[...] + ps / cnt


def _tc_post(pd, pc, ps, h, x16, wh1a, wh1b, bh1, wh2, bh2, lng, lnb,
             *, interpret=False):
    n, dh = h.shape
    dm = pd.shape[1]
    bn = 2000
    grid = (n // bn,)
    wspec = lambda shape: pl.BlockSpec(shape, lambda i: tuple(0 for _ in shape))
    return pl.pallas_call(
        _post_body,
        grid=grid,
        in_specs=[
            pl.BlockSpec((1, bn, dm), lambda i: (0, i, 0)),
            pl.BlockSpec((1, bn, dm), lambda i: (1, i, 0)),
            pl.BlockSpec((1, bn, 16), lambda i: (0, i, 0)),
            pl.BlockSpec((1, bn, 16), lambda i: (1, i, 0)),
            pl.BlockSpec((1, bn, 16), lambda i: (0, i, 0)),
            pl.BlockSpec((1, bn, 16), lambda i: (1, i, 0)),
            pl.BlockSpec((bn, dh), lambda i: (i, 0)),
            pl.BlockSpec((bn, 16), lambda i: (i, 0)),
            wspec((dh, dh)),
            wspec((dh, dh)),
            wspec((1, dh)),
            wspec((dh, dh)),
            wspec((1, dh)),
            wspec((1, dh)),
            wspec((1, dh)),
        ],
        out_specs=[
            pl.BlockSpec((bn, dh), lambda i: (i, 0)),
            pl.BlockSpec((bn, 16), lambda i: (i, 0)),
        ],
        out_shape=[
            jax.ShapeDtypeStruct((n, dh), jnp.float32),
            jax.ShapeDtypeStruct((n, 16), jnp.float32),
        ],
        interpret=interpret,
    )(pd.reshape(2, n, dm), pd.reshape(2, n, dm),
      pc.reshape(2, n, 16), pc.reshape(2, n, 16),
      ps.reshape(2, n, 16), ps.reshape(2, n, 16), h, x16,
      wh1a, wh1b, bh1, wh2, bh2, lng, lnb)


def kernel(h, x, edge_index, edge_attr, W_e1, b_e1, W_e2, b_e2,
           W_h1, b_h1, W_h2, b_h2, W_x1, b_x1, W_x2, b_x2, ln_g, ln_b):
    n, dh = h.shape
    e = edge_index.shape[1]
    de = edge_attr.shape[1]
    dm = W_e2.shape[0]

    src = edge_index[0]
    dst = edge_index[1]
    x16 = jnp.pad(x, ((0, 0), (0, 16 - x.shape[1])))

    w1s = W_e1[:dh]
    w1d = W_e1[dh:2 * dh]
    wsq = W_e1[2 * dh:2 * dh + 1]
    w1e = W_e1[2 * dh + 1:]

    hs, hd = _tc_pre(h, w1s, w1d, b_e1.reshape(1, dm))
    g1, g2, xs, xd = _sc_gather(hs, hd, x16, src, dst)
    msg, wv = _tc_edge(g1, g2, xs, xd, edge_attr,
                       w1e, wsq, W_e2, b_e2.reshape(1, dm),
                       W_x1, b_x1.reshape(1, dm),
                       W_x2.reshape(1, dm), b_x2.reshape(1, 1))
    pd, pc, ps = _sc_scatter(msg, wv, dst, src, n)
    hn, xn16 = _tc_post(pd, pc, ps, h, x16,
                        W_h1[:dh], W_h1[dh:], b_h1.reshape(1, dh),
                        W_h2, b_h2.reshape(1, dh),
                        ln_g.reshape(1, dh), ln_b.reshape(1, dh))
    return (hn, xn16[:, :x.shape[1]])

# --- scband reference (transcript-rebuilt; emitter-appended) ---
"""Pipeline reference for scband-egnnlayer-torch-31653908971779 (READ-ONLY COPY).

The authoritative reference and input builder live on the scoring server;
editing this copy changes nothing except your own understanding.
"""

import jax, jax.numpy as jnp
import numpy as np

N = 10000
E = 320000
DH = 128
DE = 16
DM = 128


def silu(v):
    return v * jax.nn.sigmoid(v)


def setup_inputs(seed: int = 0) -> dict:
    key = jax.random.key(seed)
    ks = jax.random.split(key, 20)
    h = jax.random.normal(ks[0], (N, DH), dtype=jnp.float32)
    x = jax.random.normal(ks[1], (N, 3), dtype=jnp.float32)
    edge_index = jax.random.randint(ks[2], (2, E), 0, N, dtype=jnp.int32)
    edge_attr = jax.random.normal(ks[3], (E, DE), dtype=jnp.float32)
    din_e = 2 * DH + 1 + DE
    W_e1 = jax.random.normal(ks[4], (din_e, DM), dtype=jnp.float32) / np.sqrt(din_e)
    b_e1 = jnp.zeros((DM,), dtype=jnp.float32)
    W_e2 = jax.random.normal(ks[5], (DM, DM), dtype=jnp.float32) / np.sqrt(DM)
    b_e2 = jnp.zeros((DM,), dtype=jnp.float32)
    W_h1 = jax.random.normal(ks[6], (DH + DM, DH), dtype=jnp.float32) / np.sqrt(DH + DM)
    b_h1 = jnp.zeros((DH,), dtype=jnp.float32)
    W_h2 = jax.random.normal(ks[7], (DH, DH), dtype=jnp.float32) / np.sqrt(DH)
    b_h2 = jnp.zeros((DH,), dtype=jnp.float32)
    W_x1 = jax.random.normal(ks[8], (DM, DM), dtype=jnp.float32) / np.sqrt(DM)
    b_x1 = jnp.zeros((DM,), dtype=jnp.float32)
    W_x2 = jax.random.normal(ks[9], (DM, 1), dtype=jnp.float32) / np.sqrt(DM)
    b_x2 = jnp.zeros((1,), dtype=jnp.float32)
    ln_g = jnp.ones((DH,), dtype=jnp.float32)
    ln_b = jnp.zeros((DH,), dtype=jnp.float32)
    return {"h": h, "x": x, "edge_index": edge_index, "edge_attr": edge_attr,
            "W_e1": W_e1, "b_e1": b_e1, "W_e2": W_e2, "b_e2": b_e2,
            "W_h1": W_h1, "b_h1": b_h1, "W_h2": W_h2, "b_h2": b_h2,
            "W_x1": W_x1, "b_x1": b_x1, "W_x2": W_x2, "b_x2": b_x2,
            "ln_g": ln_g, "ln_b": ln_b}


def reference(h, x, edge_index, edge_attr, W_e1, b_e1, W_e2, b_e2,
              W_h1, b_h1, W_h2, b_h2, W_x1, b_x1, W_x2, b_x2, ln_g, ln_b):
    src = edge_index[0]
    dst = edge_index[1]
    diff = x[src] - x[dst]
    sq_dist = jnp.sum(diff ** 2, axis=-1, keepdims=True)
    msg_input = jnp.concatenate([h[src], h[dst], sq_dist, edge_attr], axis=-1)
    msg = silu(msg_input @ W_e1 + b_e1)
    msg = silu(msg @ W_e2 + b_e2)
    agg = jax.ops.segment_sum(msg, dst, num_segments=N)
    count = jax.ops.segment_sum(jnp.ones((E, 1), dtype=jnp.float32), dst, num_segments=N)
    count = jnp.maximum(count, 1.0)
    agg = agg / count
    ph = silu(jnp.concatenate([h, agg], axis=-1) @ W_h1 + b_h1) @ W_h2 + b_h2
    pre = h + ph
    mu = jnp.mean(pre, axis=-1, keepdims=True)
    var = jnp.var(pre, axis=-1, keepdims=True)
    h_new = (pre - mu) / jnp.sqrt(var + 1e-5) * ln_g + ln_b
    weights = silu(msg @ W_x1 + b_x1) @ W_x2 + b_x2
    coord_upd = jax.ops.segment_sum(diff * weights, src, num_segments=N)
    coord_upd = coord_upd / count
    x_new = x + coord_upd
    return (h_new, x_new)

if __name__ == "__main__":
    import jax
    _d = setup_inputs()
    print(jax.jit(kernel)(*tuple(_d.values())))

</pallas_src>

<mosaic_0001>
#map = affine_map<(d0, d1) -> (0, 0)>
#map1 = affine_map<(d0, d1) -> (0)>
module attributes {stable_mosaic.version = 14 : i64} {
  func.func @scatter_kernel(%arg0: i32, %arg1: i32, %arg2: memref<320000x128xf32, #tpu.memory_space<hbm>>, %arg3: memref<320000x16xf32, #tpu.memory_space<hbm>>, %arg4: memref<320000xi32, #tpu.memory_space<hbm>>, %arg5: memref<320000xi32, #tpu.memory_space<hbm>>, %arg6: memref<20000x128xf32, #tpu.memory_space<hbm>>, %arg7: memref<20000x16xf32, #tpu.memory_space<hbm>>, %arg8: memref<20000x16xf32, #tpu.memory_space<hbm>>, %arg9: memref<2x80xi32, #tpu.memory_space<vmem>>, %arg10: memref<2x80xi32, #tpu.memory_space<vmem>>, %arg11: memref<2x80x128xf32, #tpu.memory_space<vmem>>, %arg12: memref<2x80x16xf32, #tpu.memory_space<vmem>>, %arg13: memref<80x16xf32, #tpu.memory_space<vmem>>, %arg14: memref<25x128xf32, #tpu.memory_space<vmem>>, %arg15: memref<25x16xf32, #tpu.memory_space<vmem>>, %arg16: memref<10000x128xf32, #tpu.memory_space<vmem_shared>>, %arg17: memref<10000x16xf32, #tpu.memory_space<vmem_shared>>, %arg18: memref<10000x16xf32, #tpu.memory_space<vmem_shared>>, %arg19: memref<!tpu.dma_semaphore, #tpu.memory_space<semaphore_mem>>) attributes {dimension_semantics = [#tpu.dimension_semantics<core_parallel>, #tpu.dimension_semantics<subcore_parallel>], iteration_bounds = array<i64: 2, 16>, scalar_prefetch = 0 : i64, scratch_operands = 11 : i64, tpu.core_type = #tpu.core_type<sc_vector_subcore>, window_params = [{transform_indices = #map}, {transform_indices = #map}, {transform_indices = #map1}, {transform_indices = #map1}, {transform_indices = #map}, {transform_indices = #map}, {transform_indices = #map}]} {
    %mul3A = arith.constant 2 : i32
    %mul3A_0 = arith.muli %arg1, %mul3A : i32
    %add3A = arith.addi %mul3A_0, %arg0 : i32
    %mul3A_1 = arith.constant 10000 : i32
    %mul3A_2 = arith.muli %add3A, %mul3A_1 : i32
    %mul3A_3 = arith.constant 625 : i32
    %mul3A_4 = arith.muli %arg1, %mul3A_3 : i32
    %scan3A = arith.constant 0 : i32
    %scan3A_5 = arith.constant 0 : i32
    %scan3A_6 = arith.constant 200 : i32
    %scan3A_7 = arith.addi %scan3A_5, %scan3A_6 : i32
    %scan3A_8 = arith.constant 1 : i32
    scf.for %scan3A_90 = %scan3A_5 to %scan3A_7 step %scan3A_8  : i32 {
      %jit3A_91 = arith.constant 8 : i32
      %div3A = arith.divsi %scan3A_90, %jit3A_91 : i32
      %sign3A = arith.constant 0 : i32
      %sign3A_92 = arith.cmpi sgt, %scan3A_90, %sign3A : i32
      %sign3A_93 = arith.extui %sign3A_92 : i1 to i32
      %sign3A_94 = arith.constant 0 : i32
      %sign3A_95 = arith.cmpi slt, %scan3A_90, %sign3A_94 : i32
      %sign3A_96 = arith.extui %sign3A_95 : i1 to i32
      %sign3A_97 = arith.subi %sign3A_93, %sign3A_96 : i32
      %sign3A_98 = arith.constant 0 : i32
      %sign3A_99 = arith.cmpi sgt, %jit3A_91, %sign3A_98 : i32
      %sign3A_100 = arith.extui %sign3A_99 : i1 to i32
      %sign3A_101 = arith.constant 0 : i32
      %sign3A_102 = arith.cmpi slt, %jit3A_91, %sign3A_101 : i32
      %sign3A_103 = arith.extui %sign3A_102 : i1 to i32
      %sign3A_104 = arith.subi %sign3A_100, %sign3A_103 : i32
      %ne3A = arith.cmpi ne, %sign3A_97, %sign3A_104 : i32
      %rem3A = arith.remsi %scan3A_90, %jit3A_91 : i32
      %ne3A_105 = arith.constant 0 : i32
      %ne3A_106 = arith.cmpi ne, %rem3A, %ne3A_105 : i32
      %and3A = arith.andi %ne3A, %ne3A_106 : i1
      %sub3A = arith.constant 1 : i32
      %sub3A_107 = arith.subi %div3A, %sub3A : i32
      %select_n3A_108 = arith.select %and3A, %sub3A_107, %div3A : i32
      %jit3A_109 = arith.constant 8 : i32
      %eq3A_110 = arith.constant 0 : i32
      %eq3A_111 = arith.cmpi eq, %jit3A_109, %eq3A_110 : i32
      %jit3A_112 = arith.constant 1 : i32
      %select_n3A_113 = arith.select %eq3A_111, %jit3A_112, %jit3A_109 : i32
      %rem3A_114 = arith.remsi %scan3A_90, %select_n3A_113 : i32
      %ne3A_115 = arith.constant 0 : i32
      %ne3A_116 = arith.cmpi ne, %rem3A_114, %ne3A_115 : i32
      %lt3A = arith.constant 0 : i32
      %lt3A_117 = arith.cmpi slt, %rem3A_114, %lt3A : i32
      %lt3A_118 = arith.constant 0 : i32
      %lt3A_119 = arith.cmpi slt, %select_n3A_113, %lt3A_118 : i32
      %ne3A_120 = arith.xori %lt3A_117, %lt3A_119 : i1
      %and3A_121 = arith.andi %ne3A_120, %ne3A_116 : i1
      %add3A_122 = arith.addi %rem3A_114, %select_n3A_113 : i32
      %select_n3A_123 = arith.select %and3A_121, %add3A_122, %rem3A_114 : i32
      %mul3A_124 = arith.constant 16 : i32
      %mul3A_125 = arith.muli %select_n3A_123, %mul3A_124 : i32
      %broadcast_in_dim3A_126 = arith.constant 0.000000e+00 : f32
      %broadcast_in_dim3A_127 = vector.broadcast %broadcast_in_dim3A_126 : f32 to vector<16xf32>
      %swap3A = arith.index_cast %select_n3A_108 : i32 to index
      %swap3A_128 = arith.index_cast %mul3A_125 : i32 to index
      %swap3A_129 = tpu.vector_load %arg14[%swap3A, %swap3A_128] {strides = array<i32>} : memref<25x128xf32, #tpu.memory_space<vmem>>, vector<1x16xf32>,
      %swap3A_130 = vector.shape_cast %swap3A_129 : vector<1x16xf32> to vector<16xf32>
      %swap3A_131 = vector.shape_cast %broadcast_in_dim3A_127 : vector<16xf32> to vector<1x16xf32>
      tpu.vector_store %arg14[%swap3A, %swap3A_128], %swap3A_131 {strides = array<i32>} : memref<25x128xf32, #tpu.memory_space<vmem>>, vector<1x16xf32>,
    }
    %scan3A_9 = arith.constant 200 : i32
    %iota3A = tpu.iota {dimensions = array<i32: 0>} : vector<16xi32>
    %eq3A = arith.constant 0 : i32
    %eq3A_10 = vector.broadcast %eq3A : i32 to vector<16xi32>
    %eq3A_11 = arith.cmpi eq, %iota3A, %eq3A_10 : vector<16xi32>
    %jit3A = arith.constant 1.000000e+00 : f32
    %jit3A_12 = arith.constant 0.000000e+00 : f32
    %broadcast_in_dim3A = vector.broadcast %jit3A : f32 to vector<16xf32>
    %broadcast_in_dim3A_13 = vector.broadcast %jit3A_12 : f32 to vector<16xf32>
    %select_n3A = arith.select %eq3A_11, %broadcast_in_dim3A, %broadcast_in_dim3A_13 : vector<16xi1>, vector<16xf32>
    %scan3A_14 = arith.constant 0 : i32
    %scan3A_15 = arith.constant 0 : i32
    %scan3A_16 = arith.constant 25 : i32
    %scan3A_17 = arith.addi %scan3A_15, %scan3A_16 : i32
    %scan3A_18 = arith.constant 1 : i32
    scf.for %scan3A_90 = %scan3A_15 to %scan3A_17 step %scan3A_18  : i32 {
      %broadcast_in_dim3A_91 = arith.constant 0.000000e+00 : f32
      %broadcast_in_dim3A_92 = vector.broadcast %broadcast_in_dim3A_91 : f32 to vector<16xf32>
      %swap3A = arith.index_cast %scan3A_90 : i32 to index
      %swap3A_93 = arith.constant 0 : index
      %swap3A_94 = tpu.vector_load %arg15[%swap3A, %swap3A_93] {strides = array<i32>} : memref<25x16xf32, #tpu.memory_space<vmem>>, vector<1x16xf32>,
      %swap3A_95 = vector.shape_cast %swap3A_94 : vector<1x16xf32> to vector<16xf32>
      %swap3A_96 = vector.shape_cast %broadcast_in_dim3A_92 : vector<16xf32> to vector<1x16xf32>
      tpu.vector_store %arg15[%swap3A, %swap3A_93], %swap3A_96 {strides = array<i32>} : memref<25x16xf32, #tpu.memory_space<vmem>>, vector<1x16xf32>,
    }
    %scan3A_19 = arith.constant 25 : i32
    %scan3A_20 = arith.constant 0 : i32
    %scan3A_21 = arith.constant 0 : i32
    %scan3A_22 = arith.constant 80 : i32
    %scan3A_23 = arith.addi %scan3A_21, %scan3A_22 : i32
    %scan3A_24 = arith.constant 1 : i32
    scf.for %scan3A_90 = %scan3A_21 to %scan3A_23 step %scan3A_24  : i32 {
      %swap3A = arith.index_cast %scan3A_90 : i32 to index
      %swap3A_91 = arith.constant 0 : index
      %swap3A_92 = tpu.vector_load %arg13[%swap3A, %swap3A_91] {strides = array<i32>} : memref<80x16xf32, #tpu.memory_space<vmem>>, vector<1x16xf32>,
      %swap3A_93 = vector.shape_cast %swap3A_92 : vector<1x16xf32> to vector<16xf32>
      %swap3A_94 = vector.shape_cast %select_n3A : vector<16xf32> to vector<1x16xf32>
      tpu.vector_store %arg13[%swap3A, %swap3A_91], %swap3A_94 {strides = array<i32>} : memref<80x16xf32, #tpu.memory_space<vmem>>, vector<1x16xf32>,
    }
    %scan3A_25 = arith.constant 80 : i32
    %scan3A_26 = arith.constant 0 : i32
    %scan3A_27 = arith.constant 0 : i32
    %scan3A_28 = arith.constant 25 : i32
    %scan3A_29 = arith.addi %scan3A_27, %scan3A_28 : i32
    %scan3A_30 = arith.constant 1 : i32
    scf.for %scan3A_90 = %scan3A_27 to %scan3A_29 step %scan3A_30  : i32 {
      %mul3A_91 = arith.constant 25 : i32
      %mul3A_92 = arith.muli %scan3A_90, %mul3A_91 : i32
      %add3A_93 = arith.addi %mul3A_4, %mul3A_92 : i32
      "tpu.region"() ({
        %run_scoped3A = tpu.sem_alloc : memref<!tpu.dma_semaphore, #tpu.memory_space<semaphore_mem>>
        %dma_start3A_100 = arith.constant 0 : i32
        %dma_start3A_101 = tpu.memref_slice %arg16[%add3A_93, %dma_start3A_100] : memref<10000x128xf32, #tpu.memory_space<vmem_shared>> -> memref<25x128xf32, #tpu.memory_space<vmem_shared>>
        %dma_start3A_102 = arith.constant 0 : i32
        %dma_start3A_103 = tpu.memref_slice %arg16[%add3A_93, %dma_start3A_102] : memref<10000x128xf32, #tpu.memory_space<vmem_shared>> -> memref<25x128xf32, #tpu.memory_space<vmem_shared>>
        tpu.enqueue_dma source(%arg14 : memref<25x128xf32, #tpu.memory_space<vmem>>) target(%dma_start3A_103 : memref<25x128xf32, #tpu.memory_space<vmem_shared>>) target_semaphore(%run_scoped3A : memref<!tpu.dma_semaphore, #tpu.memory_space<semaphore_mem>>)
        %dma_wait3A = arith.constant 0 : i32
        %dma_wait3A_104 = tpu.memref_slice %arg16[%add3A_93, %dma_wait3A] : memref<10000x128xf32, #tpu.memory_space<vmem_shared>> -> memref<25x128xf32, #tpu.memory_space<vmem_shared>>
        %dma_wait3A_105 = arith.constant 0 : i32
        %dma_wait3A_106 = tpu.memref_slice %arg16[%add3A_93, %dma_wait3A_105] : memref<10000x128xf32, #tpu.memory_space<vmem_shared>> -> memref<25x128xf32, #tpu.memory_space<vmem_shared>>
        tpu.wait_dma2 semaphore(%run_scoped3A : memref<!tpu.dma_semaphore, #tpu.memory_space<semaphore_mem>>) src(%arg14 : memref<25x128xf32, #tpu.memory_space<vmem>>) dst(%dma_wait3A_106 : memref<25x128xf32, #tpu.memory_space<vmem_shared>>)
        tpu.yield
      }) : () -> ()
      %mul3A_94 = arith.constant 25 : i32
      %mul3A_95 = arith.muli %scan3A_90, %mul3A_94 : i32
      %add3A_96 = arith.addi %mul3A_4, %mul3A_95 : i32
      "tpu.region"() ({
        %run_scoped3A = tpu.sem_alloc : memref<!tpu.dma_semaphore, #tpu.memory_space<semaphore_mem>>
        %dma_start3A_100 = arith.constant 0 : i32
        %dma_start3A_101 = tpu.memref_slice %arg17[%add3A_96, %dma_start3A_100] : memref<10000x16xf32, #tpu.memory_space<vmem_shared>> -> memref<25x16xf32, #tpu.memory_space<vmem_shared>>
        %dma_start3A_102 = arith.constant 0 : i32
        %dma_start3A_103 = tpu.memref_slice %arg17[%add3A_96, %dma_start3A_102] : memref<10000x16xf32, #tpu.memory_space<vmem_shared>> -> memref<25x16xf32, #tpu.memory_space<vmem_shared>>
        tpu.enqueue_dma source(%arg15 : memref<25x16xf32, #tpu.memory_space<vmem>>) target(%dma_start3A_103 : memref<25x16xf32, #tpu.memory_space<vmem_shared>>) target_semaphore(%run_scoped3A : memref<!tpu.dma_semaphore, #tpu.memory_space<semaphore_mem>>)
        %dma_wait3A = arith.constant 0 : i32
        %dma_wait3A_104 = tpu.memref_slice %arg17[%add3A_96, %dma_wait3A] : memref<10000x16xf32, #tpu.memory_space<vmem_shared>> -> memref<25x16xf32, #tpu.memory_space<vmem_shared>>
        %dma_wait3A_105 = arith.constant 0 : i32
        %dma_wait3A_106 = tpu.memref_slice %arg17[%add3A_96, %dma_wait3A_105] : memref<10000x16xf32, #tpu.memory_space<vmem_shared>> -> memref<25x16xf32, #tpu.memory_space<vmem_shared>>
        tpu.wait_dma2 semaphore(%run_scoped3A : memref<!tpu.dma_semaphore, #tpu.memory_space<semaphore_mem>>) src(%arg15 : memref<25x16xf32, #tpu.memory_space<vmem>>) dst(%dma_wait3A_106 : memref<25x16xf32, #tpu.memory_space<vmem_shared>>)
        tpu.yield
      }) : () -> ()
      %mul3A_97 = arith.constant 25 : i32
      %mul3A_98 = arith.muli %scan3A_90, %mul3A_97 : i32
      %add3A_99 = arith.addi %mul3A_4, %mul3A_98 : i32
      "tpu.region"() ({
        %run_scoped3A = tpu.sem_alloc : memref<!tpu.dma_semaphore, #tpu.memory_space<semaphore_mem>>
        %dma_start3A_100 = arith.constant 0 : i32
        %dma_start3A_101 = tpu.memref_slice %arg18[%add3A_99, %dma_start3A_100] : memref<10000x16xf32, #tpu.memory_space<vmem_shared>> -> memref<25x16xf32, #tpu.memory_space<vmem_shared>>
        %dma_start3A_102 = arith.constant 0 : i32
        %dma_start3A_103 = tpu.memref_slice %arg18[%add3A_99, %dma_start3A_102] : memref<10000x16xf32, #tpu.memory_space<vmem_shared>> -> memref<25x16xf32, #tpu.memory_space<vmem_shared>>
        tpu.enqueue_dma source(%arg15 : memref<25x16xf32, #tpu.memory_space<vmem>>) target(%dma_start3A_103 : memref<25x16xf32, #tpu.memory_space<vmem_shared>>) target_semaphore(%run_scoped3A : memref<!tpu.dma_semaphore, #tpu.memory_space<semaphore_mem>>)
        %dma_wait3A = arith.constant 0 : i32
        %dma_wait3A_104 = tpu.memref_slice %arg18[%add3A_99, %dma_wait3A] : memref<10000x16xf32, #tpu.memory_space<vmem_shared>> -> memref<25x16xf32, #tpu.memory_space<vmem_shared>>
        %dma_wait3A_105 = arith.constant 0 : i32
        %dma_wait3A_106 = tpu.memref_slice %arg18[%add3A_99, %dma_wait3A_105] : memref<10000x16xf32, #tpu.memory_space<vmem_shared>> -> memref<25x16xf32, #tpu.memory_space<vmem_shared>>
        tpu.wait_dma2 semaphore(%run_scoped3A : memref<!tpu.dma_semaphore, #tpu.memory_space<semaphore_mem>>) src(%arg15 : memref<25x16xf32, #tpu.memory_space<vmem>>) dst(%dma_wait3A_106 : memref<25x16xf32, #tpu.memory_space<vmem_shared>>)
        tpu.yield
      }) : () -> ()
    }
    %scan3A_31 = arith.constant 25 : i32
    %barrier3A = arith.constant 0 : index
    tpu.barrier barrier_id(%barrier3A)
    %add3A_32 = arith.constant 0 : i32
    %add3A_33 = arith.addi %mul3A_2, %add3A_32 : i32
    %dma_start3A = arith.constant 0 : i32
    %dma_start3A_34 = arith.constant 0 : i32
    %dma_start3A_35 = tpu.memref_slice %arg9[%dma_start3A, %dma_start3A_34] : memref<2x80xi32, #tpu.memory_space<vmem>> -> memref<1x80xi32, #tpu.memory_space<vmem>>
    %dma_start3A_36 = tpu.memref_squeeze %dma_start3A_35 : memref<1x80xi32, #tpu.memory_space<vmem>> -> memref<80xi32, #tpu.memory_space<vmem>>
    %dma_start3A_37 = tpu.memref_slice %arg4[%add3A_33] : memref<320000xi32, #tpu.memory_space<hbm>> -> memref<80xi32, #tpu.memory_space<hbm>>
    %dma_start3A_38 = arith.constant 0 : i32
    %dma_start3A_39 = tpu.memref_slice %arg9[%dma_start3A, %dma_start3A_38] : memref<2x80xi32, #tpu.memory_space<vmem>> -> memref<1x80xi32, #tpu.memory_space<vmem>>
    %dma_start3A_40 = tpu.memref_squeeze %dma_start3A_39 : memref<1x80xi32, #tpu.memory_space<vmem>> -> memref<80xi32, #tpu.memory_space<vmem>>
    %dma_start3A_41 = tpu.memref_slice %arg4[%add3A_33] : memref<320000xi32, #tpu.memory_space<hbm>> -> memref<80xi32, #tpu.memory_space<hbm>>
    tpu.enqueue_dma source(%dma_start3A_41 : memref<80xi32, #tpu.memory_space<hbm>>) target(%dma_start3A_40 : memref<80xi32, #tpu.memory_space<vmem>>) target_semaphore(%arg19 : memref<!tpu.dma_semaphore, #tpu.memory_space<semaphore_mem>>)
    %dma_start3A_42 = arith.constant 0 : i32
    %dma_start3A_43 = arith.constant 0 : i32
    %dma_start3A_44 = tpu.memref_slice %arg10[%dma_start3A_42, %dma_start3A_43] : memref<2x80xi32, #tpu.memory_space<vmem>> -> memref<1x80xi32, #tpu.memory_space<vmem>>
    %dma_start3A_45 = tpu.memref_squeeze %dma_start3A_44 : memref<1x80xi32, #tpu.memory_space<vmem>> -> memref<80xi32, #tpu.memory_space<vmem>>
    %dma_start3A_46 = tpu.memref_slice %arg5[%add3A_33] : memref<320000xi32, #tpu.memory_space<hbm>> -> memref<80xi32, #tpu.memory_space<hbm>>
    %dma_start3A_47 = arith.constant 0 : i32
    %dma_start3A_48 = tpu.memref_slice %arg10[%dma_start3A_42, %dma_start3A_47] : memref<2x80xi32, #tpu.memory_space<vmem>> -> memref<1x80xi32, #tpu.memory_space<vmem>>
    %dma_start3A_49 = tpu.memref_squeeze %dma_start3A_48 : memref<1x80xi32, #tpu.memory_space<vmem>> -> memref<80xi32, #tpu.memory_space<vmem>>
    %dma_start3A_50 = tpu.memref_slice %arg5[%add3A_33] : memref<320000xi32, #tpu.memory_space<hbm>> -> memref<80xi32, #tpu.memory_space<hbm>>
    tpu.enqueue_dma source(%dma_start3A_50 : memref<80xi32, #tpu.memory_space<hbm>>) target(%dma_start3A_49 : memref<80xi32, #tpu.memory_space<vmem>>) target_semaphore(%arg19 : memref<!tpu.dma_semaphore, #tpu.memory_space<semaphore_mem>>)
    %dma_start3A_51 = arith.constant 0 : i32
    %dma_start3A_52 = arith.constant 0 : i32
    %dma_start3A_53 = arith.constant 0 : i32
    %dma_start3A_54 = tpu.memref_slice %arg11[%dma_start3A_51, %dma_start3A_52, %dma_start3A_53] : memref<2x80x128xf32, #tpu.memory_space<vmem>> -> memref<1x80x128xf32, #tpu.memory_space<vmem>>
    %dma_start3A_55 = tpu.memref_squeeze %dma_start3A_54 : memref<1x80x128xf32, #tpu.memory_space<vmem>> -> memref<80x128xf32, #tpu.memory_space<vmem>>
    %dma_start3A_56 = arith.constant 0 : i32
    %dma_start3A_57 = tpu.memref_slice %arg2[%add3A_33, %dma_start3A_56] : memref<320000x128xf32, #tpu.memory_space<hbm>> -> memref<80x128xf32, #tpu.memory_space<hbm>>
    %dma_start3A_58 = arith.constant 0 : i32
    %dma_start3A_59 = arith.constant 0 : i32
    %dma_start3A_60 = tpu.memref_slice %arg11[%dma_start3A_51, %dma_start3A_58, %dma_start3A_59] : memref<2x80x128xf32, #tpu.memory_space<vmem>> -> memref<1x80x128xf32, #tpu.memory_space<vmem>>
    %dma_start3A_61 = tpu.memref_squeeze %dma_start3A_60 : memref<1x80x128xf32, #tpu.memory_space<vmem>> -> memref<80x128xf32, #tpu.memory_space<vmem>>
    %dma_start3A_62 = arith.constant 0 : i32
    %dma_start3A_63 = tpu.memref_slice %arg2[%add3A_33, %dma_start3A_62] : memref<320000x128xf32, #tpu.memory_space<hbm>> -> memref<80x128xf32, #tpu.memory_space<hbm>>
    tpu.enqueue_dma source(%dma_start3A_63 : memref<80x128xf32, #tpu.memory_space<hbm>>) target(%dma_start3A_61 : memref<80x128xf32, #tpu.memory_space<vmem>>) target_semaphore(%arg19 : memref<!tpu.dma_semaphore, #tpu.memory_space<semaphore_mem>>)
    %dma_start3A_64 = arith.constant 0 : i32
    %dma_start3A_65 = arith.constant 0 : i32
    %dma_start3A_66 = arith.constant 0 : i32
    %dma_start3A_67 = tpu.memref_slice %arg12[%dma_start3A_64, %dma_start3A_65, %dma_start3A_66] : memref<2x80x16xf32, #tpu.memory_space<vmem>> -> memref<1x80x16xf32, #tpu.memory_space<vmem>>
    %dma_start3A_68 = tpu.memref_squeeze %dma_start3A_67 : memref<1x80x16xf32, #tpu.memory_space<vmem>> -> memref<80x16xf32, #tpu.memory_space<vmem>>
    %dma_start3A_69 = arith.constant 0 : i32
    %dma_start3A_70 = tpu.memref_slice %arg3[%add3A_33, %dma_start3A_69] : memref<320000x16xf32, #tpu.memory_space<hbm>> -> memref<80x16xf32, #tpu.memory_space<hbm>>
    %dma_start3A_71 = arith.constant 0 : i32
    %dma_start3A_72 = arith.constant 0 : i32
    %dma_start3A_73 = tpu.memref_slice %arg12[%dma_start3A_64, %dma_start3A_71, %dma_start3A_72] : memref<2x80x16xf32, #tpu.memory_space<vmem>> -> memref<1x80x16xf32, #tpu.memory_space<vmem>>
    %dma_start3A_74 = tpu.memref_squeeze %dma_start3A_73 : memref<1x80x16xf32, #tpu.memory_space<vmem>> -> memref<80x16xf32, #tpu.memory_space<vmem>>
    %dma_start3A_75 = arith.constant 0 : i32
    %dma_start3A_76 = tpu.memref_slice %arg3[%add3A_33, %dma_start3A_75] : memref<320000x16xf32, #tpu.memory_space<hbm>> -> memref<80x16xf32, #tpu.memory_space<hbm>>
    tpu.enqueue_dma source(%dma_start3A_76 : memref<80x16xf32, #tpu.memory_space<hbm>>) target(%dma_start3A_74 : memref<80x16xf32, #tpu.memory_space<vmem>>) target_semaphore(%arg19 : memref<!tpu.dma_semaphore, #tpu.memory_space<semaphore_mem>>)
    %scan3A_77 = arith.constant 0 : i32
    %scan3A_78 = arith.constant 0 : i32
    %scan3A_79 = arith.constant 125 : i32
    %scan3A_80 = arith.addi %scan3A_78, %scan3A_79 : i32
    %scan3A_81 = arith.constant 1 : i32
    scf.for %scan3A_90 = %scan3A_78 to %scan3A_80 step %scan3A_81  : i32 {
      %jit3A_91 = arith.constant 2 : i32
      %eq3A_92 = arith.constant 0 : i32
      %eq3A_93 = arith.cmpi eq, %jit3A_91, %eq3A_92 : i32
      %jit3A_94 = arith.constant 1 : i32
      %select_n3A_95 = arith.select %eq3A_93, %jit3A_94, %jit3A_91 : i32
      %rem3A = arith.remsi %scan3A_90, %select_n3A_95 : i32
      %ne3A = arith.constant 0 : i32
      %ne3A_96 = arith.cmpi ne, %rem3A, %ne3A : i32
      %lt3A = arith.constant 0 : i32
      %lt3A_97 = arith.cmpi slt, %rem3A, %lt3A : i32
      %lt3A_98 = arith.constant 0 : i32
      %lt3A_99 = arith.cmpi slt, %select_n3A_95, %lt3A_98 : i32
      %ne3A_100 = arith.xori %lt3A_97, %lt3A_99 : i1
      %and3A = arith.andi %ne3A_100, %ne3A_96 : i1
      %add3A_101 = arith.addi %rem3A, %select_n3A_95 : i32
      %select_n3A_102 = arith.select %and3A, %add3A_101, %rem3A : i32
      %add3A_103 = arith.constant 1 : i32
      %add3A_104 = arith.addi %scan3A_90, %add3A_103 : i32
      %lt3A_105 = arith.constant 125 : i32
      %lt3A_106 = arith.cmpi slt, %add3A_104, %lt3A_105 : i32
      %convert_element_type3A = arith.extui %lt3A_106 : i1 to i32
      %cond3A = arith.constant 0 : i32
      %cond3A_107 = arith.cmpi ne, %convert_element_type3A, %cond3A : i32
      scf.if %cond3A_107 {
        %add3A_147 = arith.constant 1 : i32
        %add3A_148 = arith.addi %scan3A_90, %add3A_147 : i32
        %sub3A = arith.constant 1 : i32
        %sub3A_149 = arith.subi %sub3A, %select_n3A_102 : i32
        %mul3A_150 = arith.constant 80 : i32
        %mul3A_151 = arith.muli %add3A_148, %mul3A_150 : i32
        %add3A_152 = arith.addi %mul3A_2, %mul3A_151 : i32
        %dma_start3A_153 = arith.constant 0 : i32
        %dma_start3A_154 = tpu.memref_slice %arg9[%sub3A_149, %dma_start3A_153] : memref<2x80xi32, #tpu.memory_space<vmem>> -> memref<1x80xi32, #tpu.memory_space<vmem>>
        %dma_start3A_155 = tpu.memref_squeeze %dma_start3A_154 : memref<1x80xi32, #tpu.memory_space<vmem>> -> memref<80xi32, #tpu.memory_space<vmem>>
        %dma_start3A_156 = tpu.memref_slice %arg4[%add3A_152] : memref<320000xi32, #tpu.memory_space<hbm>> -> memref<80xi32, #tpu.memory_space<hbm>>
        %dma_start3A_157 = arith.constant 0 : i32
        %dma_start3A_158 = tpu.memref_slice %arg9[%sub3A_149, %dma_start3A_157] : memref<2x80xi32, #tpu.memory_space<vmem>> -> memref<1x80xi32, #tpu.memory_space<vmem>>
        %dma_start3A_159 = tpu.memref_squeeze %dma_start3A_158 : memref<1x80xi32, #tpu.memory_space<vmem>> -> memref<80xi32, #tpu.memory_space<vmem>>
        %dma_start3A_160 = tpu.memref_slice %arg4[%add3A_152] : memref<320000xi32, #tpu.memory_space<hbm>> -> memref<80xi32, #tpu.memory_space<hbm>>
        tpu.enqueue_dma source(%dma_start3A_160 : memref<80xi32, #tpu.memory_space<hbm>>) target(%dma_start3A_159 : memref<80xi32, #tpu.memory_space<vmem>>) target_semaphore(%arg19 : memref<!tpu.dma_semaphore, #tpu.memory_space<semaphore_mem>>)
        %dma_start3A_161 = arith.constant 0 : i32
        %dma_start3A_162 = tpu.memref_slice %arg10[%sub3A_149, %dma_start3A_161] : memref<2x80xi32, #tpu.memory_space<vmem>> -> memref<1x80xi32, #tpu.memory_space<vmem>>
        %dma_start3A_163 = tpu.memref_squeeze %dma_start3A_162 : memref<1x80xi32, #tpu.memory_space<vmem>> -> memref<80xi32, #tpu.memory_space<vmem>>
        %dma_start3A_164 = tpu.memref_slice %arg5[%add3A_152] : memref<320000xi32, #tpu.memory_space<hbm>> -> memref<80xi32, #tpu.memory_space<hbm>>
        %dma_start3A_165 = arith.constant 0 : i32
        %dma_start3A_166 = tpu.memref_slice %arg10[%sub3A_149, %dma_start3A_165] : memref<2x80xi32, #tpu.memory_space<vmem>> -> memref<1x80xi32, #tpu.memory_space<vmem>>
        %dma_start3A_167 = tpu.memref_squeeze %dma_start3A_166 : memref<1x80xi32, #tpu.memory_space<vmem>> -> memref<80xi32, #tpu.memory_space<vmem>>
        %dma_start3A_168 = tpu.memref_slice %arg5[%add3A_152] : memref<320000xi32, #tpu.memory_space<hbm>> -> memref<80xi32, #tpu.memory_space<hbm>>
        tpu.enqueue_dma source(%dma_start3A_168 : memref<80xi32, #tpu.memory_space<hbm>>) target(%dma_start3A_167 : memref<80xi32, #tpu.memory_space<vmem>>) target_semaphore(%arg19 : memref<!tpu.dma_semaphore, #tpu.memory_space<semaphore_mem>>)
        %dma_start3A_169 = arith.constant 0 : i32
        %dma_start3A_170 = arith.constant 0 : i32
        %dma_start3A_171 = tpu.memref_slice %arg11[%sub3A_149, %dma_start3A_169, %dma_start3A_170] : memref<2x80x128xf32, #tpu.memory_space<vmem>> -> memref<1x80x128xf32, #tpu.memory_space<vmem>>
        %dma_start3A_172 = tpu.memref_squeeze %dma_start3A_171 : memref<1x80x128xf32, #tpu.memory_space<vmem>> -> memref<80x128xf32, #tpu.memory_space<vmem>>
        %dma_start3A_173 = arith.constant 0 : i32
        %dma_start3A_174 = tpu.memref_slice %arg2[%add3A_152, %dma_start3A_173] : memref<320000x128xf32, #tpu.memory_space<hbm>> -> memref<80x128xf32, #tpu.memory_space<hbm>>
        %dma_start3A_175 = arith.constant 0 : i32
        %dma_start3A_176 = arith.constant 0 : i32
        %dma_start3A_177 = tpu.memref_slice %arg11[%sub3A_149, %dma_start3A_175, %dma_start3A_176] : memref<2x80x128xf32, #tpu.memory_space<vmem>> -> memref<1x80x128xf32, #tpu.memory_space<vmem>>
        %dma_start3A_178 = tpu.memref_squeeze %dma_start3A_177 : memref<1x80x128xf32, #tpu.memory_space<vmem>> -> memref<80x128xf32, #tpu.memory_space<vmem>>
        %dma_start3A_179 = arith.constant 0 : i32
        %dma_start3A_180 = tpu.memref_slice %arg2[%add3A_152, %dma_start3A_179] : memref<320000x128xf32, #tpu.memory_space<hbm>> -> memref<80x128xf32, #tpu.memory_space<hbm>>
        tpu.enqueue_dma source(%dma_start3A_180 : memref<80x128xf32, #tpu.memory_space<hbm>>) target(%dma_start3A_178 : memref<80x128xf32, #tpu.memory_space<vmem>>) target_semaphore(%arg19 : memref<!tpu.dma_semaphore, #tpu.memory_space<semaphore_mem>>)
        %dma_start3A_181 = arith.constant 0 : i32
        %dma_start3A_182 = arith.constant 0 : i32
        %dma_start3A_183 = tpu.memref_slice %arg12[%sub3A_149, %dma_start3A_181, %dma_start3A_182] : memref<2x80x16xf32, #tpu.memory_space<vmem>> -> memref<1x80x16xf32, #tpu.memory_space<vmem>>
        %dma_start3A_184 = tpu.memref_squeeze %dma_start3A_183 : memref<1x80x16xf32, #tpu.memory_space<vmem>> -> memref<80x16xf32, #tpu.memory_space<vmem>>
        %dma_start3A_185 = arith.constant 0 : i32
        %dma_start3A_186 = tpu.memref_slice %arg3[%add3A_152, %dma_start3A_185] : memref<320000x16xf32, #tpu.memory_space<hbm>> -> memref<80x16xf32, #tpu.memory_space<hbm>>
        %dma_start3A_187 = arith.constant 0 : i32
        %dma_start3A_188 = arith.constant 0 : i32
        %dma_start3A_189 = tpu.memref_slice %arg12[%sub3A_149, %dma_start3A_187, %dma_start3A_188] : memref<2x80x16xf32, #tpu.memory_space<vmem>> -> memref<1x80x16xf32, #tpu.memory_space<vmem>>
        %dma_start3A_190 = tpu.memref_squeeze %dma_start3A_189 : memref<1x80x16xf32, #tpu.memory_space<vmem>> -> memref<80x16xf32, #tpu.memory_space<vmem>>
        %dma_start3A_191 = arith.constant 0 : i32
        %dma_start3A_192 = tpu.memref_slice %arg3[%add3A_152, %dma_start3A_191] : memref<320000x16xf32, #tpu.memory_space<hbm>> -> memref<80x16xf32, #tpu.memory_space<hbm>>
        tpu.enqueue_dma source(%dma_start3A_192 : memref<80x16xf32, #tpu.memory_space<hbm>>) target(%dma_start3A_190 : memref<80x16xf32, #tpu.memory_space<vmem>>) target_semaphore(%arg19 : memref<!tpu.dma_semaphore, #tpu.memory_space<semaphore_mem>>)
      } else {
      }
      %dma_wait3A = arith.constant 0 : i32
      %dma_wait3A_108 = tpu.memref_slice %arg9[%select_n3A_102, %dma_wait3A] : memref<2x80xi32, #tpu.memory_space<vmem>> -> memref<1x80xi32, #tpu.memory_space<vmem>>
      %dma_wait3A_109 = tpu.memref_squeeze %dma_wait3A_108 : memref<1x80xi32, #tpu.memory_space<vmem>> -> memref<80xi32, #tpu.memory_space<vmem>>
      %dma_wait3A_110 = tpu.memref_slice %arg4[%mul3A_2] : memref<320000xi32, #tpu.memory_space<hbm>> -> memref<80xi32, #tpu.memory_space<hbm>>
      %dma_wait3A_111 = arith.constant 0 : i32
      %dma_wait3A_112 = tpu.memref_slice %arg9[%select_n3A_102, %dma_wait3A_111] : memref<2x80xi32, #tpu.memory_space<vmem>> -> memref<1x80xi32, #tpu.memory_space<vmem>>
      %dma_wait3A_113 = tpu.memref_squeeze %dma_wait3A_112 : memref<1x80xi32, #tpu.memory_space<vmem>> -> memref<80xi32, #tpu.memory_space<vmem>>
      %dma_wait3A_114 = tpu.memref_slice %arg4[%mul3A_2] : memref<320000xi32, #tpu.memory_space<hbm>> -> memref<80xi32, #tpu.memory_space<hbm>>
      tpu.wait_dma2 semaphore(%arg19 : memref<!tpu.dma_semaphore, #tpu.memory_space<semaphore_mem>>) src(%dma_wait3A_114 : memref<80xi32, #tpu.memory_space<hbm>>) dst(%dma_wait3A_113 : memref<80xi32, #tpu.memory_space<vmem>>)
      %dma_wait3A_115 = arith.constant 0 : i32
      %dma_wait3A_116 = tpu.memref_slice %arg10[%select_n3A_102, %dma_wait3A_115] : memref<2x80xi32, #tpu.memory_space<vmem>> -> memref<1x80xi32, #tpu.memory_space<vmem>>
      %dma_wait3A_117 = tpu.memref_squeeze %dma_wait3A_116 : memref<1x80xi32, #tpu.memory_space<vmem>> -> memref<80xi32, #tpu.memory_space<vmem>>
      %dma_wait3A_118 = tpu.memref_slice %arg5[%mul3A_2] : memref<320000xi32, #tpu.memory_space<hbm>> -> memref<80xi32, #tpu.memory_space<hbm>>
      %dma_wait3A_119 = arith.constant 0 : i32
      %dma_wait3A_120 = tpu.memref_slice %arg10[%select_n3A_102, %dma_wait3A_119] : memref<2x80xi32, #tpu.memory_space<vmem>> -> memref<1x80xi32, #tpu.memory_space<vmem>>
      %dma_wait3A_121 = tpu.memref_squeeze %dma_wait3A_120 : memref<1x80xi32, #tpu.memory_space<vmem>> -> memref<80xi32, #tpu.memory_space<vmem>>
      %dma_wait3A_122 = tpu.memref_slice %arg5[%mul3A_2] : memref<320000xi32, #tpu.memory_space<hbm>> -> memref<80xi32, #tpu.memory_space<hbm>>
      tpu.wait_dma2 semaphore(%arg19 : memref<!tpu.dma_semaphore, #tpu.memory_space<semaphore_mem>>) src(%dma_wait3A_122 : memref<80xi32, #tpu.memory_space<hbm>>) dst(%dma_wait3A_121 : memref<80xi32, #tpu.memory_space<vmem>>)
      %dma_wait3A_123 = arith.constant 0 : i32
      %dma_wait3A_124 = arith.constant 0 : i32
      %dma_wait3A_125 = tpu.memref_slice %arg11[%select_n3A_102, %dma_wait3A_123, %dma_wait3A_124] : memref<2x80x128xf32, #tpu.memory_space<vmem>> -> memref<1x80x128xf32, #tpu.memory_space<vmem>>
      %dma_wait3A_126 = tpu.memref_squeeze %dma_wait3A_125 : memref<1x80x128xf32, #tpu.memory_space<vmem>> -> memref<80x128xf32, #tpu.memory_space<vmem>>
      %dma_wait3A_127 = arith.constant 0 : i32
      %dma_wait3A_128 = tpu.memref_slice %arg2[%mul3A_2, %dma_wait3A_127] : memref<320000x128xf32, #tpu.memory_space<hbm>> -> memref<80x128xf32, #tpu.memory_space<hbm>>
      %dma_wait3A_129 = arith.constant 0 : i32
      %dma_wait3A_130 = arith.constant 0 : i32
      %dma_wait3A_131 = tpu.memref_slice %arg11[%select_n3A_102, %dma_wait3A_129, %dma_wait3A_130] : memref<2x80x128xf32, #tpu.memory_space<vmem>> -> memref<1x80x128xf32, #tpu.memory_space<vmem>>
      %dma_wait3A_132 = tpu.memref_squeeze %dma_wait3A_131 : memref<1x80x128xf32, #tpu.memory_space<vmem>> -> memref<80x128xf32, #tpu.memory_space<vmem>>
      %dma_wait3A_133 = arith.constant 0 : i32
      %dma_wait3A_134 = tpu.memref_slice %arg2[%mul3A_2, %dma_wait3A_133] : memref<320000x128xf32, #tpu.memory_space<hbm>> -> memref<80x128xf32, #tpu.memory_space<hbm>>
      tpu.wait_dma2 semaphore(%arg19 : memref<!tpu.dma_semaphore, #tpu.memory_space<semaphore_mem>>) src(%dma_wait3A_134 : memref<80x128xf32, #tpu.memory_space<hbm>>) dst(%dma_wait3A_132 : memref<80x128xf32, #tpu.memory_space<vmem>>)
      %dma_wait3A_135 = arith.constant 0 : i32
      %dma_wait3A_136 = arith.constant 0 : i32
      %dma_wait3A_137 = tpu.memref_slice %arg12[%select_n3A_102, %dma_wait3A_135, %dma_wait3A_136] : memref<2x80x16xf32, #tpu.memory_space<vmem>> -> memref<1x80x16xf32, #tpu.memory_space<vmem>>
      %dma_wait3A_138 = tpu.memref_squeeze %dma_wait3A_137 : memref<1x80x16xf32, #tpu.memory_space<vmem>> -> memref<80x16xf32, #tpu.memory_space<vmem>>
      %dma_wait3A_139 = arith.constant 0 : i32
      %dma_wait3A_140 = tpu.memref_slice %arg3[%mul3A_2, %dma_wait3A_139] : memref<320000x16xf32, #tpu.memory_space<hbm>> -> memref<80x16xf32, #tpu.memory_space<hbm>>
      %dma_wait3A_141 = arith.constant 0 : i32
      %dma_wait3A_142 = arith.constant 0 : i32
      %dma_wait3A_143 = tpu.memref_slice %arg12[%select_n3A_102, %dma_wait3A_141, %dma_wait3A_142] : memref<2x80x16xf32, #tpu.memory_space<vmem>> -> memref<1x80x16xf32, #tpu.memory_space<vmem>>
      %dma_wait3A_144 = tpu.memref_squeeze %dma_wait3A_143 : memref<1x80x16xf32, #tpu.memory_space<vmem>> -> memref<80x16xf32, #tpu.memory_space<vmem>>
      %dma_wait3A_145 = arith.constant 0 : i32
      %dma_wait3A_146 = tpu.memref_slice %arg3[%mul3A_2, %dma_wait3A_145] : memref<320000x16xf32, #tpu.memory_space<hbm>> -> memref<80x16xf32, #tpu.memory_space<hbm>>
      tpu.wait_dma2 semaphore(%arg19 : memref<!tpu.dma_semaphore, #tpu.memory_space<semaphore_mem>>) src(%dma_wait3A_146 : memref<80x16xf32, #tpu.memory_space<hbm>>) dst(%dma_wait3A_144 : memref<80x16xf32, #tpu.memory_space<vmem>>)
      "tpu.region"() ({
        %run_scoped3A = tpu.sem_alloc : memref<!tpu.dma_semaphore, #tpu.memory_space<semaphore_mem>>
        %dma_start3A_147 = arith.constant 0 : i32
        %dma_start3A_148 = arith.constant 0 : i32
        %dma_start3A_149 = tpu.memref_slice %arg11[%select_n3A_102, %dma_start3A_147, %dma_start3A_148] : memref<2x80x128xf32, #tpu.memory_space<vmem>> -> memref<1x80x128xf32, #tpu.memory_space<vmem>>
        %dma_start3A_150 = tpu.memref_squeeze %dma_start3A_149 : memref<1x80x128xf32, #tpu.memory_space<vmem>> -> memref<80x128xf32, #tpu.memory_space<vmem>>
        %dma_start3A_151 = arith.constant 0 : i32
        %dma_start3A_152 = tpu.memref_slice %arg9[%select_n3A_102, %dma_start3A_151] : memref<2x80xi32, #tpu.memory_space<vmem>> -> memref<1x80xi32, #tpu.memory_space<vmem>>
        %dma_start3A_153 = tpu.memref_squeeze %dma_start3A_152 : memref<1x80xi32, #tpu.memory_space<vmem>> -> memref<80xi32, #tpu.memory_space<vmem>>
        %dma_start3A_154 = arith.constant 0 : i32
        %dma_start3A_155 = arith.constant 0 : i32
        %dma_start3A_156 = tpu.memref_slice %arg16[%dma_start3A_154, %dma_start3A_155] : memref<10000x128xf32, #tpu.memory_space<vmem_shared>> -> memref<10000x128xf32, #tpu.memory_space<vmem_shared>>
        tpu.enqueue_indirect_dma source(%dma_start3A_150 : memref<80x128xf32, #tpu.memory_space<vmem>>) target(%dma_start3A_156 : memref<10000x128xf32, #tpu.memory_space<vmem_shared>>) offsets(%dma_start3A_153 : memref<80xi32, #tpu.memory_space<vmem>>) semaphore(%run_scoped3A : memref<!tpu.dma_semaphore, #tpu.memory_space<semaphore_mem>>) {add = true}
        %dma_wait3A_157 = arith.constant 0 : i32
        %dma_wait3A_158 = arith.constant 0 : i32
        %dma_wait3A_159 = tpu.memref_slice %arg11[%select_n3A_102, %dma_wait3A_157, %dma_wait3A_158] : memref<2x80x128xf32, #tpu.memory_space<vmem>> -> memref<1x80x128xf32, #tpu.memory_space<vmem>>
        %dma_wait3A_160 = tpu.memref_squeeze %dma_wait3A_159 : memref<1x80x128xf32, #tpu.memory_space<vmem>> -> memref<80x128xf32, #tpu.memory_space<vmem>>
        %dma_wait3A_161 = arith.constant 0 : i32
        %dma_wait3A_162 = tpu.memref_slice %arg9[%select_n3A_102, %dma_wait3A_161] : memref<2x80xi32, #tpu.memory_space<vmem>> -> memref<1x80xi32, #tpu.memory_space<vmem>>
        %dma_wait3A_163 = tpu.memref_squeeze %dma_wait3A_162 : memref<1x80xi32, #tpu.memory_space<vmem>> -> memref<80xi32, #tpu.memory_space<vmem>>
        %dma_wait3A_164 = arith.constant 0 : i32
        %dma_wait3A_165 = arith.constant 0 : i32
        %dma_wait3A_166 = tpu.memref_slice %arg16[%dma_wait3A_164, %dma_wait3A_165] : memref<10000x128xf32, #tpu.memory_space<vmem_shared>> -> memref<10000x128xf32, #tpu.memory_space<vmem_shared>>
        tpu.wait_indirect_dma semaphore(%run_scoped3A : memref<!tpu.dma_semaphore, #tpu.memory_space<semaphore_mem>>) src(%dma_wait3A_160 : memref<80x128xf32, #tpu.memory_space<vmem>>) dst(%dma_wait3A_166 : memref<10000x128xf32, #tpu.memory_space<vmem_shared>>)
        tpu.yield
      }) : () -> ()
      "tpu.region"() ({
        %run_scoped3A = tpu.sem_alloc : memref<!tpu.dma_semaphore, #tpu.memory_space<semaphore_mem>>
        %dma_start3A_147 = arith.constant 0 : i32
        %dma_start3A_148 = tpu.memref_slice %arg9[%select_n3A_102, %dma_start3A_147] : memref<2x80xi32, #tpu.memory_space<vmem>> -> memref<1x80xi32, #tpu.memory_space<vmem>>
        %dma_start3A_149 = tpu.memref_squeeze %dma_start3A_148 : memref<1x80xi32, #tpu.memory_space<vmem>> -> memref<80xi32, #tpu.memory_space<vmem>>
        %dma_start3A_150 = arith.constant 0 : i32
        %dma_start3A_151 = arith.constant 0 : i32
        %dma_start3A_152 = tpu.memref_slice %arg17[%dma_start3A_150, %dma_start3A_151] : memref<10000x16xf32, #tpu.memory_space<vmem_shared>> -> memref<10000x16xf32, #tpu.memory_space<vmem_shared>>
        tpu.enqueue_indirect_dma source(%arg13 : memref<80x16xf32, #tpu.memory_space<vmem>>) target(%dma_start3A_152 : memref<10000x16xf32, #tpu.memory_space<vmem_shared>>) offsets(%dma_start3A_149 : memref<80xi32, #tpu.memory_space<vmem>>) semaphore(%run_scoped3A : memref<!tpu.dma_semaphore, #tpu.memory_space<semaphore_mem>>) {add = true}
        %dma_wait3A_153 = arith.constant 0 : i32
        %dma_wait3A_154 = tpu.memref_slice %arg9[%select_n3A_102, %dma_wait3A_153] : memref<2x80xi32, #tpu.memory_space<vmem>> -> memref<1x80xi32, #tpu.memory_space<vmem>>
        %dma_wait3A_155 = tpu.memref_squeeze %dma_wait3A_154 : memref<1x80xi32, #tpu.memory_space<vmem>> -> memref<80xi32, #tpu.memory_space<vmem>>
        %dma_wait3A_156 = arith.constant 0 : i32
        %dma_wait3A_157 = arith.constant 0 : i32
        %dma_wait3A_158 = tpu.memref_slice %arg17[%dma_wait3A_156, %dma_wait3A_157] : memref<10000x16xf32, #tpu.memory_space<vmem_shared>> -> memref<10000x16xf32, #tpu.memory_space<vmem_shared>>
        tpu.wait_indirect_dma semaphore(%run_scoped3A : memref<!tpu.dma_semaphore, #tpu.memory_space<semaphore_mem>>) src(%arg13 : memref<80x16xf32, #tpu.memory_space<vmem>>) dst(%dma_wait3A_158 : memref<10000x16xf32, #tpu.memory_space<vmem_shared>>)
        tpu.yield
      }) : () -> ()
      "tpu.region"() ({
        %run_scoped3A = tpu.sem_alloc : memref<!tpu.dma_semaphore, #tpu.memory_space<semaphore_mem>>
        %dma_start3A_147 = arith.constant 0 : i32
        %dma_start3A_148 = arith.constant 0 : i32
        %dma_start3A_149 = tpu.memref_slice %arg12[%select_n3A_102, %dma_start3A_147, %dma_start3A_148] : memref<2x80x16xf32, #tpu.memory_space<vmem>> -> memref<1x80x16xf32, #tpu.memory_space<vmem>>
        %dma_start3A_150 = tpu.memref_squeeze %dma_start3A_149 : memref<1x80x16xf32, #tpu.memory_space<vmem>> -> memref<80x16xf32, #tpu.memory_space<vmem>>
        %dma_start3A_151 = arith.constant 0 : i32
        %dma_start3A_152 = tpu.memref_slice %arg10[%select_n3A_102, %dma_start3A_151] : memref<2x80xi32, #tpu.memory_space<vmem>> -> memref<1x80xi32, #tpu.memory_space<vmem>>
        %dma_start3A_153 = tpu.memref_squeeze %dma_start3A_152 : memref<1x80xi32, #tpu.memory_space<vmem>> -> memref<80xi32, #tpu.memory_space<vmem>>
        %dma_start3A_154 = arith.constant 0 : i32
        %dma_start3A_155 = arith.constant 0 : i32
        %dma_start3A_156 = tpu.memref_slice %arg18[%dma_start3A_154, %dma_start3A_155] : memref<10000x16xf32, #tpu.memory_space<vmem_shared>> -> memref<10000x16xf32, #tpu.memory_space<vmem_shared>>
        tpu.enqueue_indirect_dma source(%dma_start3A_150 : memref<80x16xf32, #tpu.memory_space<vmem>>) target(%dma_start3A_156 : memref<10000x16xf32, #tpu.memory_space<vmem_shared>>) offsets(%dma_start3A_153 : memref<80xi32, #tpu.memory_space<vmem>>) semaphore(%run_scoped3A : memref<!tpu.dma_semaphore, #tpu.memory_space<semaphore_mem>>) {add = true}
        %dma_wait3A_157 = arith.constant 0 : i32
        %dma_wait3A_158 = arith.constant 0 : i32
        %dma_wait3A_159 = tpu.memref_slice %arg12[%select_n3A_102, %dma_wait3A_157, %dma_wait3A_158] : memref<2x80x16xf32, #tpu.memory_space<vmem>> -> memref<1x80x16xf32, #tpu.memory_space<vmem>>
        %dma_wait3A_160 = tpu.memref_squeeze %dma_wait3A_159 : memref<1x80x16xf32, #tpu.memory_space<vmem>> -> memref<80x16xf32, #tpu.memory_space<vmem>>
        %dma_wait3A_161 = arith.constant 0 : i32
        %dma_wait3A_162 = tpu.memref_slice %arg10[%select_n3A_102, %dma_wait3A_161] : memref<2x80xi32, #tpu.memory_space<vmem>> -> memref<1x80xi32, #tpu.memory_space<vmem>>
        %dma_wait3A_163 = tpu.memref_squeeze %dma_wait3A_162 : memref<1x80xi32, #tpu.memory_space<vmem>> -> memref<80xi32, #tpu.memory_space<vmem>>
        %dma_wait3A_164 = arith.constant 0 : i32
        %dma_wait3A_165 = arith.constant 0 : i32
        %dma_wait3A_166 = tpu.memref_slice %arg18[%dma_wait3A_164, %dma_wait3A_165] : memref<10000x16xf32, #tpu.memory_space<vmem_shared>> -> memref<10000x16xf32, #tpu.memory_space<vmem_shared>>
        tpu.wait_indirect_dma semaphore(%run_scoped3A : memref<!tpu.dma_semaphore, #tpu.memory_space<semaphore_mem>>) src(%dma_wait3A_160 : memref<80x16xf32, #tpu.memory_space<vmem>>) dst(%dma_wait3A_166 : memref<10000x16xf32, #tpu.memory_space<vmem_shared>>)
        tpu.yield
      }) : () -> ()
    }
    %scan3A_82 = arith.constant 125 : i32
    %barrier3A_83 = arith.constant 0 : index
    tpu.barrier barrier_id(%barrier3A_83)
    %scan3A_84 = arith.constant 0 : i32
    %scan3A_85 = arith.constant 0 : i32
    %scan3A_86 = arith.constant 25 : i32
    %scan3A_87 = arith.addi %scan3A_85, %scan3A_86 : i32
    %scan3A_88 = arith.constant 1 : i32
    scf.for %scan3A_90 = %scan3A_85 to %scan3A_87 step %scan3A_88  : i32 {
      %mul3A_91 = arith.constant 25 : i32
      %mul3A_92 = arith.muli %scan3A_90, %mul3A_91 : i32
      %add3A_93 = arith.addi %mul3A_4, %mul3A_92 : i32
      "tpu.region"() ({
        %run_scoped3A = tpu.sem_alloc : memref<!tpu.dma_semaphore, #tpu.memory_space<semaphore_mem>>
        %dma_start3A_103 = arith.constant 0 : i32
        %dma_start3A_104 = tpu.memref_slice %arg16[%add3A_93, %dma_start3A_103] : memref<10000x128xf32, #tpu.memory_space<vmem_shared>> -> memref<25x128xf32, #tpu.memory_space<vmem_shared>>
        %dma_start3A_105 = arith.constant 0 : i32
        %dma_start3A_106 = tpu.memref_slice %arg16[%add3A_93, %dma_start3A_105] : memref<10000x128xf32, #tpu.memory_space<vmem_shared>> -> memref<25x128xf32, #tpu.memory_space<vmem_shared>>
        tpu.enqueue_dma source(%dma_start3A_106 : memref<25x128xf32, #tpu.memory_space<vmem_shared>>) target(%arg14 : memref<25x128xf32, #tpu.memory_space<vmem>>) target_semaphore(%run_scoped3A : memref<!tpu.dma_semaphore, #tpu.memory_space<semaphore_mem>>)
        %dma_wait3A = arith.constant 0 : i32
        %dma_wait3A_107 = tpu.memref_slice %arg16[%add3A_93, %dma_wait3A] : memref<10000x128xf32, #tpu.memory_space<vmem_shared>> -> memref<25x128xf32, #tpu.memory_space<vmem_shared>>
        %dma_wait3A_108 = arith.constant 0 : i32
        %dma_wait3A_109 = tpu.memref_slice %arg16[%add3A_93, %dma_wait3A_108] : memref<10000x128xf32, #tpu.memory_space<vmem_shared>> -> memref<25x128xf32, #tpu.memory_space<vmem_shared>>
        tpu.wait_dma2 semaphore(%run_scoped3A : memref<!tpu.dma_semaphore, #tpu.memory_space<semaphore_mem>>) src(%dma_wait3A_109 : memref<25x128xf32, #tpu.memory_space<vmem_shared>>) dst(%arg14 : memref<25x128xf32, #tpu.memory_space<vmem>>)
        tpu.yield
      }) : () -> ()
      %mul3A_94 = arith.constant 10000 : i32
      %mul3A_95 = arith.muli %arg0, %mul3A_94 : i32
      %add3A_96 = arith.addi %mul3A_95, %add3A_93 : i32
      "tpu.region"() ({
        %run_scoped3A = tpu.sem_alloc : memref<!tpu.dma_semaphore, #tpu.memory_space<semaphore_mem>>
        %dma_start3A_103 = arith.constant 0 : i32
        %dma_start3A_104 = tpu.memref_slice %arg6[%add3A_96, %dma_start3A_103] : memref<20000x128xf32, #tpu.memory_space<hbm>> -> memref<25x128xf32, #tpu.memory_space<hbm>>
        %dma_start3A_105 = arith.constant 0 : i32
        %dma_start3A_106 = tpu.memref_slice %arg6[%add3A_96, %dma_start3A_105] : memref<20000x128xf32, #tpu.memory_space<hbm>> -> memref<25x128xf32, #tpu.memory_space<hbm>>
        tpu.enqueue_dma source(%arg14 : memref<25x128xf32, #tpu.memory_space<vmem>>) target(%dma_start3A_106 : memref<25x128xf32, #tpu.memory_space<hbm>>) target_semaphore(%run_scoped3A : memref<!tpu.dma_semaphore, #tpu.memory_space<semaphore_mem>>)
        %dma_wait3A = arith.constant 0 : i32
        %dma_wait3A_107 = tpu.memref_slice %arg6[%add3A_96, %dma_wait3A] : memref<20000x128xf32, #tpu.memory_space<hbm>> -> memref<25x128xf32, #tpu.memory_space<hbm>>
        %dma_wait3A_108 = arith.constant 0 : i32
        %dma_wait3A_109 = tpu.memref_slice %arg6[%add3A_96, %dma_wait3A_108] : memref<20000x128xf32, #tpu.memory_space<hbm>> -> memref<25x128xf32, #tpu.memory_space<hbm>>
        tpu.wait_dma2 semaphore(%run_scoped3A : memref<!tpu.dma_semaphore, #tpu.memory_space<semaphore_mem>>) src(%arg14 : memref<25x128xf32, #tpu.memory_space<vmem>>) dst(%dma_wait3A_109 : memref<25x128xf32, #tpu.memory_space<hbm>>)
        tpu.yield
      }) : () -> ()
      "tpu.region"() ({
        %run_scoped3A = tpu.sem_alloc : memref<!tpu.dma_semaphore, #tpu.memory_space<semaphore_mem>>
        %dma_start3A_103 = arith.constant 0 : i32
        %dma_start3A_104 = tpu.memref_slice %arg17[%add3A_93, %dma_start3A_103] : memref<10000x16xf32, #tpu.memory_space<vmem_shared>> -> memref<25x16xf32, #tpu.memory_space<vmem_shared>>
        %dma_start3A_105 = arith.constant 0 : i32
        %dma_start3A_106 = tpu.memref_slice %arg17[%add3A_93, %dma_start3A_105] : memref<10000x16xf32, #tpu.memory_space<vmem_shared>> -> memref<25x16xf32, #tpu.memory_space<vmem_shared>>
        tpu.enqueue_dma source(%dma_start3A_106 : memref<25x16xf32, #tpu.memory_space<vmem_shared>>) target(%arg15 : memref<25x16xf32, #tpu.memory_space<vmem>>) target_semaphore(%run_scoped3A : memref<!tpu.dma_semaphore, #tpu.memory_space<semaphore_mem>>)
        %dma_wait3A = arith.constant 0 : i32
        %dma_wait3A_107 = tpu.memref_slice %arg17[%add3A_93, %dma_wait3A] : memref<10000x16xf32, #tpu.memory_space<vmem_shared>> -> memref<25x16xf32, #tpu.memory_space<vmem_shared>>
        %dma_wait3A_108 = arith.constant 0 : i32
        %dma_wait3A_109 = tpu.memref_slice %arg17[%add3A_93, %dma_wait3A_108] : memref<10000x16xf32, #tpu.memory_space<vmem_shared>> -> memref<25x16xf32, #tpu.memory_space<vmem_shared>>
        tpu.wait_dma2 semaphore(%run_scoped3A : memref<!tpu.dma_semaphore, #tpu.memory_space<semaphore_mem>>) src(%dma_wait3A_109 : memref<25x16xf32, #tpu.memory_space<vmem_shared>>) dst(%arg15 : memref<25x16xf32, #tpu.memory_space<vmem>>)
        tpu.yield
      }) : () -> ()
      %mul3A_97 = arith.constant 10000 : i32
      %mul3A_98 = arith.muli %arg0, %mul3A_97 : i32
      %add3A_99 = arith.addi %mul3A_98, %add3A_93 : i32
      "tpu.region"() ({
        %run_scoped3A = tpu.sem_alloc : memref<!tpu.dma_semaphore, #tpu.memory_space<semaphore_mem>>
        %dma_start3A_103 = arith.constant 0 : i32
        %dma_start3A_104 = tpu.memref_slice %arg7[%add3A_99, %dma_start3A_103] : memref<20000x16xf32, #tpu.memory_space<hbm>> -> memref<25x16xf32, #tpu.memory_space<hbm>>
        %dma_start3A_105 = arith.constant 0 : i32
        %dma_start3A_106 = tpu.memref_slice %arg7[%add3A_99, %dma_start3A_105] : memref<20000x16xf32, #tpu.memory_space<hbm>> -> memref<25x16xf32, #tpu.memory_space<hbm>>
        tpu.enqueue_dma source(%arg15 : memref<25x16xf32, #tpu.memory_space<vmem>>) target(%dma_start3A_106 : memref<25x16xf32, #tpu.memory_space<hbm>>) target_semaphore(%run_scoped3A : memref<!tpu.dma_semaphore, #tpu.memory_space<semaphore_mem>>)
        %dma_wait3A = arith.constant 0 : i32
        %dma_wait3A_107 = tpu.memref_slice %arg7[%add3A_99, %dma_wait3A] : memref<20000x16xf32, #tpu.memory_space<hbm>> -> memref<25x16xf32, #tpu.memory_space<hbm>>
        %dma_wait3A_108 = arith.constant 0 : i32
        %dma_wait3A_109 = tpu.memref_slice %arg7[%add3A_99, %dma_wait3A_108] : memref<20000x16xf32, #tpu.memory_space<hbm>> -> memref<25x16xf32, #tpu.memory_space<hbm>>
        tpu.wait_dma2 semaphore(%run_scoped3A : memref<!tpu.dma_semaphore, #tpu.memory_space<semaphore_mem>>) src(%arg15 : memref<25x16xf32, #tpu.memory_space<vmem>>) dst(%dma_wait3A_109 : memref<25x16xf32, #tpu.memory_space<hbm>>)
        tpu.yield
      }) : () -> ()
      "tpu.region"() ({
        %run_scoped3A = tpu.sem_alloc : memref<!tpu.dma_semaphore, #tpu.memory_space<semaphore_mem>>
        %dma_start3A_103 = arith.constant 0 : i32
        %dma_start3A_104 = tpu.memref_slice %arg18[%add3A_93, %dma_start3A_103] : memref<10000x16xf32, #tpu.memory_space<vmem_shared>> -> memref<25x16xf32, #tpu.memory_space<vmem_shared>>
        %dma_start3A_105 = arith.constant 0 : i32
        %dma_start3A_106 = tpu.memref_slice %arg18[%add3A_93, %dma_start3A_105] : memref<10000x16xf32, #tpu.memory_space<vmem_shared>> -> memref<25x16xf32, #tpu.memory_space<vmem_shared>>
        tpu.enqueue_dma source(%dma_start3A_106 : memref<25x16xf32, #tpu.memory_space<vmem_shared>>) target(%arg15 : memref<25x16xf32, #tpu.memory_space<vmem>>) target_semaphore(%run_scoped3A : memref<!tpu.dma_semaphore, #tpu.memory_space<semaphore_mem>>)
        %dma_wait3A = arith.constant 0 : i32
        %dma_wait3A_107 = tpu.memref_slice %arg18[%add3A_93, %dma_wait3A] : memref<10000x16xf32, #tpu.memory_space<vmem_shared>> -> memref<25x16xf32, #tpu.memory_space<vmem_shared>>
        %dma_wait3A_108 = arith.constant 0 : i32
        %dma_wait3A_109 = tpu.memref_slice %arg18[%add3A_93, %dma_wait3A_108] : memref<10000x16xf32, #tpu.memory_space<vmem_shared>> -> memref<25x16xf32, #tpu.memory_space<vmem_shared>>
        tpu.wait_dma2 semaphore(%run_scoped3A : memref<!tpu.dma_semaphore, #tpu.memory_space<semaphore_mem>>) src(%dma_wait3A_109 : memref<25x16xf32, #tpu.memory_space<vmem_shared>>) dst(%arg15 : memref<25x16xf32, #tpu.memory_space<vmem>>)
        tpu.yield
      }) : () -> ()
      %mul3A_100 = arith.constant 10000 : i32
      %mul3A_101 = arith.muli %arg0, %mul3A_100 : i32
      %add3A_102 = arith.addi %mul3A_101, %add3A_93 : i32
      "tpu.region"() ({
        %run_scoped3A = tpu.sem_alloc : memref<!tpu.dma_semaphore, #tpu.memory_space<semaphore_mem>>
        %dma_start3A_103 = arith.constant 0 : i32
        %dma_start3A_104 = tpu.memref_slice %arg8[%add3A_102, %dma_start3A_103] : memref<20000x16xf32, #tpu.memory_space<hbm>> -> memref<25x16xf32, #tpu.memory_space<hbm>>
        %dma_start3A_105 = arith.constant 0 : i32
        %dma_start3A_106 = tpu.memref_slice %arg8[%add3A_102, %dma_start3A_105] : memref<20000x16xf32, #tpu.memory_space<hbm>> -> memref<25x16xf32, #tpu.memory_space<hbm>>
        tpu.enqueue_dma source(%arg15 : memref<25x16xf32, #tpu.memory_space<vmem>>) target(%dma_start3A_106 : memref<25x16xf32, #tpu.memory_space<hbm>>) target_semaphore(%run_scoped3A : memref<!tpu.dma_semaphore, #tpu.memory_space<semaphore_mem>>)
        %dma_wait3A = arith.constant 0 : i32
        %dma_wait3A_107 = tpu.memref_slice %arg8[%add3A_102, %dma_wait3A] : memref<20000x16xf32, #tpu.memory_space<hbm>> -> memref<25x16xf32, #tpu.memory_space<hbm>>
        %dma_wait3A_108 = arith.constant 0 : i32
        %dma_wait3A_109 = tpu.memref_slice %arg8[%add3A_102, %dma_wait3A_108] : memref<20000x16xf32, #tpu.memory_space<hbm>> -> memref<25x16xf32, #tpu.memory_space<hbm>>
        tpu.wait_dma2 semaphore(%run_scoped3A : memref<!tpu.dma_semaphore, #tpu.memory_space<semaphore_mem>>) src(%arg15 : memref<25x16xf32, #tpu.memory_space<vmem>>) dst(%dma_wait3A_109 : memref<25x16xf32, #tpu.memory_space<hbm>>)
        tpu.yield
      }) : () -> ()
    }
    %scan3A_89 = arith.constant 25 : i32
    return
  }
}

#map = affine_map<(d0, d1) -> (0, 0)>
#map1 = affine_map<(d0, d1) -> (0)>
module attributes {stable_mosaic.version = 14 : i64} {
  func.func @gather_kernel(%arg0: i32, %arg1: i32, %arg2: memref<10000x128xf32, #tpu.memory_space<hbm>>, %arg3: memref<10000x128xf32, #tpu.memory_space<hbm>>, %arg4: memref<10000x16xf32, #tpu.memory_space<hbm>>, %arg5: memref<320000xi32, #tpu.memory_space<hbm>>, %arg6: memref<320000xi32, #tpu.memory_space<hbm>>, %arg7: memref<320000x128xf32, #tpu.memory_space<hbm>>, %arg8: memref<320000x128xf32, #tpu.memory_space<hbm>>, %arg9: memref<320000x16xf32, #tpu.memory_space<hbm>>, %arg10: memref<320000x16xf32, #tpu.memory_space<hbm>>, %arg11: memref<400xi32, #tpu.memory_space<vmem>>, %arg12: memref<400xi32, #tpu.memory_space<vmem>>, %arg13: memref<400x128xf32, #tpu.memory_space<vmem>>, %arg14: memref<400x128xf32, #tpu.memory_space<vmem>>, %arg15: memref<400x16xf32, #tpu.memory_space<vmem>>, %arg16: memref<400x16xf32, #tpu.memory_space<vmem>>, %arg17: memref<!tpu.dma_semaphore, #tpu.memory_space<semaphore_mem>>) attributes {dimension_semantics = [#tpu.dimension_semantics<core_parallel>, #tpu.dimension_semantics<subcore_parallel>], iteration_bounds = array<i64: 2, 16>, scalar_prefetch = 0 : i64, scratch_operands = 7 : i64, tpu.core_type = #tpu.core_type<sc_vector_subcore>, window_params = [{transform_indices = #map}, {transform_indices = #map}, {transform_indices = #map}, {transform_indices = #map1}, {transform_indices = #map1}, {transform_indices = #map}, {transform_indices = #map}, {transform_indices = #map}, {transform_indices = #map}]} {
    %mul3A = arith.constant 2 : i32
    %mul3A_0 = arith.muli %arg1, %mul3A : i32
    %add3A = arith.addi %mul3A_0, %arg0 : i32
    %mul3A_1 = arith.constant 10000 : i32
    %mul3A_2 = arith.muli %add3A, %mul3A_1 : i32
    %scan3A = arith.constant 0 : i32
    %scan3A_3 = arith.constant 0 : i32
    %scan3A_4 = arith.constant 25 : i32
    %scan3A_5 = arith.addi %scan3A_3, %scan3A_4 : i32
    %scan3A_6 = arith.constant 1 : i32
    scf.for %scan3A_8 = %scan3A_3 to %scan3A_5 step %scan3A_6  : i32 {
      %mul3A_9 = arith.constant 400 : i32
      %mul3A_10 = arith.muli %scan3A_8, %mul3A_9 : i32
      %add3A_11 = arith.addi %mul3A_2, %mul3A_10 : i32
      "tpu.region"() ({
        %run_scoped3A = tpu.sem_alloc : memref<!tpu.dma_semaphore, #tpu.memory_space<semaphore_mem>>
        %dma_start3A_330 = tpu.memref_slice %arg5[%add3A_11] : memref<320000xi32, #tpu.memory_space<hbm>> -> memref<400xi32, #tpu.memory_space<hbm>>
        %dma_start3A_331 = tpu.memref_slice %arg5[%add3A_11] : memref<320000xi32, #tpu.memory_space<hbm>> -> memref<400xi32, #tpu.memory_space<hbm>>
        tpu.enqueue_dma source(%dma_start3A_331 : memref<400xi32, #tpu.memory_space<hbm>>) target(%arg11 : memref<400xi32, #tpu.memory_space<vmem>>) target_semaphore(%run_scoped3A : memref<!tpu.dma_semaphore, #tpu.memory_space<semaphore_mem>>)
        %dma_wait3A_332 = tpu.memref_slice %arg5[%add3A_11] : memref<320000xi32, #tpu.memory_space<hbm>> -> memref<400xi32, #tpu.memory_space<hbm>>
        %dma_wait3A_333 = tpu.memref_slice %arg5[%add3A_11] : memref<320000xi32, #tpu.memory_space<hbm>> -> memref<400xi32, #tpu.memory_space<hbm>>
        tpu.wait_dma2 semaphore(%run_scoped3A : memref<!tpu.dma_semaphore, #tpu.memory_space<semaphore_mem>>) src(%dma_wait3A_333 : memref<400xi32, #tpu.memory_space<hbm>>) dst(%arg11 : memref<400xi32, #tpu.memory_space<vmem>>)
        tpu.yield
      }) : () -> ()
      "tpu.region"() ({
        %run_scoped3A = tpu.sem_alloc : memref<!tpu.dma_semaphore, #tpu.memory_space<semaphore_mem>>
        %dma_start3A_330 = tpu.memref_slice %arg6[%add3A_11] : memref<320000xi32, #tpu.memory_space<hbm>> -> memref<400xi32, #tpu.memory_space<hbm>>
        %dma_start3A_331 = tpu.memref_slice %arg6[%add3A_11] : memref<320000xi32, #tpu.memory_space<hbm>> -> memref<400xi32, #tpu.memory_space<hbm>>
        tpu.enqueue_dma source(%dma_start3A_331 : memref<400xi32, #tpu.memory_space<hbm>>) target(%arg12 : memref<400xi32, #tpu.memory_space<vmem>>) target_semaphore(%run_scoped3A : memref<!tpu.dma_semaphore, #tpu.memory_space<semaphore_mem>>)
        %dma_wait3A_332 = tpu.memref_slice %arg6[%add3A_11] : memref<320000xi32, #tpu.memory_space<hbm>> -> memref<400xi32, #tpu.memory_space<hbm>>
        %dma_wait3A_333 = tpu.memref_slice %arg6[%add3A_11] : memref<320000xi32, #tpu.memory_space<hbm>> -> memref<400xi32, #tpu.memory_space<hbm>>
        tpu.wait_dma2 semaphore(%run_scoped3A : memref<!tpu.dma_semaphore, #tpu.memory_space<semaphore_mem>>) src(%dma_wait3A_333 : memref<400xi32, #tpu.memory_space<hbm>>) dst(%arg12 : memref<400xi32, #tpu.memory_space<vmem>>)
        tpu.yield
      }) : () -> ()
      %dma_start3A = arith.constant 0 : i32
      %dma_start3A_12 = arith.constant 0 : i32
      %dma_start3A_13 = tpu.memref_slice %arg13[%dma_start3A, %dma_start3A_12] : memref<400x128xf32, #tpu.memory_space<vmem>> -> memref<80x128xf32, #tpu.memory_space<vmem>>
      %dma_start3A_14 = arith.constant 0 : i32
      %dma_start3A_15 = tpu.memref_slice %arg11[%dma_start3A_14] : memref<400xi32, #tpu.memory_space<vmem>> -> memref<80xi32, #tpu.memory_space<vmem>>
      %dma_start3A_16 = arith.constant 0 : i32
      %dma_start3A_17 = arith.constant 0 : i32
      %dma_start3A_18 = tpu.memref_slice %arg2[%dma_start3A_16, %dma_start3A_17] : memref<10000x128xf32, #tpu.memory_space<hbm>> -> memref<10000x128xf32, #tpu.memory_space<hbm>>
      tpu.enqueue_indirect_dma source(%dma_start3A_18 : memref<10000x128xf32, #tpu.memory_space<hbm>>) target(%dma_start3A_13 : memref<80x128xf32, #tpu.memory_space<vmem>>) offsets(%dma_start3A_15 : memref<80xi32, #tpu.memory_space<vmem>>) semaphore(%arg17 : memref<!tpu.dma_semaphore, #tpu.memory_space<semaphore_mem>>)
      %dma_start3A_19 = arith.constant 0 : i32
      %dma_start3A_20 = arith.constant 0 : i32
      %dma_start3A_21 = tpu.memref_slice %arg14[%dma_start3A_19, %dma_start3A_20] : memref<400x128xf32, #tpu.memory_space<vmem>> -> memref<80x128xf32, #tpu.memory_space<vmem>>
      %dma_start3A_22 = arith.constant 0 : i32
      %dma_start3A_23 = tpu.memref_slice %arg12[%dma_start3A_22] : memref<400xi32, #tpu.memory_space<vmem>> -> memref<80xi32, #tpu.memory_space<vmem>>
      %dma_start3A_24 = arith.constant 0 : i32
      %dma_start3A_25 = arith.constant 0 : i32
      %dma_start3A_26 = tpu.memref_slice %arg3[%dma_start3A_24, %dma_start3A_25] : memref<10000x128xf32, #tpu.memory_space<hbm>> -> memref<10000x128xf32, #tpu.memory_space<hbm>>
      tpu.enqueue_indirect_dma source(%dma_start3A_26 : memref<10000x128xf32, #tpu.memory_space<hbm>>) target(%dma_start3A_21 : memref<80x128xf32, #tpu.memory_space<vmem>>) offsets(%dma_start3A_23 : memref<80xi32, #tpu.memory_space<vmem>>) semaphore(%arg17 : memref<!tpu.dma_semaphore, #tpu.memory_space<semaphore_mem>>)
      %dma_start3A_27 = arith.constant 0 : i32
      %dma_start3A_28 = arith.constant 0 : i32
      %dma_start3A_29 = tpu.memref_slice %arg15[%dma_start3A_27, %dma_start3A_28] : memref<400x16xf32, #tpu.memory_space<vmem>> -> memref<80x16xf32, #tpu.memory_space<vmem>>
      %dma_start3A_30 = arith.constant 0 : i32
      %dma_start3A_31 = tpu.memref_slice %arg11[%dma_start3A_30] : memref<400xi32, #tpu.memory_space<vmem>> -> memref<80xi32, #tpu.memory_space<vmem>>
      %dma_start3A_32 = arith.constant 0 : i32
      %dma_start3A_33 = arith.constant 0 : i32
      %dma_start3A_34 = tpu.memref_slice %arg4[%dma_start3A_32, %dma_start3A_33] : memref<10000x16xf32, #tpu.memory_space<hbm>> -> memref<10000x16xf32, #tpu.memory_space<hbm>>
      tpu.enqueue_indirect_dma source(%dma_start3A_34 : memref<10000x16xf32, #tpu.memory_space<hbm>>) target(%dma_start3A_29 : memref<80x16xf32, #tpu.memory_space<vmem>>) offsets(%dma_start3A_31 : memref<80xi32, #tpu.memory_space<vmem>>) semaphore(%arg17 : memref<!tpu.dma_semaphore, #tpu.memory_space<semaphore_mem>>)
      %dma_start3A_35 = arith.constant 0 : i32
      %dma_start3A_36 = arith.constant 0 : i32
      %dma_start3A_37 = tpu.memref_slice %arg16[%dma_start3A_35, %dma_start3A_36] : memref<400x16xf32, #tpu.memory_space<vmem>> -> memref<80x16xf32, #tpu.memory_space<vmem>>
      %dma_start3A_38 = arith.constant 0 : i32
      %dma_start3A_39 = tpu.memref_slice %arg12[%dma_start3A_38] : memref<400xi32, #tpu.memory_space<vmem>> -> memref<80xi32, #tpu.memory_space<vmem>>
      %dma_start3A_40 = arith.constant 0 : i32
      %dma_start3A_41 = arith.constant 0 : i32
      %dma_start3A_42 = tpu.memref_slice %arg4[%dma_start3A_40, %dma_start3A_41] : memref<10000x16xf32, #tpu.memory_space<hbm>> -> memref<10000x16xf32, #tpu.memory_space<hbm>>
      tpu.enqueue_indirect_dma source(%dma_start3A_42 : memref<10000x16xf32, #tpu.memory_space<hbm>>) target(%dma_start3A_37 : memref<80x16xf32, #tpu.memory_space<vmem>>) offsets(%dma_start3A_39 : memref<80xi32, #tpu.memory_space<vmem>>) semaphore(%arg17 : memref<!tpu.dma_semaphore, #tpu.memory_space<semaphore_mem>>)
      %dma_start3A_43 = arith.constant 80 : i32
      %dma_start3A_44 = arith.constant 0 : i32
      %dma_start3A_45 = tpu.memref_slice %arg13[%dma_start3A_43, %dma_start3A_44] : memref<400x128xf32, #tpu.memory_space<vmem>> -> memref<80x128xf32, #tpu.memory_space<vmem>>
      %dma_start3A_46 = arith.constant 80 : i32
      %dma_start3A_47 = tpu.memref_slice %arg11[%dma_start3A_46] : memref<400xi32, #tpu.memory_space<vmem>> -> memref<80xi32, #tpu.memory_space<vmem>>
      %dma_start3A_48 = arith.constant 0 : i32
      %dma_start3A_49 = arith.constant 0 : i32
      %dma_start3A_50 = tpu.memref_slice %arg2[%dma_start3A_48, %dma_start3A_49] : memref<10000x128xf32, #tpu.memory_space<hbm>> -> memref<10000x128xf32, #tpu.memory_space<hbm>>
      tpu.enqueue_indirect_dma source(%dma_start3A_50 : memref<10000x128xf32, #tpu.memory_space<hbm>>) target(%dma_start3A_45 : memref<80x128xf32, #tpu.memory_space<vmem>>) offsets(%dma_start3A_47 : memref<80xi32, #tpu.memory_space<vmem>>) semaphore(%arg17 : memref<!tpu.dma_semaphore, #tpu.memory_space<semaphore_mem>>)
      %dma_start3A_51 = arith.constant 80 : i32
      %dma_start3A_52 = arith.constant 0 : i32
      %dma_start3A_53 = tpu.memref_slice %arg14[%dma_start3A_51, %dma_start3A_52] : memref<400x128xf32, #tpu.memory_space<vmem>> -> memref<80x128xf32, #tpu.memory_space<vmem>>
      %dma_start3A_54 = arith.constant 80 : i32
      %dma_start3A_55 = tpu.memref_slice %arg12[%dma_start3A_54] : memref<400xi32, #tpu.memory_space<vmem>> -> memref<80xi32, #tpu.memory_space<vmem>>
      %dma_start3A_56 = arith.constant 0 : i32
      %dma_start3A_57 = arith.constant 0 : i32
      %dma_start3A_58 = tpu.memref_slice %arg3[%dma_start3A_56, %dma_start3A_57] : memref<10000x128xf32, #tpu.memory_space<hbm>> -> memref<10000x128xf32, #tpu.memory_space<hbm>>
      tpu.enqueue_indirect_dma source(%dma_start3A_58 : memref<10000x128xf32, #tpu.memory_space<hbm>>) target(%dma_start3A_53 : memref<80x128xf32, #tpu.memory_space<vmem>>) offsets(%dma_start3A_55 : memref<80xi32, #tpu.memory_space<vmem>>) semaphore(%arg17 : memref<!tpu.dma_semaphore, #tpu.memory_space<semaphore_mem>>)
      %dma_start3A_59 = arith.constant 80 : i32
      %dma_start3A_60 = arith.constant 0 : i32
      %dma_start3A_61 = tpu.memref_slice %arg15[%dma_start3A_59, %dma_start3A_60] : memref<400x16xf32, #tpu.memory_space<vmem>> -> memref<80x16xf32, #tpu.memory_space<vmem>>
      %dma_start3A_62 = arith.constant 80 : i32
      %dma_start3A_63 = tpu.memref_slice %arg11[%dma_start3A_62] : memref<400xi32, #tpu.memory_space<vmem>> -> memref<80xi32, #tpu.memory_space<vmem>>
      %dma_start3A_64 = arith.constant 0 : i32
      %dma_start3A_65 = arith.constant 0 : i32
      %dma_start3A_66 = tpu.memref_slice %arg4[%dma_start3A_64, %dma_start3A_65] : memref<10000x16xf32, #tpu.memory_space<hbm>> -> memref<10000x16xf32, #tpu.memory_space<hbm>>
      tpu.enqueue_indirect_dma source(%dma_start3A_66 : memref<10000x16xf32, #tpu.memory_space<hbm>>) target(%dma_start3A_61 : memref<80x16xf32, #tpu.memory_space<vmem>>) offsets(%dma_start3A_63 : memref<80xi32, #tpu.memory_space<vmem>>) semaphore(%arg17 : memref<!tpu.dma_semaphore, #tpu.memory_space<semaphore_mem>>)
      %dma_start3A_67 = arith.constant 80 : i32
      %dma_start3A_68 = arith.constant 0 : i32
      %dma_start3A_69 = tpu.memref_slice %arg16[%dma_start3A_67, %dma_start3A_68] : memref<400x16xf32, #tpu.memory_space<vmem>> -> memref<80x16xf32, #tpu.memory_space<vmem>>
      %dma_start3A_70 = arith.constant 80 : i32
      %dma_start3A_71 = tpu.memref_slice %arg12[%dma_start3A_70] : memref<400xi32, #tpu.memory_space<vmem>> -> memref<80xi32, #tpu.memory_space<vmem>>
      %dma_start3A_72 = arith.constant 0 : i32
      %dma_start3A_73 = arith.constant 0 : i32
      %dma_start3A_74 = tpu.memref_slice %arg4[%dma_start3A_72, %dma_start3A_73] : memref<10000x16xf32, #tpu.memory_space<hbm>> -> memref<10000x16xf32, #tpu.memory_space<hbm>>
      tpu.enqueue_indirect_dma source(%dma_start3A_74 : memref<10000x16xf32, #tpu.memory_space<hbm>>) target(%dma_start3A_69 : memref<80x16xf32, #tpu.memory_space<vmem>>) offsets(%dma_start3A_71 : memref<80xi32, #tpu.memory_space<vmem>>) semaphore(%arg17 : memref<!tpu.dma_semaphore, #tpu.memory_space<semaphore_mem>>)
      %dma_start3A_75 = arith.constant 160 : i32
      %dma_start3A_76 = arith.constant 0 : i32
      %dma_start3A_77 = tpu.memref_slice %arg13[%dma_start3A_75, %dma_start3A_76] : memref<400x128xf32, #tpu.memory_space<vmem>> -> memref<80x128xf32, #tpu.memory_space<vmem>>
      %dma_start3A_78 = arith.constant 160 : i32
      %dma_start3A_79 = tpu.memref_slice %arg11[%dma_start3A_78] : memref<400xi32, #tpu.memory_space<vmem>> -> memref<80xi32, #tpu.memory_space<vmem>>
      %dma_start3A_80 = arith.constant 0 : i32
      %dma_start3A_81 = arith.constant 0 : i32
      %dma_start3A_82 = tpu.memref_slice %arg2[%dma_start3A_80, %dma_start3A_81] : memref<10000x128xf32, #tpu.memory_space<hbm>> -> memref<10000x128xf32, #tpu.memory_space<hbm>>
      tpu.enqueue_indirect_dma source(%dma_start3A_82 : memref<10000x128xf32, #tpu.memory_space<hbm>>) target(%dma_start3A_77 : memref<80x128xf32, #tpu.memory_space<vmem>>) offsets(%dma_start3A_79 : memref<80xi32, #tpu.memory_space<vmem>>) semaphore(%arg17 : memref<!tpu.dma_semaphore, #tpu.memory_space<semaphore_mem>>)
      %dma_start3A_83 = arith.constant 160 : i32
      %dma_start3A_84 = arith.constant 0 : i32
      %dma_start3A_85 = tpu.memref_slice %arg14[%dma_start3A_83, %dma_start3A_84] : memref<400x128xf32, #tpu.memory_space<vmem>> -> memref<80x128xf32, #tpu.memory_space<vmem>>
      %dma_start3A_86 = arith.constant 160 : i32
      %dma_start3A_87 = tpu.memref_slice %arg12[%dma_start3A_86] : memref<400xi32, #tpu.memory_space<vmem>> -> memref<80xi32, #tpu.memory_space<vmem>>
      %dma_start3A_88 = arith.constant 0 : i32
      %dma_start3A_89 = arith.constant 0 : i32
      %dma_start3A_90 = tpu.memref_slice %arg3[%dma_start3A_88, %dma_start3A_89] : memref<10000x128xf32, #tpu.memory_space<hbm>> -> memref<10000x128xf32, #tpu.memory_space<hbm>>
      tpu.enqueue_indirect_dma source(%dma_start3A_90 : memref<10000x128xf32, #tpu.memory_space<hbm>>) target(%dma_start3A_85 : memref<80x128xf32, #tpu.memory_space<vmem>>) offsets(%dma_start3A_87 : memref<80xi32, #tpu.memory_space<vmem>>) semaphore(%arg17 : memref<!tpu.dma_semaphore, #tpu.memory_space<semaphore_mem>>)
      %dma_start3A_91 = arith.constant 160 : i32
      %dma_start3A_92 = arith.constant 0 : i32
      %dma_start3A_93 = tpu.memref_slice %arg15[%dma_start3A_91, %dma_start3A_92] : memref<400x16xf32, #tpu.memory_space<vmem>> -> memref<80x16xf32, #tpu.memory_space<vmem>>
      %dma_start3A_94 = arith.constant 160 : i32
      %dma_start3A_95 = tpu.memref_slice %arg11[%dma_start3A_94] : memref<400xi32, #tpu.memory_space<vmem>> -> memref<80xi32, #tpu.memory_space<vmem>>
      %dma_start3A_96 = arith.constant 0 : i32
      %dma_start3A_97 = arith.constant 0 : i32
      %dma_start3A_98 = tpu.memref_slice %arg4[%dma_start3A_96, %dma_start3A_97] : memref<10000x16xf32, #tpu.memory_space<hbm>> -> memref<10000x16xf32, #tpu.memory_space<hbm>>
      tpu.enqueue_indirect_dma source(%dma_start3A_98 : memref<10000x16xf32, #tpu.memory_space<hbm>>) target(%dma_start3A_93 : memref<80x16xf32, #tpu.memory_space<vmem>>) offsets(%dma_start3A_95 : memref<80xi32, #tpu.memory_space<vmem>>) semaphore(%arg17 : memref<!tpu.dma_semaphore, #tpu.memory_space<semaphore_mem>>)
      %dma_start3A_99 = arith.constant 160 : i32
      %dma_start3A_100 = arith.constant 0 : i32
      %dma_start3A_101 = tpu.memref_slice %arg16[%dma_start3A_99, %dma_start3A_100] : memref<400x16xf32, #tpu.memory_space<vmem>> -> memref<80x16xf32, #tpu.memory_space<vmem>>
      %dma_start3A_102 = arith.constant 160 : i32
      %dma_start3A_103 = tpu.memref_slice %arg12[%dma_start3A_102] : memref<400xi32, #tpu.memory_space<vmem>> -> memref<80xi32, #tpu.memory_space<vmem>>
      %dma_start3A_104 = arith.constant 0 : i32
      %dma_start3A_105 = arith.constant 0 : i32
      %dma_start3A_106 = tpu.memref_slice %arg4[%dma_start3A_104, %dma_start3A_105] : memref<10000x16xf32, #tpu.memory_space<hbm>> -> memref<10000x16xf32, #tpu.memory_space<hbm>>
      tpu.enqueue_indirect_dma source(%dma_start3A_106 : memref<10000x16xf32, #tpu.memory_space<hbm>>) target(%dma_start3A_101 : memref<80x16xf32, #tpu.memory_space<vmem>>) offsets(%dma_start3A_103 : memref<80xi32, #tpu.memory_space<vmem>>) semaphore(%arg17 : memref<!tpu.dma_semaphore, #tpu.memory_space<semaphore_mem>>)
      %dma_start3A_107 = arith.constant 240 : i32
      %dma_start3A_108 = arith.constant 0 : i32
      %dma_start3A_109 = tpu.memref_slice %arg13[%dma_start3A_107, %dma_start3A_108] : memref<400x128xf32, #tpu.memory_space<vmem>> -> memref<80x128xf32, #tpu.memory_space<vmem>>
      %dma_start3A_110 = arith.constant 240 : i32
      %dma_start3A_111 = tpu.memref_slice %arg11[%dma_start3A_110] : memref<400xi32, #tpu.memory_space<vmem>> -> memref<80xi32, #tpu.memory_space<vmem>>
      %dma_start3A_112 = arith.constant 0 : i32
      %dma_start3A_113 = arith.constant 0 : i32
      %dma_start3A_114 = tpu.memref_slice %arg2[%dma_start3A_112, %dma_start3A_113] : memref<10000x128xf32, #tpu.memory_space<hbm>> -> memref<10000x128xf32, #tpu.memory_space<hbm>>
      tpu.enqueue_indirect_dma source(%dma_start3A_114 : memref<10000x128xf32, #tpu.memory_space<hbm>>) target(%dma_start3A_109 : memref<80x128xf32, #tpu.memory_space<vmem>>) offsets(%dma_start3A_111 : memref<80xi32, #tpu.memory_space<vmem>>) semaphore(%arg17 : memref<!tpu.dma_semaphore, #tpu.memory_space<semaphore_mem>>)
      %dma_start3A_115 = arith.constant 240 : i32
      %dma_start3A_116 = arith.constant 0 : i32
      %dma_start3A_117 = tpu.memref_slice %arg14[%dma_start3A_115, %dma_start3A_116] : memref<400x128xf32, #tpu.memory_space<vmem>> -> memref<80x128xf32, #tpu.memory_space<vmem>>
      %dma_start3A_118 = arith.constant 240 : i32
      %dma_start3A_119 = tpu.memref_slice %arg12[%dma_start3A_118] : memref<400xi32, #tpu.memory_space<vmem>> -> memref<80xi32, #tpu.memory_space<vmem>>
      %dma_start3A_120 = arith.constant 0 : i32
      %dma_start3A_121 = arith.constant 0 : i32
      %dma_start3A_122 = tpu.memref_slice %arg3[%dma_start3A_120, %dma_start3A_121] : memref<10000x128xf32, #tpu.memory_space<hbm>> -> memref<10000x128xf32, #tpu.memory_space<hbm>>
      tpu.enqueue_indirect_dma source(%dma_start3A_122 : memref<10000x128xf32, #tpu.memory_space<hbm>>) target(%dma_start3A_117 : memref<80x128xf32, #tpu.memory_space<vmem>>) offsets(%dma_start3A_119 : memref<80xi32, #tpu.memory_space<vmem>>) semaphore(%arg17 : memref<!tpu.dma_semaphore, #tpu.memory_space<semaphore_mem>>)
      %dma_start3A_123 = arith.constant 240 : i32
      %dma_start3A_124 = arith.constant 0 : i32
      %dma_start3A_125 = tpu.memref_slice %arg15[%dma_start3A_123, %dma_start3A_124] : memref<400x16xf32, #tpu.memory_space<vmem>> -> memref<80x16xf32, #tpu.memory_space<vmem>>
      %dma_start3A_126 = arith.constant 240 : i32
      %dma_start3A_127 = tpu.memref_slice %arg11[%dma_start3A_126] : memref<400xi32, #tpu.memory_space<vmem>> -> memref<80xi32, #tpu.memory_space<vmem>>
      %dma_start3A_128 = arith.constant 0 : i32
      %dma_start3A_129 = arith.constant 0 : i32
      %dma_start3A_130 = tpu.memref_slice %arg4[%dma_start3A_128, %dma_start3A_129] : memref<10000x16xf32, #tpu.memory_space<hbm>> -> memref<10000x16xf32, #tpu.memory_space<hbm>>
      tpu.enqueue_indirect_dma source(%dma_start3A_130 : memref<10000x16xf32, #tpu.memory_space<hbm>>) target(%dma_start3A_125 : memref<80x16xf32, #tpu.memory_space<vmem>>) offsets(%dma_start3A_127 : memref<80xi32, #tpu.memory_space<vmem>>) semaphore(%arg17 : memref<!tpu.dma_semaphore, #tpu.memory_space<semaphore_mem>>)
      %dma_start3A_131 = arith.constant 240 : i32
      %dma_start3A_132 = arith.constant 0 : i32
      %dma_start3A_133 = tpu.memref_slice %arg16[%dma_start3A_131, %dma_start3A_132] : memref<400x16xf32, #tpu.memory_space<vmem>> -> memref<80x16xf32, #tpu.memory_space<vmem>>
      %dma_start3A_134 = arith.constant 240 : i32
      %dma_start3A_135 = tpu.memref_slice %arg12[%dma_start3A_134] : memref<400xi32, #tpu.memory_space<vmem>> -> memref<80xi32, #tpu.memory_space<vmem>>
      %dma_start3A_136 = arith.constant 0 : i32
      %dma_start3A_137 = arith.constant 0 : i32
      %dma_start3A_138 = tpu.memref_slice %arg4[%dma_start3A_136, %dma_start3A_137] : memref<10000x16xf32, #tpu.memory_space<hbm>> -> memref<10000x16xf32, #tpu.memory_space<hbm>>
      tpu.enqueue_indirect_dma source(%dma_start3A_138 : memref<10000x16xf32, #tpu.memory_space<hbm>>) target(%dma_start3A_133 : memref<80x16xf32, #tpu.memory_space<vmem>>) offsets(%dma_start3A_135 : memref<80xi32, #tpu.memory_space<vmem>>) semaphore(%arg17 : memref<!tpu.dma_semaphore, #tpu.memory_space<semaphore_mem>>)
      %dma_start3A_139 = arith.constant 320 : i32
      %dma_start3A_140 = arith.constant 0 : i32
      %dma_start3A_141 = tpu.memref_slice %arg13[%dma_start3A_139, %dma_start3A_140] : memref<400x128xf32, #tpu.memory_space<vmem>> -> memref<80x128xf32, #tpu.memory_space<vmem>>
      %dma_start3A_142 = arith.constant 320 : i32
      %dma_start3A_143 = tpu.memref_slice %arg11[%dma_start3A_142] : memref<400xi32, #tpu.memory_space<vmem>> -> memref<80xi32, #tpu.memory_space<vmem>>
      %dma_start3A_144 = arith.constant 0 : i32
      %dma_start3A_145 = arith.constant 0 : i32
      %dma_start3A_146 = tpu.memref_slice %arg2[%dma_start3A_144, %dma_start3A_145] : memref<10000x128xf32, #tpu.memory_space<hbm>> -> memref<10000x128xf32, #tpu.memory_space<hbm>>
      tpu.enqueue_indirect_dma source(%dma_start3A_146 : memref<10000x128xf32, #tpu.memory_space<hbm>>) target(%dma_start3A_141 : memref<80x128xf32, #tpu.memory_space<vmem>>) offsets(%dma_start3A_143 : memref<80xi32, #tpu.memory_space<vmem>>) semaphore(%arg17 : memref<!tpu.dma_semaphore, #tpu.memory_space<semaphore_mem>>)
      %dma_start3A_147 = arith.constant 320 : i32
      %dma_start3A_148 = arith.constant 0 : i32
      %dma_start3A_149 = tpu.memref_slice %arg14[%dma_start3A_147, %dma_start3A_148] : memref<400x128xf32, #tpu.memory_space<vmem>> -> memref<80x128xf32, #tpu.memory_space<vmem>>
      %dma_start3A_150 = arith.constant 320 : i32
      %dma_start3A_151 = tpu.memref_slice %arg12[%dma_start3A_150] : memref<400xi32, #tpu.memory_space<vmem>> -> memref<80xi32, #tpu.memory_space<vmem>>
      %dma_start3A_152 = arith.constant 0 : i32
      %dma_start3A_153 = arith.constant 0 : i32
      %dma_start3A_154 = tpu.memref_slice %arg3[%dma_start3A_152, %dma_start3A_153] : memref<10000x128xf32, #tpu.memory_space<hbm>> -> memref<10000x128xf32, #tpu.memory_space<hbm>>
      tpu.enqueue_indirect_dma source(%dma_start3A_154 : memref<10000x128xf32, #tpu.memory_space<hbm>>) target(%dma_start3A_149 : memref<80x128xf32, #tpu.memory_space<vmem>>) offsets(%dma_start3A_151 : memref<80xi32, #tpu.memory_space<vmem>>) semaphore(%arg17 : memref<!tpu.dma_semaphore, #tpu.memory_space<semaphore_mem>>)
      %dma_start3A_155 = arith.constant 320 : i32
      %dma_start3A_156 = arith.constant 0 : i32
      %dma_start3A_157 = tpu.memref_slice %arg15[%dma_start3A_155, %dma_start3A_156] : memref<400x16xf32, #tpu.memory_space<vmem>> -> memref<80x16xf32, #tpu.memory_space<vmem>>
      %dma_start3A_158 = arith.constant 320 : i32
      %dma_start3A_159 = tpu.memref_slice %arg11[%dma_start3A_158] : memref<400xi32, #tpu.memory_space<vmem>> -> memref<80xi32, #tpu.memory_space<vmem>>
      %dma_start3A_160 = arith.constant 0 : i32
      %dma_start3A_161 = arith.constant 0 : i32
      %dma_start3A_162 = tpu.memref_slice %arg4[%dma_start3A_160, %dma_start3A_161] : memref<10000x16xf32, #tpu.memory_space<hbm>> -> memref<10000x16xf32, #tpu.memory_space<hbm>>
      tpu.enqueue_indirect_dma source(%dma_start3A_162 : memref<10000x16xf32, #tpu.memory_space<hbm>>) target(%dma_start3A_157 : memref<80x16xf32, #tpu.memory_space<vmem>>) offsets(%dma_start3A_159 : memref<80xi32, #tpu.memory_space<vmem>>) semaphore(%arg17 : memref<!tpu.dma_semaphore, #tpu.memory_space<semaphore_mem>>)
      %dma_start3A_163 = arith.constant 320 : i32
      %dma_start3A_164 = arith.constant 0 : i32
      %dma_start3A_165 = tpu.memref_slice %arg16[%dma_start3A_163, %dma_start3A_164] : memref<400x16xf32, #tpu.memory_space<vmem>> -> memref<80x16xf32, #tpu.memory_space<vmem>>
      %dma_start3A_166 = arith.constant 320 : i32
      %dma_start3A_167 = tpu.memref_slice %arg12[%dma_start3A_166] : memref<400xi32, #tpu.memory_space<vmem>> -> memref<80xi32, #tpu.memory_space<vmem>>
      %dma_start3A_168 = arith.constant 0 : i32
      %dma_start3A_169 = arith.constant 0 : i32
      %dma_start3A_170 = tpu.memref_slice %arg4[%dma_start3A_168, %dma_start3A_169] : memref<10000x16xf32, #tpu.memory_space<hbm>> -> memref<10000x16xf32, #tpu.memory_space<hbm>>
      tpu.enqueue_indirect_dma source(%dma_start3A_170 : memref<10000x16xf32, #tpu.memory_space<hbm>>) target(%dma_start3A_165 : memref<80x16xf32, #tpu.memory_space<vmem>>) offsets(%dma_start3A_167 : memref<80xi32, #tpu.memory_space<vmem>>) semaphore(%arg17 : memref<!tpu.dma_semaphore, #tpu.memory_space<semaphore_mem>>)
      %dma_wait3A = arith.constant 0 : i32
      %dma_wait3A_171 = arith.constant 0 : i32
      %dma_wait3A_172 = tpu.memref_slice %arg13[%dma_wait3A, %dma_wait3A_171] : memref<400x128xf32, #tpu.memory_space<vmem>> -> memref<80x128xf32, #tpu.memory_space<vmem>>
      %dma_wait3A_173 = arith.constant 0 : i32
      %dma_wait3A_174 = tpu.memref_slice %arg11[%dma_wait3A_173] : memref<400xi32, #tpu.memory_space<vmem>> -> memref<80xi32, #tpu.memory_space<vmem>>
      %dma_wait3A_175 = arith.constant 0 : i32
      %dma_wait3A_176 = arith.constant 0 : i32
      %dma_wait3A_177 = tpu.memref_slice %arg2[%dma_wait3A_175, %dma_wait3A_176] : memref<10000x128xf32, #tpu.memory_space<hbm>> -> memref<10000x128xf32, #tpu.memory_space<hbm>>
      tpu.wait_indirect_dma semaphore(%arg17 : memref<!tpu.dma_semaphore, #tpu.memory_space<semaphore_mem>>) src(%dma_wait3A_177 : memref<10000x128xf32, #tpu.memory_space<hbm>>) dst(%dma_wait3A_172 : memref<80x128xf32, #tpu.memory_space<vmem>>)
      %dma_wait3A_178 = arith.constant 0 : i32
      %dma_wait3A_179 = arith.constant 0 : i32
      %dma_wait3A_180 = tpu.memref_slice %arg14[%dma_wait3A_178, %dma_wait3A_179] : memref<400x128xf32, #tpu.memory_space<vmem>> -> memref<80x128xf32, #tpu.memory_space<vmem>>
      %dma_wait3A_181 = arith.constant 0 : i32
      %dma_wait3A_182 = tpu.memref_slice %arg12[%dma_wait3A_181] : memref<400xi32, #tpu.memory_space<vmem>> -> memref<80xi32, #tpu.memory_space<vmem>>
      %dma_wait3A_183 = arith.constant 0 : i32
      %dma_wait3A_184 = arith.constant 0 : i32
      %dma_wait3A_185 = tpu.memref_slice %arg3[%dma_wait3A_183, %dma_wait3A_184] : memref<10000x128xf32, #tpu.memory_space<hbm>> -> memref<10000x128xf32, #tpu.memory_space<hbm>>
      tpu.wait_indirect_dma semaphore(%arg17 : memref<!tpu.dma_semaphore, #tpu.memory_space<semaphore_mem>>) src(%dma_wait3A_185 : memref<10000x128xf32, #tpu.memory_space<hbm>>) dst(%dma_wait3A_180 : memref<80x128xf32, #tpu.memory_space<vmem>>)
      %dma_wait3A_186 = arith.constant 0 : i32
      %dma_wait3A_187 = arith.constant 0 : i32
      %dma_wait3A_188 = tpu.memref_slice %arg15[%dma_wait3A_186, %dma_wait3A_187] : memref<400x16xf32, #tpu.memory_space<vmem>> -> memref<80x16xf32, #tpu.memory_space<vmem>>
      %dma_wait3A_189 = arith.constant 0 : i32
      %dma_wait3A_190 = tpu.memref_slice %arg11[%dma_wait3A_189] : memref<400xi32, #tpu.memory_space<vmem>> -> memref<80xi32, #tpu.memory_space<vmem>>
      %dma_wait3A_191 = arith.constant 0 : i32
      %dma_wait3A_192 = arith.constant 0 : i32
      %dma_wait3A_193 = tpu.memref_slice %arg4[%dma_wait3A_191, %dma_wait3A_192] : memref<10000x16xf32, #tpu.memory_space<hbm>> -> memref<10000x16xf32, #tpu.memory_space<hbm>>
      tpu.wait_indirect_dma semaphore(%arg17 : memref<!tpu.dma_semaphore, #tpu.memory_space<semaphore_mem>>) src(%dma_wait3A_193 : memref<10000x16xf32, #tpu.memory_space<hbm>>) dst(%dma_wait3A_188 : memref<80x16xf32, #tpu.memory_space<vmem>>)
      %dma_wait3A_194 = arith.constant 0 : i32
      %dma_wait3A_195 = arith.constant 0 : i32
      %dma_wait3A_196 = tpu.memref_slice %arg16[%dma_wait3A_194, %dma_wait3A_195] : memref<400x16xf32, #tpu.memory_space<vmem>> -> memref<80x16xf32, #tpu.memory_space<vmem>>
      %dma_wait3A_197 = arith.constant 0 : i32
      %dma_wait3A_198 = tpu.memref_slice %arg12[%dma_wait3A_197] : memref<400xi32, #tpu.memory_space<vmem>> -> memref<80xi32, #tpu.memory_space<vmem>>
      %dma_wait3A_199 = arith.constant 0 : i32
      %dma_wait3A_200 = arith.constant 0 : i32
      %dma_wait3A_201 = tpu.memref_slice %arg4[%dma_wait3A_199, %dma_wait3A_200] : memref<10000x16xf32, #tpu.memory_space<hbm>> -> memref<10000x16xf32, #tpu.memory_space<hbm>>
      tpu.wait_indirect_dma semaphore(%arg17 : memref<!tpu.dma_semaphore, #tpu.memory_space<semaphore_mem>>) src(%dma_wait3A_201 : memref<10000x16xf32, #tpu.memory_space<hbm>>) dst(%dma_wait3A_196 : memref<80x16xf32, #tpu.memory_space<vmem>>)
      %dma_wait3A_202 = arith.constant 80 : i32
      %dma_wait3A_203 = arith.constant 0 : i32
      %dma_wait3A_204 = tpu.memref_slice %arg13[%dma_wait3A_202, %dma_wait3A_203] : memref<400x128xf32, #tpu.memory_space<vmem>> -> memref<80x128xf32, #tpu.memory_space<vmem>>
      %dma_wait3A_205 = arith.constant 80 : i32
      %dma_wait3A_206 = tpu.memref_slice %arg11[%dma_wait3A_205] : memref<400xi32, #tpu.memory_space<vmem>> -> memref<80xi32, #tpu.memory_space<vmem>>
      %dma_wait3A_207 = arith.constant 0 : i32
      %dma_wait3A_208 = arith.constant 0 : i32
      %dma_wait3A_209 = tpu.memref_slice %arg2[%dma_wait3A_207, %dma_wait3A_208] : memref<10000x128xf32, #tpu.memory_space<hbm>> -> memref<10000x128xf32, #tpu.memory_space<hbm>>
      tpu.wait_indirect_dma semaphore(%arg17 : memref<!tpu.dma_semaphore, #tpu.memory_space<semaphore_mem>>) src(%dma_wait3A_209 : memref<10000x128xf32, #tpu.memory_space<hbm>>) dst(%dma_wait3A_204 : memref<80x128xf32, #tpu.memory_space<vmem>>)
      %dma_wait3A_210 = arith.constant 80 : i32
      %dma_wait3A_211 = arith.constant 0 : i32
      %dma_wait3A_212 = tpu.memref_slice %arg14[%dma_wait3A_210, %dma_wait3A_211] : memref<400x128xf32, #tpu.memory_space<vmem>> -> memref<80x128xf32, #tpu.memory_space<vmem>>
      %dma_wait3A_213 = arith.constant 80 : i32
      %dma_wait3A_214 = tpu.memref_slice %arg12[%dma_wait3A_213] : memref<400xi32, #tpu.memory_space<vmem>> -> memref<80xi32, #tpu.memory_space<vmem>>
      %dma_wait3A_215 = arith.constant 0 : i32
      %dma_wait3A_216 = arith.constant 0 : i32
      %dma_wait3A_217 = tpu.memref_slice %arg3[%dma_wait3A_215, %dma_wait3A_216] : memref<10000x128xf32, #tpu.memory_space<hbm>> -> memref<10000x128xf32, #tpu.memory_space<hbm>>
      tpu.wait_indirect_dma semaphore(%arg17 : memref<!tpu.dma_semaphore, #tpu.memory_space<semaphore_mem>>) src(%dma_wait3A_217 : memref<10000x128xf32, #tpu.memory_space<hbm>>) dst(%dma_wait3A_212 : memref<80x128xf32, #tpu.memory_space<vmem>>)
      %dma_wait3A_218 = arith.constant 80 : i32
      %dma_wait3A_219 = arith.constant 0 : i32
      %dma_wait3A_220 = tpu.memref_slice %arg15[%dma_wait3A_218, %dma_wait3A_219] : memref<400x16xf32, #tpu.memory_space<vmem>> -> memref<80x16xf32, #tpu.memory_space<vmem>>
      %dma_wait3A_221 = arith.constant 80 : i32
      %dma_wait3A_222 = tpu.memref_slice %arg11[%dma_wait3A_221] : memref<400xi32, #tpu.memory_space<vmem>> -> memref<80xi32, #tpu.memory_space<vmem>>
      %dma_wait3A_223 = arith.constant 0 : i32
      %dma_wait3A_224 = arith.constant 0 : i32
      %dma_wait3A_225 = tpu.memref_slice %arg4[%dma_wait3A_223, %dma_wait3A_224] : memref<10000x16xf32, #tpu.memory_space<hbm>> -> memref<10000x16xf32, #tpu.memory_space<hbm>>
      tpu.wait_indirect_dma semaphore(%arg17 : memref<!tpu.dma_semaphore, #tpu.memory_space<semaphore_mem>>) src(%dma_wait3A_225 : memref<10000x16xf32, #tpu.memory_space<hbm>>) dst(%dma_wait3A_220 : memref<80x16xf32, #tpu.memory_space<vmem>>)
      %dma_wait3A_226 = arith.constant 80 : i32
      %dma_wait3A_227 = arith.constant 0 : i32
      %dma_wait3A_228 = tpu.memref_slice %arg16[%dma_wait3A_226, %dma_wait3A_227] : memref<400x16xf32, #tpu.memory_space<vmem>> -> memref<80x16xf32, #tpu.memory_space<vmem>>
      %dma_wait3A_229 = arith.constant 80 : i32
      %dma_wait3A_230 = tpu.memref_slice %arg12[%dma_wait3A_229] : memref<400xi32, #tpu.memory_space<vmem>> -> memref<80xi32, #tpu.memory_space<vmem>>
      %dma_wait3A_231 = arith.constant 0 : i32
      %dma_wait3A_232 = arith.constant 0 : i32
      %dma_wait3A_233 = tpu.memref_slice %arg4[%dma_wait3A_231, %dma_wait3A_232] : memref<10000x16xf32, #tpu.memory_space<hbm>> -> memref<10000x16xf32, #tpu.memory_space<hbm>>
      tpu.wait_indirect_dma semaphore(%arg17 : memref<!tpu.dma_semaphore, #tpu.memory_space<semaphore_mem>>) src(%dma_wait3A_233 : memref<10000x16xf32, #tpu.memory_space<hbm>>) dst(%dma_wait3A_228 : memref<80x16xf32, #tpu.memory_space<vmem>>)
      %dma_wait3A_234 = arith.constant 160 : i32
      %dma_wait3A_235 = arith.constant 0 : i32
      %dma_wait3A_236 = tpu.memref_slice %arg13[%dma_wait3A_234, %dma_wait3A_235] : memref<400x128xf32, #tpu.memory_space<vmem>> -> memref<80x128xf32, #tpu.memory_space<vmem>>
      %dma_wait3A_237 = arith.constant 160 : i32
      %dma_wait3A_238 = tpu.memref_slice %arg11[%dma_wait3A_237] : memref<400xi32, #tpu.memory_space<vmem>> -> memref<80xi32, #tpu.memory_space<vmem>>
      %dma_wait3A_239 = arith.constant 0 : i32
      %dma_wait3A_240 = arith.constant 0 : i32
      %dma_wait3A_241 = tpu.memref_slice %arg2[%dma_wait3A_239, %dma_wait3A_240] : memref<10000x128xf32, #tpu.memory_space<hbm>> -> memref<10000x128xf32, #tpu.memory_space<hbm>>
      tpu.wait_indirect_dma semaphore(%arg17 : memref<!tpu.dma_semaphore, #tpu.memory_space<semaphore_mem>>) src(%dma_wait3A_241 : memref<10000x128xf32, #tpu.memory_space<hbm>>) dst(%dma_wait3A_236 : memref<80x128xf32, #tpu.memory_space<vmem>>)
      %dma_wait3A_242 = arith.constant 160 : i32
      %dma_wait3A_243 = arith.constant 0 : i32
      %dma_wait3A_244 = tpu.memref_slice %arg14[%dma_wait3A_242, %dma_wait3A_243] : memref<400x128xf32, #tpu.memory_space<vmem>> -> memref<80x128xf32, #tpu.memory_space<vmem>>
      %dma_wait3A_245 = arith.constant 160 : i32
      %dma_wait3A_246 = tpu.memref_slice %arg12[%dma_wait3A_245] : memref<400xi32, #tpu.memory_space<vmem>> -> memref<80xi32, #tpu.memory_space<vmem>>
      %dma_wait3A_247 = arith.constant 0 : i32
      %dma_wait3A_248 = arith.constant 0 : i32
      %dma_wait3A_249 = tpu.memref_slice %arg3[%dma_wait3A_247, %dma_wait3A_248] : memref<10000x128xf32, #tpu.memory_space<hbm>> -> memref<10000x128xf32, #tpu.memory_space<hbm>>
      tpu.wait_indirect_dma semaphore(%arg17 : memref<!tpu.dma_semaphore, #tpu.memory_space<semaphore_mem>>) src(%dma_wait3A_249 : memref<10000x128xf32, #tpu.memory_space<hbm>>) dst(%dma_wait3A_244 : memref<80x128xf32, #tpu.memory_space<vmem>>)
      %dma_wait3A_250 = arith.constant 160 : i32
      %dma_wait3A_251 = arith.constant 0 : i32
      %dma_wait3A_252 = tpu.memref_slice %arg15[%dma_wait3A_250, %dma_wait3A_251] : memref<400x16xf32, #tpu.memory_space<vmem>> -> memref<80x16xf32, #tpu.memory_space<vmem>>
      %dma_wait3A_253 = arith.constant 160 : i32
      %dma_wait3A_254 = tpu.memref_slice %arg11[%dma_wait3A_253] : memref<400xi32, #tpu.memory_space<vmem>> -> memref<80xi32, #tpu.memory_space<vmem>>
      %dma_wait3A_255 = arith.constant 0 : i32
      %dma_wait3A_256 = arith.constant 0 : i32
      %dma_wait3A_257 = tpu.memref_slice %arg4[%dma_wait3A_255, %dma_wait3A_256] : memref<10000x16xf32, #tpu.memory_space<hbm>> -> memref<10000x16xf32, #tpu.memory_space<hbm>>
      tpu.wait_indirect_dma semaphore(%arg17 : memref<!tpu.dma_semaphore, #tpu.memory_space<semaphore_mem>>) src(%dma_wait3A_257 : memref<10000x16xf32, #tpu.memory_space<hbm>>) dst(%dma_wait3A_252 : memref<80x16xf32, #tpu.memory_space<vmem>>)
      %dma_wait3A_258 = arith.constant 160 : i32
      %dma_wait3A_259 = arith.constant 0 : i32
      %dma_wait3A_260 = tpu.memref_slice %arg16[%dma_wait3A_258, %dma_wait3A_259] : memref<400x16xf32, #tpu.memory_space<vmem>> -> memref<80x16xf32, #tpu.memory_space<vmem>>
      %dma_wait3A_261 = arith.constant 160 : i32
      %dma_wait3A_262 = tpu.memref_slice %arg12[%dma_wait3A_261] : memref<400xi32, #tpu.memory_space<vmem>> -> memref<80xi32, #tpu.memory_space<vmem>>
      %dma_wait3A_263 = arith.constant 0 : i32
      %dma_wait3A_264 = arith.constant 0 : i32
      %dma_wait3A_265 = tpu.memref_slice %arg4[%dma_wait3A_263, %dma_wait3A_264] : memref<10000x16xf32, #tpu.memory_space<hbm>> -> memref<10000x16xf32, #tpu.memory_space<hbm>>
      tpu.wait_indirect_dma semaphore(%arg17 : memref<!tpu.dma_semaphore, #tpu.memory_space<semaphore_mem>>) src(%dma_wait3A_265 : memref<10000x16xf32, #tpu.memory_space<hbm>>) dst(%dma_wait3A_260 : memref<80x16xf32, #tpu.memory_space<vmem>>)
      %dma_wait3A_266 = arith.constant 240 : i32
      %dma_wait3A_267 = arith.constant 0 : i32
      %dma_wait3A_268 = tpu.memref_slice %arg13[%dma_wait3A_266, %dma_wait3A_267] : memref<400x128xf32, #tpu.memory_space<vmem>> -> memref<80x128xf32, #tpu.memory_space<vmem>>
      %dma_wait3A_269 = arith.constant 240 : i32
      %dma_wait3A_270 = tpu.memref_slice %arg11[%dma_wait3A_269] : memref<400xi32, #tpu.memory_space<vmem>> -> memref<80xi32, #tpu.memory_space<vmem>>
      %dma_wait3A_271 = arith.constant 0 : i32
      %dma_wait3A_272 = arith.constant 0 : i32
      %dma_wait3A_273 = tpu.memref_slice %arg2[%dma_wait3A_271, %dma_wait3A_272] : memref<10000x128xf32, #tpu.memory_space<hbm>> -> memref<10000x128xf32, #tpu.memory_space<hbm>>
      tpu.wait_indirect_dma semaphore(%arg17 : memref<!tpu.dma_semaphore, #tpu.memory_space<semaphore_mem>>) src(%dma_wait3A_273 : memref<10000x128xf32, #tpu.memory_space<hbm>>) dst(%dma_wait3A_268 : memref<80x128xf32, #tpu.memory_space<vmem>>)
      %dma_wait3A_274 = arith.constant 240 : i32
      %dma_wait3A_275 = arith.constant 0 : i32
      %dma_wait3A_276 = tpu.memref_slice %arg14[%dma_wait3A_274, %dma_wait3A_275] : memref<400x128xf32, #tpu.memory_space<vmem>> -> memref<80x128xf32, #tpu.memory_space<vmem>>
      %dma_wait3A_277 = arith.constant 240 : i32
      %dma_wait3A_278 = tpu.memref_slice %arg12[%dma_wait3A_277] : memref<400xi32, #tpu.memory_space<vmem>> -> memref<80xi32, #tpu.memory_space<vmem>>
      %dma_wait3A_279 = arith.constant 0 : i32
      %dma_wait3A_280 = arith.constant 0 : i32
      %dma_wait3A_281 = tpu.memref_slice %arg3[%dma_wait3A_279, %dma_wait3A_280] : memref<10000x128xf32, #tpu.memory_space<hbm>> -> memref<10000x128xf32, #tpu.memory_space<hbm>>
      tpu.wait_indirect_dma semaphore(%arg17 : memref<!tpu.dma_semaphore, #tpu.memory_space<semaphore_mem>>) src(%dma_wait3A_281 : memref<10000x128xf32, #tpu.memory_space<hbm>>) dst(%dma_wait3A_276 : memref<80x128xf32, #tpu.memory_space<vmem>>)
      %dma_wait3A_282 = arith.constant 240 : i32
      %dma_wait3A_283 = arith.constant 0 : i32
      %dma_wait3A_284 = tpu.memref_slice %arg15[%dma_wait3A_282, %dma_wait3A_283] : memref<400x16xf32, #tpu.memory_space<vmem>> -> memref<80x16xf32, #tpu.memory_space<vmem>>
      %dma_wait3A_285 = arith.constant 240 : i32
      %dma_wait3A_286 = tpu.memref_slice %arg11[%dma_wait3A_285] : memref<400xi32, #tpu.memory_space<vmem>> -> memref<80xi32, #tpu.memory_space<vmem>>
      %dma_wait3A_287 = arith.constant 0 : i32
      %dma_wait3A_288 = arith.constant 0 : i32
      %dma_wait3A_289 = tpu.memref_slice %arg4[%dma_wait3A_287, %dma_wait3A_288] : memref<10000x16xf32, #tpu.memory_space<hbm>> -> memref<10000x16xf32, #tpu.memory_space<hbm>>
      tpu.wait_indirect_dma semaphore(%arg17 : memref<!tpu.dma_semaphore, #tpu.memory_space<semaphore_mem>>) src(%dma_wait3A_289 : memref<10000x16xf32, #tpu.memory_space<hbm>>) dst(%dma_wait3A_284 : memref<80x16xf32, #tpu.memory_space<vmem>>)
      %dma_wait3A_290 = arith.constant 240 : i32
      %dma_wait3A_291 = arith.constant 0 : i32
      %dma_wait3A_292 = tpu.memref_slice %arg16[%dma_wait3A_290, %dma_wait3A_291] : memref<400x16xf32, #tpu.memory_space<vmem>> -> memref<80x16xf32, #tpu.memory_space<vmem>>
      %dma_wait3A_293 = arith.constant 240 : i32
      %dma_wait3A_294 = tpu.memref_slice %arg12[%dma_wait3A_293] : memref<400xi32, #tpu.memory_space<vmem>> -> memref<80xi32, #tpu.memory_space<vmem>>
      %dma_wait3A_295 = arith.constant 0 : i32
      %dma_wait3A_296 = arith.constant 0 : i32
      %dma_wait3A_297 = tpu.memref_slice %arg4[%dma_wait3A_295, %dma_wait3A_296] : memref<10000x16xf32, #tpu.memory_space<hbm>> -> memref<10000x16xf32, #tpu.memory_space<hbm>>
      tpu.wait_indirect_dma semaphore(%arg17 : memref<!tpu.dma_semaphore, #tpu.memory_space<semaphore_mem>>) src(%dma_wait3A_297 : memref<10000x16xf32, #tpu.memory_space<hbm>>) dst(%dma_wait3A_292 : memref<80x16xf32, #tpu.memory_space<vmem>>)
      %dma_wait3A_298 = arith.constant 320 : i32
      %dma_wait3A_299 = arith.constant 0 : i32
      %dma_wait3A_300 = tpu.memref_slice %arg13[%dma_wait3A_298, %dma_wait3A_299] : memref<400x128xf32, #tpu.memory_space<vmem>> -> memref<80x128xf32, #tpu.memory_space<vmem>>
      %dma_wait3A_301 = arith.constant 320 : i32
      %dma_wait3A_302 = tpu.memref_slice %arg11[%dma_wait3A_301] : memref<400xi32, #tpu.memory_space<vmem>> -> memref<80xi32, #tpu.memory_space<vmem>>
      %dma_wait3A_303 = arith.constant 0 : i32
      %dma_wait3A_304 = arith.constant 0 : i32
      %dma_wait3A_305 = tpu.memref_slice %arg2[%dma_wait3A_303, %dma_wait3A_304] : memref<10000x128xf32, #tpu.memory_space<hbm>> -> memref<10000x128xf32, #tpu.memory_space<hbm>>
      tpu.wait_indirect_dma semaphore(%arg17 : memref<!tpu.dma_semaphore, #tpu.memory_space<semaphore_mem>>) src(%dma_wait3A_305 : memref<10000x128xf32, #tpu.memory_space<hbm>>) dst(%dma_wait3A_300 : memref<80x128xf32, #tpu.memory_space<vmem>>)
      %dma_wait3A_306 = arith.constant 320 : i32
      %dma_wait3A_307 = arith.constant 0 : i32
      %dma_wait3A_308 = tpu.memref_slice %arg14[%dma_wait3A_306, %dma_wait3A_307] : memref<400x128xf32, #tpu.memory_space<vmem>> -> memref<80x128xf32, #tpu.memory_space<vmem>>
      %dma_wait3A_309 = arith.constant 320 : i32
      %dma_wait3A_310 = tpu.memref_slice %arg12[%dma_wait3A_309] : memref<400xi32, #tpu.memory_space<vmem>> -> memref<80xi32, #tpu.memory_space<vmem>>
      %dma_wait3A_311 = arith.constant 0 : i32
      %dma_wait3A_312 = arith.constant 0 : i32
      %dma_wait3A_313 = tpu.memref_slice %arg3[%dma_wait3A_311, %dma_wait3A_312] : memref<10000x128xf32, #tpu.memory_space<hbm>> -> memref<10000x128xf32, #tpu.memory_space<hbm>>
      tpu.wait_indirect_dma semaphore(%arg17 : memref<!tpu.dma_semaphore, #tpu.memory_space<semaphore_mem>>) src(%dma_wait3A_313 : memref<10000x128xf32, #tpu.memory_space<hbm>>) dst(%dma_wait3A_308 : memref<80x128xf32, #tpu.memory_space<vmem>>)
      %dma_wait3A_314 = arith.constant 320 : i32
      %dma_wait3A_315 = arith.constant 0 : i32
      %dma_wait3A_316 = tpu.memref_slice %arg15[%dma_wait3A_314, %dma_wait3A_315] : memref<400x16xf32, #tpu.memory_space<vmem>> -> memref<80x16xf32, #tpu.memory_space<vmem>>
      %dma_wait3A_317 = arith.constant 320 : i32
      %dma_wait3A_318 = tpu.memref_slice %arg11[%dma_wait3A_317] : memref<400xi32, #tpu.memory_space<vmem>> -> memref<80xi32, #tpu.memory_space<vmem>>
      %dma_wait3A_319 = arith.constant 0 : i32
      %dma_wait3A_320 = arith.constant 0 : i32
      %dma_wait3A_321 = tpu.memref_slice %arg4[%dma_wait3A_319, %dma_wait3A_320] : memref<10000x16xf32, #tpu.memory_space<hbm>> -> memref<10000x16xf32, #tpu.memory_space<hbm>>
      tpu.wait_indirect_dma semaphore(%arg17 : memref<!tpu.dma_semaphore, #tpu.memory_space<semaphore_mem>>) src(%dma_wait3A_321 : memref<10000x16xf32, #tpu.memory_space<hbm>>) dst(%dma_wait3A_316 : memref<80x16xf32, #tpu.memory_space<vmem>>)
      %dma_wait3A_322 = arith.constant 320 : i32
      %dma_wait3A_323 = arith.constant 0 : i32
      %dma_wait3A_324 = tpu.memref_slice %arg16[%dma_wait3A_322, %dma_wait3A_323] : memref<400x16xf32, #tpu.memory_space<vmem>> -> memref<80x16xf32, #tpu.memory_space<vmem>>
      %dma_wait3A_325 = arith.constant 320 : i32
      %dma_wait3A_326 = tpu.memref_slice %arg12[%dma_wait3A_325] : memref<400xi32, #tpu.memory_space<vmem>> -> memref<80xi32, #tpu.memory_space<vmem>>
      %dma_wait3A_327 = arith.constant 0 : i32
      %dma_wait3A_328 = arith.constant 0 : i32
      %dma_wait3A_329 = tpu.memref_slice %arg4[%dma_wait3A_327, %dma_wait3A_328] : memref<10000x16xf32, #tpu.memory_space<hbm>> -> memref<10000x16xf32, #tpu.memory_space<hbm>>
      tpu.wait_indirect_dma semaphore(%arg17 : memref<!tpu.dma_semaphore, #tpu.memory_space<semaphore_mem>>) src(%dma_wait3A_329 : memref<10000x16xf32, #tpu.memory_space<hbm>>) dst(%dma_wait3A_324 : memref<80x16xf32, #tpu.memory_space<vmem>>)
      "tpu.region"() ({
        %run_scoped3A = tpu.sem_alloc : memref<!tpu.dma_semaphore, #tpu.memory_space<semaphore_mem>>
        %dma_start3A_330 = arith.constant 0 : i32
        %dma_start3A_331 = tpu.memref_slice %arg7[%add3A_11, %dma_start3A_330] : memref<320000x128xf32, #tpu.memory_space<hbm>> -> memref<400x128xf32, #tpu.memory_space<hbm>>
        %dma_start3A_332 = arith.constant 0 : i32
        %dma_start3A_333 = tpu.memref_slice %arg7[%add3A_11, %dma_start3A_332] : memref<320000x128xf32, #tpu.memory_space<hbm>> -> memref<400x128xf32, #tpu.memory_space<hbm>>
        tpu.enqueue_dma source(%arg13 : memref<400x128xf32, #tpu.memory_space<vmem>>) target(%dma_start3A_333 : memref<400x128xf32, #tpu.memory_space<hbm>>) target_semaphore(%run_scoped3A : memref<!tpu.dma_semaphore, #tpu.memory_space<semaphore_mem>>)
        %dma_wait3A_334 = arith.constant 0 : i32
        %dma_wait3A_335 = tpu.memref_slice %arg7[%add3A_11, %dma_wait3A_334] : memref<320000x128xf32, #tpu.memory_space<hbm>> -> memref<400x128xf32, #tpu.memory_space<hbm>>
        %dma_wait3A_336 = arith.constant 0 : i32
        %dma_wait3A_337 = tpu.memref_slice %arg7[%add3A_11, %dma_wait3A_336] : memref<320000x128xf32, #tpu.memory_space<hbm>> -> memref<400x128xf32, #tpu.memory_space<hbm>>
        tpu.wait_dma2 semaphore(%run_scoped3A : memref<!tpu.dma_semaphore, #tpu.memory_space<semaphore_mem>>) src(%arg13 : memref<400x128xf32, #tpu.memory_space<vmem>>) dst(%dma_wait3A_337 : memref<400x128xf32, #tpu.memory_space<hbm>>)
        tpu.yield
      }) : () -> ()
      "tpu.region"() ({
        %run_scoped3A = tpu.sem_alloc : memref<!tpu.dma_semaphore, #tpu.memory_space<semaphore_mem>>
        %dma_start3A_330 = arith.constant 0 : i32
        %dma_start3A_331 = tpu.memref_slice %arg8[%add3A_11, %dma_start3A_330] : memref<320000x128xf32, #tpu.memory_space<hbm>> -> memref<400x128xf32, #tpu.memory_space<hbm>>
        %dma_start3A_332 = arith.constant 0 : i32
        %dma_start3A_333 = tpu.memref_slice %arg8[%add3A_11, %dma_start3A_332] : memref<320000x128xf32, #tpu.memory_space<hbm>> -> memref<400x128xf32, #tpu.memory_space<hbm>>
        tpu.enqueue_dma source(%arg14 : memref<400x128xf32, #tpu.memory_space<vmem>>) target(%dma_start3A_333 : memref<400x128xf32, #tpu.memory_space<hbm>>) target_semaphore(%run_scoped3A : memref<!tpu.dma_semaphore, #tpu.memory_space<semaphore_mem>>)
        %dma_wait3A_334 = arith.constant 0 : i32
        %dma_wait3A_335 = tpu.memref_slice %arg8[%add3A_11, %dma_wait3A_334] : memref<320000x128xf32, #tpu.memory_space<hbm>> -> memref<400x128xf32, #tpu.memory_space<hbm>>
        %dma_wait3A_336 = arith.constant 0 : i32
        %dma_wait3A_337 = tpu.memref_slice %arg8[%add3A_11, %dma_wait3A_336] : memref<320000x128xf32, #tpu.memory_space<hbm>> -> memref<400x128xf32, #tpu.memory_space<hbm>>
        tpu.wait_dma2 semaphore(%run_scoped3A : memref<!tpu.dma_semaphore, #tpu.memory_space<semaphore_mem>>) src(%arg14 : memref<400x128xf32, #tpu.memory_space<vmem>>) dst(%dma_wait3A_337 : memref<400x128xf32, #tpu.memory_space<hbm>>)
        tpu.yield
      }) : () -> ()
      "tpu.region"() ({
        %run_scoped3A = tpu.sem_alloc : memref<!tpu.dma_semaphore, #tpu.memory_space<semaphore_mem>>
        %dma_start3A_330 = arith.constant 0 : i32
        %dma_start3A_331 = tpu.memref_slice %arg9[%add3A_11, %dma_start3A_330] : memref<320000x16xf32, #tpu.memory_space<hbm>> -> memref<400x16xf32, #tpu.memory_space<hbm>>
        %dma_start3A_332 = arith.constant 0 : i32
        %dma_start3A_333 = tpu.memref_slice %arg9[%add3A_11, %dma_start3A_332] : memref<320000x16xf32, #tpu.memory_space<hbm>> -> memref<400x16xf32, #tpu.memory_space<hbm>>
        tpu.enqueue_dma source(%arg15 : memref<400x16xf32, #tpu.memory_space<vmem>>) target(%dma_start3A_333 : memref<400x16xf32, #tpu.memory_space<hbm>>) target_semaphore(%run_scoped3A : memref<!tpu.dma_semaphore, #tpu.memory_space<semaphore_mem>>)
        %dma_wait3A_334 = arith.constant 0 : i32
        %dma_wait3A_335 = tpu.memref_slice %arg9[%add3A_11, %dma_wait3A_334] : memref<320000x16xf32, #tpu.memory_space<hbm>> -> memref<400x16xf32, #tpu.memory_space<hbm>>
        %dma_wait3A_336 = arith.constant 0 : i32
        %dma_wait3A_337 = tpu.memref_slice %arg9[%add3A_11, %dma_wait3A_336] : memref<320000x16xf32, #tpu.memory_space<hbm>> -> memref<400x16xf32, #tpu.memory_space<hbm>>
        tpu.wait_dma2 semaphore(%run_scoped3A : memref<!tpu.dma_semaphore, #tpu.memory_space<semaphore_mem>>) src(%arg15 : memref<400x16xf32, #tpu.memory_space<vmem>>) dst(%dma_wait3A_337 : memref<400x16xf32, #tpu.memory_space<hbm>>)
        tpu.yield
      }) : () -> ()
      "tpu.region"() ({
        %run_scoped3A = tpu.sem_alloc : memref<!tpu.dma_semaphore, #tpu.memory_space<semaphore_mem>>
        %dma_start3A_330 = arith.constant 0 : i32
        %dma_start3A_331 = tpu.memref_slice %arg10[%add3A_11, %dma_start3A_330] : memref<320000x16xf32, #tpu.memory_space<hbm>> -> memref<400x16xf32, #tpu.memory_space<hbm>>
        %dma_start3A_332 = arith.constant 0 : i32
        %dma_start3A_333 = tpu.memref_slice %arg10[%add3A_11, %dma_start3A_332] : memref<320000x16xf32, #tpu.memory_space<hbm>> -> memref<400x16xf32, #tpu.memory_space<hbm>>
        tpu.enqueue_dma source(%arg16 : memref<400x16xf32, #tpu.memory_space<vmem>>) target(%dma_start3A_333 : memref<400x16xf32, #tpu.memory_space<hbm>>) target_semaphore(%run_scoped3A : memref<!tpu.dma_semaphore, #tpu.memory_space<semaphore_mem>>)
        %dma_wait3A_334 = arith.constant 0 : i32
        %dma_wait3A_335 = tpu.memref_slice %arg10[%add3A_11, %dma_wait3A_334] : memref<320000x16xf32, #tpu.memory_space<hbm>> -> memref<400x16xf32, #tpu.memory_space<hbm>>
        %dma_wait3A_336 = arith.constant 0 : i32
        %dma_wait3A_337 = tpu.memref_slice %arg10[%add3A_11, %dma_wait3A_336] : memref<320000x16xf32, #tpu.memory_space<hbm>> -> memref<400x16xf32, #tpu.memory_space<hbm>>
        tpu.wait_dma2 semaphore(%run_scoped3A : memref<!tpu.dma_semaphore, #tpu.memory_space<semaphore_mem>>) src(%arg16 : memref<400x16xf32, #tpu.memory_space<vmem>>) dst(%dma_wait3A_337 : memref<400x16xf32, #tpu.memory_space<hbm>>)
        tpu.yield
      }) : () -> ()
    }
    %scan3A_7 = arith.constant 25 : i32
    return
  }
}

module attributes {stable_mosaic.version = 14 : i64} {
  func.func @_pre_body(%arg0: i32, %arg1: memref<2000x128xf32, #tpu.memory_space<vmem>>, %arg2: memref<128x128xf32, #tpu.memory_space<vmem>>, %arg3: memref<128x128xf32, #tpu.memory_space<vmem>>, %arg4: memref<1x128xf32, #tpu.memory_space<vmem>>, %arg5: memref<2000x128xf32, #tpu.memory_space<vmem>>, %arg6: memref<2000x128xf32, #tpu.memory_space<vmem>>) attributes {dimension_semantics = [#tpu.dimension_semantics<arbitrary>], iteration_bounds = array<i64: 5>, scalar_prefetch = 0 : i64, scratch_operands = 0 : i64, tpu.core_type = #tpu.core_type<tc>, window_params = [{transform_indices = @transform_0, window_bounds = array<i64: 2000, 128>}, {pipeline_mode = #tpu.pipeline_mode<synchronous>, transform_indices = @transform_1, window_bounds = array<i64: 128, 128>}, {pipeline_mode = #tpu.pipeline_mode<synchronous>, transform_indices = @transform_2, window_bounds = array<i64: 128, 128>}, {pipeline_mode = #tpu.pipeline_mode<synchronous>, transform_indices = @transform_3, window_bounds = array<i64: 1, 128>}, {transform_indices = @transform_4, window_bounds = array<i64: 2000, 128>}, {transform_indices = @transform_5, window_bounds = array<i64: 2000, 128>}]} {
    %get3A = arith.constant 0 : index
    %get3A_0 = arith.constant 0 : index
    %get3A_1 = vector.load %arg1[%get3A, %get3A_0] : memref<2000x128xf32, #tpu.memory_space<vmem>>, vector<2000x128xf32>
    %get3A_2 = arith.constant 0 : index
    %get3A_3 = arith.constant 0 : index
    %get3A_4 = vector.load %arg2[%get3A_2, %get3A_3] : memref<128x128xf32, #tpu.memory_space<vmem>>, vector<128x128xf32>
    %dot_general3A = arith.constant dense<0.000000e+00> : vector<2000x128xf32>
    %dot_general3A_5 = tpu.matmul %get3A_1, %get3A_4, %dot_general3A {dimension_numbers = #tpu.dot_dimension_numbers<[1], [0], [0], [1], [0, 0, 1, 1], [], []>, transpose_lhs_hint = false} : vector<2000x128xf32>, vector<128x128xf32>, vector<2000x128xf32> -> vector<2000x128xf32>
    %swap3A = arith.constant 0 : index
    %swap3A_6 = arith.constant 0 : index
    %swap3A_7 = vector.load %arg5[%swap3A, %swap3A_6] : memref<2000x128xf32, #tpu.memory_space<vmem>>, vector<2000x128xf32>
    tpu.vector_store %arg5[%swap3A, %swap3A_6], %dot_general3A_5 {strides = array<i32>} : memref<2000x128xf32, #tpu.memory_space<vmem>>, vector<2000x128xf32>,
    %get3A_8 = arith.constant 0 : index
    %get3A_9 = arith.constant 0 : index
    %get3A_10 = vector.load %arg3[%get3A_8, %get3A_9] : memref<128x128xf32, #tpu.memory_space<vmem>>, vector<128x128xf32>
    %dot_general3A_11 = arith.constant dense<0.000000e+00> : vector<2000x128xf32>
    %dot_general3A_12 = tpu.matmul %get3A_1, %get3A_10, %dot_general3A_11 {dimension_numbers = #tpu.dot_dimension_numbers<[1], [0], [0], [1], [0, 0, 1, 1], [], []>, transpose_lhs_hint = false} : vector<2000x128xf32>, vector<128x128xf32>, vector<2000x128xf32> -> vector<2000x128xf32>
    %get3A_13 = arith.constant 0 : index
    %get3A_14 = arith.constant 0 : index
    %get3A_15 = vector.load %arg4[%get3A_13, %get3A_14] : memref<1x128xf32, #tpu.memory_space<vmem>>, vector<1x128xf32>
    %add3A = vector.broadcast %get3A_15 : vector<1x128xf32> to vector<2000x128xf32>
    %add3A_16 = arith.addf %dot_general3A_12, %add3A : vector<2000x128xf32>
    %swap3A_17 = arith.constant 0 : index
    %swap3A_18 = arith.constant 0 : index
    %swap3A_19 = vector.load %arg6[%swap3A_17, %swap3A_18] : memref<2000x128xf32, #tpu.memory_space<vmem>>, vector<2000x128xf32>
    tpu.vector_store %arg6[%swap3A_17, %swap3A_18], %add3A_16 {strides = array<i32>} : memref<2000x128xf32, #tpu.memory_space<vmem>>, vector<2000x128xf32>,
    return
  }
  func.func @transform_0(%arg0: i32) -> (i32, i32) {
    %c0_i32 = arith.constant 0 : i32
    %c0_i32_0 = arith.constant 0 : i32
    return %arg0, %c0_i32 : i32, i32
  }
  func.func @transform_1(%arg0: i32) -> (i32, i32) {
    %c0_i32 = arith.constant 0 : i32
    %c0_i32_0 = arith.constant 0 : i32
    %c0_i32_1 = arith.constant 0 : i32
    return %c0_i32, %c0_i32_0 : i32, i32
  }
  func.func @transform_2(%arg0: i32) -> (i32, i32) {
    %c0_i32 = arith.constant 0 : i32
    %c0_i32_0 = arith.constant 0 : i32
    %c0_i32_1 = arith.constant 0 : i32
    return %c0_i32, %c0_i32_0 : i32, i32
  }
  func.func @transform_3(%arg0: i32) -> (i32, i32) {
    %c0_i32 = arith.constant 0 : i32
    %c0_i32_0 = arith.constant 0 : i32
    %c0_i32_1 = arith.constant 0 : i32
    return %c0_i32, %c0_i32_0 : i32, i32
  }
  func.func @transform_4(%arg0: i32) -> (i32, i32) {
    %c0_i32 = arith.constant 0 : i32
    %c0_i32_0 = arith.constant 0 : i32
    return %arg0, %c0_i32 : i32, i32
  }
  func.func @transform_5(%arg0: i32) -> (i32, i32) {
    %c0_i32 = arith.constant 0 : i32
    %c0_i32_0 = arith.constant 0 : i32
    return %arg0, %c0_i32 : i32, i32
  }
}

module attributes {stable_mosaic.version = 14 : i64} {
  func.func @_edge_body(%arg0: i32, %arg1: memref<4000x128xf32, #tpu.memory_space<vmem>>, %arg2: memref<4000x128xf32, #tpu.memory_space<vmem>>, %arg3: memref<4000x16xf32, #tpu.memory_space<vmem>>, %arg4: memref<4000x16xf32, #tpu.memory_space<vmem>>, %arg5: memref<4000x16xf32, #tpu.memory_space<vmem>>, %arg6: memref<16x128xbf16, #tpu.memory_space<vmem>>, %arg7: memref<1x128xf32, #tpu.memory_space<vmem>>, %arg8: memref<128x128xbf16, #tpu.memory_space<vmem>>, %arg9: memref<1x128xf32, #tpu.memory_space<vmem>>, %arg10: memref<128x128xbf16, #tpu.memory_space<vmem>>, %arg11: memref<1x128xf32, #tpu.memory_space<vmem>>, %arg12: memref<1x128xf32, #tpu.memory_space<vmem>>, %arg13: memref<1x1xf32, #tpu.memory_space<vmem>>, %arg14: memref<4000x128xf32, #tpu.memory_space<vmem>>, %arg15: memref<4000x16xf32, #tpu.memory_space<vmem>>) attributes {dimension_semantics = [#tpu.dimension_semantics<arbitrary>], iteration_bounds = array<i64: 80>, scalar_prefetch = 0 : i64, scratch_operands = 0 : i64, tpu.core_type = #tpu.core_type<tc>, window_params = [{transform_indices = @transform_0, window_bounds = array<i64: 4000, 128>}, {transform_indices = @transform_1, window_bounds = array<i64: 4000, 128>}, {transform_indices = @transform_2, window_bounds = array<i64: 4000, 16>}, {transform_indices = @transform_3, window_bounds = array<i64: 4000, 16>}, {transform_indices = @transform_4, window_bounds = array<i64: 4000, 16>}, {pipeline_mode = #tpu.pipeline_mode<synchronous>, transform_indices = @transform_5, window_bounds = array<i64: 16, 128>}, {pipeline_mode = #tpu.pipeline_mode<synchronous>, transform_indices = @transform_6, window_bounds = array<i64: 1, 128>}, {pipeline_mode = #tpu.pipeline_mode<synchronous>, transform_indices = @transform_7, window_bounds = array<i64: 128, 128>}, {pipeline_mode = #tpu.pipeline_mode<synchronous>, transform_indices = @transform_8, window_bounds = array<i64: 1, 128>}, {pipeline_mode = #tpu.pipeline_mode<synchronous>, transform_indices = @transform_9, window_bounds = array<i64: 128, 128>}, {pipeline_mode = #tpu.pipeline_mode<synchronous>, transform_indices = @transform_10, window_bounds = array<i64: 1, 128>}, {pipeline_mode = #tpu.pipeline_mode<synchronous>, transform_indices = @transform_11, window_bounds = array<i64: 1, 128>}, {pipeline_mode = #tpu.pipeline_mode<synchronous>, transform_indices = @transform_12, window_bounds = array<i64: 1, 1>}, {transform_indices = @transform_13, window_bounds = array<i64: 4000, 128>}, {transform_indices = @transform_14, window_bounds = array<i64: 4000, 16>}]} {
    %get3A = arith.constant 0 : index
    %get3A_0 = arith.constant 0 : index
    %get3A_1 = vector.load %arg3[%get3A, %get3A_0] : memref<4000x16xf32, #tpu.memory_space<vmem>>, vector<4000x16xf32>
    %get3A_2 = arith.constant 0 : index
    %get3A_3 = arith.constant 0 : index
    %get3A_4 = vector.load %arg4[%get3A_2, %get3A_3] : memref<4000x16xf32, #tpu.memory_space<vmem>>, vector<4000x16xf32>
    %sub3A = arith.subf %get3A_1, %get3A_4 : vector<4000x16xf32>
    %mul3A = arith.mulf %sub3A, %sub3A : vector<4000x16xf32>
    %reduce_sum3A = arith.constant dense<0.000000e+00> : vector<4000xf32>
    %reduce_sum3A_5 = vector.multi_reduction <add>, %mul3A, %reduce_sum3A [1] : vector<4000x16xf32> to vector<4000xf32>
    %broadcast_in_dim3A = vector.shape_cast %reduce_sum3A_5 : vector<4000xf32> to vector<4000x1xf32>
    %get3A_6 = arith.constant 0 : index
    %get3A_7 = arith.constant 0 : index
    %get3A_8 = vector.load %arg1[%get3A_6, %get3A_7] : memref<4000x128xf32, #tpu.memory_space<vmem>>, vector<4000x128xf32>
    %get3A_9 = arith.constant 0 : index
    %get3A_10 = arith.constant 0 : index
    %get3A_11 = vector.load %arg2[%get3A_9, %get3A_10] : memref<4000x128xf32, #tpu.memory_space<vmem>>, vector<4000x128xf32>
    %add3A = arith.addf %get3A_8, %get3A_11 : vector<4000x128xf32>
    %get3A_12 = arith.constant 0 : index
    %get3A_13 = arith.constant 0 : index
    %get3A_14 = vector.load %arg7[%get3A_12, %get3A_13] : memref<1x128xf32, #tpu.memory_space<vmem>>, vector<1x128xf32>
    %mul3A_15 = vector.broadcast %broadcast_in_dim3A : vector<4000x1xf32> to vector<4000x128xf32>
    %mul3A_16 = vector.broadcast %get3A_14 : vector<1x128xf32> to vector<4000x128xf32>
    %mul3A_17 = arith.mulf %mul3A_15, %mul3A_16 : vector<4000x128xf32>
    %add3A_18 = arith.addf %add3A, %mul3A_17 : vector<4000x128xf32>
    %get3A_19 = arith.constant 0 : index
    %get3A_20 = arith.constant 0 : index
    %get3A_21 = vector.load %arg5[%get3A_19, %get3A_20] : memref<4000x16xf32, #tpu.memory_space<vmem>>, vector<4000x16xf32>
    %convert_element_type3A = arith.truncf %get3A_21 : vector<4000x16xf32> to vector<4000x16xbf16>
    %get3A_22 = arith.constant 0 : index
    %get3A_23 = arith.constant 0 : index
    %get3A_24 = vector.load %arg6[%get3A_22, %get3A_23] : memref<16x128xbf16, #tpu.memory_space<vmem>>, vector<16x128xbf16>
    %dot_general3A = arith.constant dense<0.000000e+00> : vector<4000x128xf32>
    %dot_general3A_25 = tpu.matmul %convert_element_type3A, %get3A_24, %dot_general3A {dimension_numbers = #tpu.dot_dimension_numbers<[1], [0], [0], [1], [0, 0, 1, 1], [], []>, transpose_lhs_hint = false} : vector<4000x16xbf16>, vector<16x128xbf16>, vector<4000x128xf32> -> vector<4000x128xf32>
    %add3A_26 = arith.addf %add3A_18, %dot_general3A_25 : vector<4000x128xf32>
    %logistic3A = arith.negf %add3A_26 : vector<4000x128xf32>
    %logistic3A_27 = math.exp %logistic3A : vector<4000x128xf32>
    %logistic3A_28 = arith.constant 1.000000e+00 : f32
    %logistic3A_29 = vector.broadcast %logistic3A_28 : f32 to vector<4000x128xf32>
    %logistic3A_30 = arith.addf %logistic3A_29, %logistic3A_27 : vector<4000x128xf32>
    %logistic3A_31 = arith.divf %logistic3A_29, %logistic3A_30 : vector<4000x128xf32>
    %mul3A_32 = arith.mulf %add3A_26, %logistic3A_31 : vector<4000x128xf32>
    %convert_element_type3A_33 = arith.truncf %mul3A_32 : vector<4000x128xf32> to vector<4000x128xbf16>
    %get3A_34 = arith.constant 0 : index
    %get3A_35 = arith.constant 0 : index
    %get3A_36 = vector.load %arg8[%get3A_34, %get3A_35] : memref<128x128xbf16, #tpu.memory_space<vmem>>, vector<128x128xbf16>
    %dot_general3A_37 = arith.constant dense<0.000000e+00> : vector<4000x128xf32>
    %dot_general3A_38 = tpu.matmul %convert_element_type3A_33, %get3A_36, %dot_general3A_37 {dimension_numbers = #tpu.dot_dimension_numbers<[1], [0], [0], [1], [0, 0, 1, 1], [], []>, transpose_lhs_hint = false} : vector<4000x128xbf16>, vector<128x128xbf16>, vector<4000x128xf32> -> vector<4000x128xf32>
    %get3A_39 = arith.constant 0 : index
    %get3A_40 = arith.constant 0 : index
    %get3A_41 = vector.load %arg9[%get3A_39, %get3A_40] : memref<1x128xf32, #tpu.memory_space<vmem>>, vector<1x128xf32>
    %add3A_42 = vector.broadcast %get3A_41 : vector<1x128xf32> to vector<4000x128xf32>
    %add3A_43 = arith.addf %dot_general3A_38, %add3A_42 : vector<4000x128xf32>
    %logistic3A_44 = arith.negf %add3A_43 : vector<4000x128xf32>
    %logistic3A_45 = math.exp %logistic3A_44 : vector<4000x128xf32>
    %logistic3A_46 = arith.constant 1.000000e+00 : f32
    %logistic3A_47 = vector.broadcast %logistic3A_46 : f32 to vector<4000x128xf32>
    %logistic3A_48 = arith.addf %logistic3A_47, %logistic3A_45 : vector<4000x128xf32>
    %logistic3A_49 = arith.divf %logistic3A_47, %logistic3A_48 : vector<4000x128xf32>
    %mul3A_50 = arith.mulf %add3A_43, %logistic3A_49 : vector<4000x128xf32>
    %convert_element_type3A_51 = arith.truncf %mul3A_50 : vector<4000x128xf32> to vector<4000x128xbf16>
    %get3A_52 = arith.constant 0 : index
    %get3A_53 = arith.constant 0 : index
    %get3A_54 = vector.load %arg10[%get3A_52, %get3A_53] : memref<128x128xbf16, #tpu.memory_space<vmem>>, vector<128x128xbf16>
    %dot_general3A_55 = arith.constant dense<0.000000e+00> : vector<4000x128xf32>
    %dot_general3A_56 = tpu.matmul %convert_element_type3A_51, %get3A_54, %dot_general3A_55 {dimension_numbers = #tpu.dot_dimension_numbers<[1], [0], [0], [1], [0, 0, 1, 1], [], []>, transpose_lhs_hint = false} : vector<4000x128xbf16>, vector<128x128xbf16>, vector<4000x128xf32> -> vector<4000x128xf32>
    %get3A_57 = arith.constant 0 : index
    %get3A_58 = arith.constant 0 : index
    %get3A_59 = vector.load %arg11[%get3A_57, %get3A_58] : memref<1x128xf32, #tpu.memory_space<vmem>>, vector<1x128xf32>
    %add3A_60 = vector.broadcast %get3A_59 : vector<1x128xf32> to vector<4000x128xf32>
    %add3A_61 = arith.addf %dot_general3A_56, %add3A_60 : vector<4000x128xf32>
    %logistic3A_62 = arith.negf %add3A_61 : vector<4000x128xf32>
    %logistic3A_63 = math.exp %logistic3A_62 : vector<4000x128xf32>
    %logistic3A_64 = arith.constant 1.000000e+00 : f32
    %logistic3A_65 = vector.broadcast %logistic3A_64 : f32 to vector<4000x128xf32>
    %logistic3A_66 = arith.addf %logistic3A_65, %logistic3A_63 : vector<4000x128xf32>
    %logistic3A_67 = arith.divf %logistic3A_65, %logistic3A_66 : vector<4000x128xf32>
    %mul3A_68 = arith.mulf %add3A_61, %logistic3A_67 : vector<4000x128xf32>
    %get3A_69 = arith.constant 0 : index
    %get3A_70 = arith.constant 0 : index
    %get3A_71 = vector.load %arg12[%get3A_69, %get3A_70] : memref<1x128xf32, #tpu.memory_space<vmem>>, vector<1x128xf32>
    %mul3A_72 = vector.broadcast %get3A_71 : vector<1x128xf32> to vector<4000x128xf32>
    %mul3A_73 = arith.mulf %mul3A_68, %mul3A_72 : vector<4000x128xf32>
    %reduce_sum3A_74 = arith.constant dense<0.000000e+00> : vector<4000xf32>
    %reduce_sum3A_75 = vector.multi_reduction <add>, %mul3A_73, %reduce_sum3A_74 [1] : vector<4000x128xf32> to vector<4000xf32>
    %broadcast_in_dim3A_76 = vector.shape_cast %reduce_sum3A_75 : vector<4000xf32> to vector<4000x1xf32>
    %get3A_77 = arith.constant 0 : index
    %get3A_78 = arith.constant 0 : index
    %get3A_79 = vector.load %arg13[%get3A_77, %get3A_78] : memref<1x1xf32, #tpu.memory_space<vmem>>, vector<1x1xf32>
    %get3A_80 = vector.extract %get3A_79[0, 0] : f32 from vector<1x1xf32>
    %add3A_81 = vector.broadcast %get3A_80 : f32 to vector<4000x1xf32>
    %add3A_82 = arith.addf %broadcast_in_dim3A_76, %add3A_81 : vector<4000x1xf32>
    %swap3A = arith.constant 0 : index
    %swap3A_83 = arith.constant 0 : index
    %swap3A_84 = vector.load %arg14[%swap3A, %swap3A_83] : memref<4000x128xf32, #tpu.memory_space<vmem>>, vector<4000x128xf32>
    tpu.vector_store %arg14[%swap3A, %swap3A_83], %mul3A_50 {strides = array<i32>} : memref<4000x128xf32, #tpu.memory_space<vmem>>, vector<4000x128xf32>,
    %mul3A_85 = vector.broadcast %add3A_82 : vector<4000x1xf32> to vector<4000x16xf32>
    %mul3A_86 = arith.mulf %sub3A, %mul3A_85 : vector<4000x16xf32>
    %swap3A_87 = arith.constant 0 : index
    %swap3A_88 = arith.constant 0 : index
    %swap3A_89 = vector.load %arg15[%swap3A_87, %swap3A_88] : memref<4000x16xf32, #tpu.memory_space<vmem>>, vector<4000x16xf32>
    tpu.vector_store %arg15[%swap3A_87, %swap3A_88], %mul3A_86 {strides = array<i32>} : memref<4000x16xf32, #tpu.memory_space<vmem>>, vector<4000x16xf32>,
    return
  }
  func.func @transform_0(%arg0: i32) -> (i32, i32) {
    %c0_i32 = arith.constant 0 : i32
    %c0_i32_0 = arith.constant 0 : i32
    return %arg0, %c0_i32 : i32, i32
  }
  func.func @transform_1(%arg0: i32) -> (i32, i32) {
    %c0_i32 = arith.constant 0 : i32
    %c0_i32_0 = arith.constant 0 : i32
    return %arg0, %c0_i32 : i32, i32
  }
  func.func @transform_2(%arg0: i32) -> (i32, i32) {
    %c0_i32 = arith.constant 0 : i32
    %c0_i32_0 = arith.constant 0 : i32
    return %arg0, %c0_i32 : i32, i32
  }
  func.func @transform_3(%arg0: i32) -> (i32, i32) {
    %c0_i32 = arith.constant 0 : i32
    %c0_i32_0 = arith.constant 0 : i32
    return %arg0, %c0_i32 : i32, i32
  }
  func.func @transform_4(%arg0: i32) -> (i32, i32) {
    %c0_i32 = arith.constant 0 : i32
    %c0_i32_0 = arith.constant 0 : i32
    return %arg0, %c0_i32 : i32, i32
  }
  func.func @transform_5(%arg0: i32) -> (i32, i32) {
    %c0_i32 = arith.constant 0 : i32
    %c0_i32_0 = arith.constant 0 : i32
    %c0_i32_1 = arith.constant 0 : i32
    return %c0_i32, %c0_i32_0 : i32, i32
  }
  func.func @transform_6(%arg0: i32) -> (i32, i32) {
    %c0_i32 = arith.constant 0 : i32
    %c0_i32_0 = arith.constant 0 : i32
    %c0_i32_1 = arith.constant 0 : i32
    return %c0_i32, %c0_i32_0 : i32, i32
  }
  func.func @transform_7(%arg0: i32) -> (i32, i32) {
    %c0_i32 = arith.constant 0 : i32
    %c0_i32_0 = arith.constant 0 : i32
    %c0_i32_1 = arith.constant 0 : i32
    return %c0_i32, %c0_i32_0 : i32, i32
  }
  func.func @transform_8(%arg0: i32) -> (i32, i32) {
    %c0_i32 = arith.constant 0 : i32
    %c0_i32_0 = arith.constant 0 : i32
    %c0_i32_1 = arith.constant 0 : i32
    return %c0_i32, %c0_i32_0 : i32, i32
  }
  func.func @transform_9(%arg0: i32) -> (i32, i32) {
    %c0_i32 = arith.constant 0 : i32
    %c0_i32_0 = arith.constant 0 : i32
    %c0_i32_1 = arith.constant 0 : i32
    return %c0_i32, %c0_i32_0 : i32, i32
  }
  func.func @transform_10(%arg0: i32) -> (i32, i32) {
    %c0_i32 = arith.constant 0 : i32
    %c0_i32_0 = arith.constant 0 : i32
    %c0_i32_1 = arith.constant 0 : i32
    return %c0_i32, %c0_i32_0 : i32, i32
  }
  func.func @transform_11(%arg0: i32) -> (i32, i32) {
    %c0_i32 = arith.constant 0 : i32
    %c0_i32_0 = arith.constant 0 : i32
    %c0_i32_1 = arith.constant 0 : i32
    return %c0_i32, %c0_i32_0 : i32, i32
  }
  func.func @transform_12(%arg0: i32) -> (i32, i32) {
    %c0_i32 = arith.constant 0 : i32
    %c0_i32_0 = arith.constant 0 : i32
    %c0_i32_1 = arith.constant 0 : i32
    return %c0_i32, %c0_i32_0 : i32, i32
  }
  func.func @transform_13(%arg0: i32) -> (i32, i32) {
    %c0_i32 = arith.constant 0 : i32
    %c0_i32_0 = arith.constant 0 : i32
    return %arg0, %c0_i32 : i32, i32
  }
  func.func @transform_14(%arg0: i32) -> (i32, i32) {
    %c0_i32 = arith.constant 0 : i32
    %c0_i32_0 = arith.constant 0 : i32
    return %arg0, %c0_i32 : i32, i32
  }
}

module attributes {stable_mosaic.version = 14 : i64} {
  func.func @_post_body(%arg0: i32, %arg1: memref<1x2000x128xf32, #tpu.memory_space<vmem>>, %arg2: memref<1x2000x128xf32, #tpu.memory_space<vmem>>, %arg3: memref<1x2000x16xf32, #tpu.memory_space<vmem>>, %arg4: memref<1x2000x16xf32, #tpu.memory_space<vmem>>, %arg5: memref<1x2000x16xf32, #tpu.memory_space<vmem>>, %arg6: memref<1x2000x16xf32, #tpu.memory_space<vmem>>, %arg7: memref<2000x128xf32, #tpu.memory_space<vmem>>, %arg8: memref<2000x16xf32, #tpu.memory_space<vmem>>, %arg9: memref<128x128xf32, #tpu.memory_space<vmem>>, %arg10: memref<128x128xf32, #tpu.memory_space<vmem>>, %arg11: memref<1x128xf32, #tpu.memory_space<vmem>>, %arg12: memref<128x128xf32, #tpu.memory_space<vmem>>, %arg13: memref<1x128xf32, #tpu.memory_space<vmem>>, %arg14: memref<1x128xf32, #tpu.memory_space<vmem>>, %arg15: memref<1x128xf32, #tpu.memory_space<vmem>>, %arg16: memref<2000x128xf32, #tpu.memory_space<vmem>>, %arg17: memref<2000x16xf32, #tpu.memory_space<vmem>>) attributes {dimension_semantics = [#tpu.dimension_semantics<arbitrary>], iteration_bounds = array<i64: 5>, scalar_prefetch = 0 : i64, scratch_operands = 0 : i64, tpu.core_type = #tpu.core_type<tc>, window_params = [{transform_indices = @transform_0, window_bounds = array<i64: 1, 2000, 128>}, {transform_indices = @transform_1, window_bounds = array<i64: 1, 2000, 128>}, {transform_indices = @transform_2, window_bounds = array<i64: 1, 2000, 16>}, {transform_indices = @transform_3, window_bounds = array<i64: 1, 2000, 16>}, {transform_indices = @transform_4, window_bounds = array<i64: 1, 2000, 16>}, {transform_indices = @transform_5, window_bounds = array<i64: 1, 2000, 16>}, {transform_indices = @transform_6, window_bounds = array<i64: 2000, 128>}, {transform_indices = @transform_7, window_bounds = array<i64: 2000, 16>}, {pipeline_mode = #tpu.pipeline_mode<synchronous>, transform_indices = @transform_8, window_bounds = array<i64: 128, 128>}, {pipeline_mode = #tpu.pipeline_mode<synchronous>, transform_indices = @transform_9, window_bounds = array<i64: 128, 128>}, {pipeline_mode = #tpu.pipeline_mode<synchronous>, transform_indices = @transform_10, window_bounds = array<i64: 1, 128>}, {pipeline_mode = #tpu.pipeline_mode<synchronous>, transform_indices = @transform_11, window_bounds = array<i64: 128, 128>}, {pipeline_mode = #tpu.pipeline_mode<synchronous>, transform_indices = @transform_12, window_bounds = array<i64: 1, 128>}, {pipeline_mode = #tpu.pipeline_mode<synchronous>, transform_indices = @transform_13, window_bounds = array<i64: 1, 128>}, {pipeline_mode = #tpu.pipeline_mode<synchronous>, transform_indices = @transform_14, window_bounds = array<i64: 1, 128>}, {transform_indices = @transform_15, window_bounds = array<i64: 2000, 128>}, {transform_indices = @transform_16, window_bounds = array<i64: 2000, 16>}]} {
    %get3A = arith.constant 0 : index
    %get3A_0 = arith.constant 0 : index
    %get3A_1 = arith.constant 0 : index
    %get3A_2 = vector.load %arg1[%get3A, %get3A_0, %get3A_1] : memref<1x2000x128xf32, #tpu.memory_space<vmem>>, vector<1x2000x128xf32>
    %get3A_3 = vector.shape_cast %get3A_2 : vector<1x2000x128xf32> to vector<2000x128xf32>
    %get3A_4 = arith.constant 0 : index
    %get3A_5 = arith.constant 0 : index
    %get3A_6 = arith.constant 0 : index
    %get3A_7 = vector.load %arg2[%get3A_4, %get3A_5, %get3A_6] : memref<1x2000x128xf32, #tpu.memory_space<vmem>>, vector<1x2000x128xf32>
    %get3A_8 = vector.shape_cast %get3A_7 : vector<1x2000x128xf32> to vector<2000x128xf32>
    %add3A = arith.addf %get3A_3, %get3A_8 : vector<2000x128xf32>
    %get3A_9 = arith.constant 0 : index
    %get3A_10 = arith.constant 0 : index
    %get3A_11 = arith.constant 0 : index
    %get3A_12 = vector.load %arg3[%get3A_9, %get3A_10, %get3A_11] : memref<1x2000x16xf32, #tpu.memory_space<vmem>>, vector<1x2000x16xf32>
    %get3A_13 = vector.shape_cast %get3A_12 : vector<1x2000x16xf32> to vector<2000x16xf32>
    %get3A_14 = arith.constant 0 : index
    %get3A_15 = arith.constant 0 : index
    %get3A_16 = arith.constant 0 : index
    %get3A_17 = vector.load %arg4[%get3A_14, %get3A_15, %get3A_16] : memref<1x2000x16xf32, #tpu.memory_space<vmem>>, vector<1x2000x16xf32>
    %get3A_18 = vector.shape_cast %get3A_17 : vector<1x2000x16xf32> to vector<2000x16xf32>
    %add3A_19 = arith.addf %get3A_13, %get3A_18 : vector<2000x16xf32>
    %slice3A = vector.extract_strided_slice %add3A_19 {offsets = [0, 0], sizes = [2000, 1], strides = [1, 1]} : vector<2000x16xf32> to vector<2000x1xf32>
    %max3A = arith.constant 1.000000e+00 : f32
    %max3A_20 = vector.broadcast %max3A : f32 to vector<2000x1xf32>
    %max3A_21 = arith.maximumf %slice3A, %max3A_20 : vector<2000x1xf32>
    %div3A = vector.broadcast %max3A_21 : vector<2000x1xf32> to vector<2000x128xf32>
    %div3A_22 = arith.divf %add3A, %div3A : vector<2000x128xf32>
    %get3A_23 = arith.constant 0 : index
    %get3A_24 = arith.constant 0 : index
    %get3A_25 = vector.load %arg7[%get3A_23, %get3A_24] : memref<2000x128xf32, #tpu.memory_space<vmem>>, vector<2000x128xf32>
    %get3A_26 = arith.constant 0 : index
    %get3A_27 = arith.constant 0 : index
    %get3A_28 = vector.load %arg9[%get3A_26, %get3A_27] : memref<128x128xf32, #tpu.memory_space<vmem>>, vector<128x128xf32>
    %dot_general3A = arith.constant dense<0.000000e+00> : vector<2000x128xf32>
    %dot_general3A_29 = tpu.matmul %get3A_25, %get3A_28, %dot_general3A {dimension_numbers = #tpu.dot_dimension_numbers<[1], [0], [0], [1], [0, 0, 1, 1], [], []>, transpose_lhs_hint = false} : vector<2000x128xf32>, vector<128x128xf32>, vector<2000x128xf32> -> vector<2000x128xf32>
    %get3A_30 = arith.constant 0 : index
    %get3A_31 = arith.constant 0 : index
    %get3A_32 = vector.load %arg10[%get3A_30, %get3A_31] : memref<128x128xf32, #tpu.memory_space<vmem>>, vector<128x128xf32>
    %dot_general3A_33 = arith.constant dense<0.000000e+00> : vector<2000x128xf32>
    %dot_general3A_34 = tpu.matmul %div3A_22, %get3A_32, %dot_general3A_33 {dimension_numbers = #tpu.dot_dimension_numbers<[1], [0], [0], [1], [0, 0, 1, 1], [], []>, transpose_lhs_hint = false} : vector<2000x128xf32>, vector<128x128xf32>, vector<2000x128xf32> -> vector<2000x128xf32>
    %add3A_35 = arith.addf %dot_general3A_29, %dot_general3A_34 : vector<2000x128xf32>
    %get3A_36 = arith.constant 0 : index
    %get3A_37 = arith.constant 0 : index
    %get3A_38 = vector.load %arg11[%get3A_36, %get3A_37] : memref<1x128xf32, #tpu.memory_space<vmem>>, vector<1x128xf32>
    %add3A_39 = vector.broadcast %get3A_38 : vector<1x128xf32> to vector<2000x128xf32>
    %add3A_40 = arith.addf %add3A_35, %add3A_39 : vector<2000x128xf32>
    %logistic3A = arith.negf %add3A_40 : vector<2000x128xf32>
    %logistic3A_41 = math.exp %logistic3A : vector<2000x128xf32>
    %logistic3A_42 = arith.constant 1.000000e+00 : f32
    %logistic3A_43 = vector.broadcast %logistic3A_42 : f32 to vector<2000x128xf32>
    %logistic3A_44 = arith.addf %logistic3A_43, %logistic3A_41 : vector<2000x128xf32>
    %logistic3A_45 = arith.divf %logistic3A_43, %logistic3A_44 : vector<2000x128xf32>
    %mul3A = arith.mulf %add3A_40, %logistic3A_45 : vector<2000x128xf32>
    %get3A_46 = arith.constant 0 : index
    %get3A_47 = arith.constant 0 : index
    %get3A_48 = vector.load %arg12[%get3A_46, %get3A_47] : memref<128x128xf32, #tpu.memory_space<vmem>>, vector<128x128xf32>
    %dot_general3A_49 = arith.constant dense<0.000000e+00> : vector<2000x128xf32>
    %dot_general3A_50 = tpu.matmul %mul3A, %get3A_48, %dot_general3A_49 {dimension_numbers = #tpu.dot_dimension_numbers<[1], [0], [0], [1], [0, 0, 1, 1], [], []>, transpose_lhs_hint = false} : vector<2000x128xf32>, vector<128x128xf32>, vector<2000x128xf32> -> vector<2000x128xf32>
    %get3A_51 = arith.constant 0 : index
    %get3A_52 = arith.constant 0 : index
    %get3A_53 = vector.load %arg13[%get3A_51, %get3A_52] : memref<1x128xf32, #tpu.memory_space<vmem>>, vector<1x128xf32>
    %add3A_54 = vector.broadcast %get3A_53 : vector<1x128xf32> to vector<2000x128xf32>
    %add3A_55 = arith.addf %dot_general3A_50, %add3A_54 : vector<2000x128xf32>
    %add3A_56 = arith.addf %get3A_25, %add3A_55 : vector<2000x128xf32>
    %reduce_sum3A = arith.constant dense<0.000000e+00> : vector<2000xf32>
    %reduce_sum3A_57 = vector.multi_reduction <add>, %add3A_56, %reduce_sum3A [1] : vector<2000x128xf32> to vector<2000xf32>
    %broadcast_in_dim3A = vector.shape_cast %reduce_sum3A_57 : vector<2000xf32> to vector<2000x1xf32>
    %div3A_58 = arith.constant 1.280000e+02 : f32
    %div3A_59 = vector.broadcast %div3A_58 : f32 to vector<2000x1xf32>
    %div3A_60 = arith.divf %broadcast_in_dim3A, %div3A_59 : vector<2000x1xf32>
    %sub3A = vector.broadcast %div3A_60 : vector<2000x1xf32> to vector<2000x128xf32>
    %sub3A_61 = arith.subf %add3A_56, %sub3A : vector<2000x128xf32>
    %integer_pow3A = arith.mulf %sub3A_61, %sub3A_61 : vector<2000x128xf32>
    %reduce_sum3A_62 = arith.constant dense<0.000000e+00> : vector<2000xf32>
    %reduce_sum3A_63 = vector.multi_reduction <add>, %integer_pow3A, %reduce_sum3A_62 [1] : vector<2000x128xf32> to vector<2000xf32>
    %broadcast_in_dim3A_64 = vector.shape_cast %reduce_sum3A_63 : vector<2000xf32> to vector<2000x1xf32>
    %div3A_65 = arith.constant 1.280000e+02 : f32
    %div3A_66 = vector.broadcast %div3A_65 : f32 to vector<2000x1xf32>
    %div3A_67 = arith.divf %broadcast_in_dim3A_64, %div3A_66 : vector<2000x1xf32>
    %sub3A_68 = vector.broadcast %div3A_60 : vector<2000x1xf32> to vector<2000x128xf32>
    %sub3A_69 = arith.subf %add3A_56, %sub3A_68 : vector<2000x128xf32>
    %add3A_70 = arith.constant 9.99999974E-6 : f32
    %add3A_71 = vector.broadcast %add3A_70 : f32 to vector<2000x1xf32>
    %add3A_72 = arith.addf %div3A_67, %add3A_71 : vector<2000x1xf32>
    %rsqrt3A = math.rsqrt %add3A_72 : vector<2000x1xf32>
    %mul3A_73 = vector.broadcast %rsqrt3A : vector<2000x1xf32> to vector<2000x128xf32>
    %mul3A_74 = arith.mulf %sub3A_69, %mul3A_73 : vector<2000x128xf32>
    %get3A_75 = arith.constant 0 : index
    %get3A_76 = arith.constant 0 : index
    %get3A_77 = vector.load %arg14[%get3A_75, %get3A_76] : memref<1x128xf32, #tpu.memory_space<vmem>>, vector<1x128xf32>
    %mul3A_78 = vector.broadcast %get3A_77 : vector<1x128xf32> to vector<2000x128xf32>
    %mul3A_79 = arith.mulf %mul3A_74, %mul3A_78 : vector<2000x128xf32>
    %get3A_80 = arith.constant 0 : index
    %get3A_81 = arith.constant 0 : index
    %get3A_82 = vector.load %arg15[%get3A_80, %get3A_81] : memref<1x128xf32, #tpu.memory_space<vmem>>, vector<1x128xf32>
    %add3A_83 = vector.broadcast %get3A_82 : vector<1x128xf32> to vector<2000x128xf32>
    %add3A_84 = arith.addf %mul3A_79, %add3A_83 : vector<2000x128xf32>
    %swap3A = arith.constant 0 : index
    %swap3A_85 = arith.constant 0 : index
    %swap3A_86 = vector.load %arg16[%swap3A, %swap3A_85] : memref<2000x128xf32, #tpu.memory_space<vmem>>, vector<2000x128xf32>
    tpu.vector_store %arg16[%swap3A, %swap3A_85], %add3A_84 {strides = array<i32>} : memref<2000x128xf32, #tpu.memory_space<vmem>>, vector<2000x128xf32>,
    %get3A_87 = arith.constant 0 : index
    %get3A_88 = arith.constant 0 : index
    %get3A_89 = arith.constant 0 : index
    %get3A_90 = vector.load %arg5[%get3A_87, %get3A_88, %get3A_89] : memref<1x2000x16xf32, #tpu.memory_space<vmem>>, vector<1x2000x16xf32>
    %get3A_91 = vector.shape_cast %get3A_90 : vector<1x2000x16xf32> to vector<2000x16xf32>
    %get3A_92 = arith.constant 0 : index
    %get3A_93 = arith.constant 0 : index
    %get3A_94 = arith.constant 0 : index
    %get3A_95 = vector.load %arg6[%get3A_92, %get3A_93, %get3A_94] : memref<1x2000x16xf32, #tpu.memory_space<vmem>>, vector<1x2000x16xf32>
    %get3A_96 = vector.shape_cast %get3A_95 : vector<1x2000x16xf32> to vector<2000x16xf32>
    %add3A_97 = arith.addf %get3A_91, %get3A_96 : vector<2000x16xf32>
    %get3A_98 = arith.constant 0 : index
    %get3A_99 = arith.constant 0 : index
    %get3A_100 = vector.load %arg8[%get3A_98, %get3A_99] : memref<2000x16xf32, #tpu.memory_space<vmem>>, vector<2000x16xf32>
    %div3A_101 = vector.broadcast %max3A_21 : vector<2000x1xf32> to vector<2000x16xf32>
    %div3A_102 = arith.divf %add3A_97, %div3A_101 : vector<2000x16xf32>
    %add3A_103 = arith.addf %get3A_100, %div3A_102 : vector<2000x16xf32>
    %swap3A_104 = arith.constant 0 : index
    %swap3A_105 = arith.constant 0 : index
    %swap3A_106 = vector.load %arg17[%swap3A_104, %swap3A_105] : memref<2000x16xf32, #tpu.memory_space<vmem>>, vector<2000x16xf32>
    tpu.vector_store %arg17[%swap3A_104, %swap3A_105], %add3A_103 {strides = array<i32>} : memref<2000x16xf32, #tpu.memory_space<vmem>>, vector<2000x16xf32>,
    return
  }
  func.func @transform_0(%arg0: i32) -> (i32, i32, i32) {
    %c0_i32 = arith.constant 0 : i32
    %c0_i32_0 = arith.constant 0 : i32
    %c0_i32_1 = arith.constant 0 : i32
    return %c0_i32, %arg0, %c0_i32_0 : i32, i32, i32
  }
  func.func @transform_1(%arg0: i32) -> (i32, i32, i32) {
    %c1_i32 = arith.constant 1 : i32
    %c0_i32 = arith.constant 0 : i32
    %c0_i32_0 = arith.constant 0 : i32
    return %c1_i32, %arg0, %c0_i32 : i32, i32, i32
  }
  func.func @transform_2(%arg0: i32) -> (i32, i32, i32) {
    %c0_i32 = arith.constant 0 : i32
    %c0_i32_0 = arith.constant 0 : i32
    %c0_i32_1 = arith.constant 0 : i32
    return %c0_i32, %arg0, %c0_i32_0 : i32, i32, i32
  }
  func.func @transform_3(%arg0: i32) -> (i32, i32, i32) {
    %c1_i32 = arith.constant 1 : i32
    %c0_i32 = arith.constant 0 : i32
    %c0_i32_0 = arith.constant 0 : i32
    return %c1_i32, %arg0, %c0_i32 : i32, i32, i32
  }
  func.func @transform_4(%arg0: i32) -> (i32, i32, i32) {
    %c0_i32 = arith.constant 0 : i32
    %c0_i32_0 = arith.constant 0 : i32
    %c0_i32_1 = arith.constant 0 : i32
    return %c0_i32, %arg0, %c0_i32_0 : i32, i32, i32
  }
  func.func @transform_5(%arg0: i32) -> (i32, i32, i32) {
    %c1_i32 = arith.constant 1 : i32
    %c0_i32 = arith.constant 0 : i32
    %c0_i32_0 = arith.constant 0 : i32
    return %c1_i32, %arg0, %c0_i32 : i32, i32, i32
  }
  func.func @transform_6(%arg0: i32) -> (i32, i32) {
    %c0_i32 = arith.constant 0 : i32
    %c0_i32_0 = arith.constant 0 : i32
    return %arg0, %c0_i32 : i32, i32
  }
  func.func @transform_7(%arg0: i32) -> (i32, i32) {
    %c0_i32 = arith.constant 0 : i32
    %c0_i32_0 = arith.constant 0 : i32
    return %arg0, %c0_i32 : i32, i32
  }
  func.func @transform_8(%arg0: i32) -> (i32, i32) {
    %c0_i32 = arith.constant 0 : i32
    %c0_i32_0 = arith.constant 0 : i32
    %c0_i32_1 = arith.constant 0 : i32
    return %c0_i32, %c0_i32_0 : i32, i32
  }
  func.func @transform_9(%arg0: i32) -> (i32, i32) {
    %c0_i32 = arith.constant 0 : i32
    %c0_i32_0 = arith.constant 0 : i32
    %c0_i32_1 = arith.constant 0 : i32
    return %c0_i32, %c0_i32_0 : i32, i32
  }
  func.func @transform_10(%arg0: i32) -> (i32, i32) {
    %c0_i32 = arith.constant 0 : i32
    %c0_i32_0 = arith.constant 0 : i32
    %c0_i32_1 = arith.constant 0 : i32
    return %c0_i32, %c0_i32_0 : i32, i32
  }
  func.func @transform_11(%arg0: i32) -> (i32, i32) {
    %c0_i32 = arith.constant 0 : i32
    %c0_i32_0 = arith.constant 0 : i32
    %c0_i32_1 = arith.constant 0 : i32
    return %c0_i32, %c0_i32_0 : i32, i32
  }
  func.func @transform_12(%arg0: i32) -> (i32, i32) {
    %c0_i32 = arith.constant 0 : i32
    %c0_i32_0 = arith.constant 0 : i32
    %c0_i32_1 = arith.constant 0 : i32
    return %c0_i32, %c0_i32_0 : i32, i32
  }
  func.func @transform_13(%arg0: i32) -> (i32, i32) {
    %c0_i32 = arith.constant 0 : i32
    %c0_i32_0 = arith.constant 0 : i32
    %c0_i32_1 = arith.constant 0 : i32
    return %c0_i32, %c0_i32_0 : i32, i32
  }
  func.func @transform_14(%arg0: i32) -> (i32, i32) {
    %c0_i32 = arith.constant 0 : i32
    %c0_i32_0 = arith.constant 0 : i32
    %c0_i32_1 = arith.constant 0 : i32
    return %c0_i32, %c0_i32_0 : i32, i32
  }
  func.func @transform_15(%arg0: i32) -> (i32, i32) {
    %c0_i32 = arith.constant 0 : i32
    %c0_i32_0 = arith.constant 0 : i32
    return %arg0, %c0_i32 : i32, i32
  }
  func.func @transform_16(%arg0: i32) -> (i32, i32) {
    %c0_i32 = arith.constant 0 : i32
    %c0_i32_0 = arith.constant 0 : i32
    return %arg0, %c0_i32 : i32, i32
  }
}

</mosaic_0001>

<sc_bundles>
// kernel: kernel.10.cloned.1.call-start
scs
__scs_entry_jumppad:
0x0: {  	(pc) =	sbr.rel $0x88, $3  }
0x1: {  	(tag) =	ssettag $0x0;
	lr =	simm.s32 $0x1  }
0x2: {  	[smem:$0x3F8F] =	sst lr;
	_ =	strace $0xD0000000  }
0x3: {  	_ = 	snop  }
0x4: {  	_ = 	snop  }
0x5: {  	_ = 	snop  }
0x6: {  	_ = 	snop  }
0x7: {  	_ = 	snop  }
__scs_overlays_trampoline_lowered:
0x8: {  	[smem:$0x3F9E] =	sst s0  }
0x9: {  	[smem:$0x3F9F] =	sst s1  }
0xa: {  	[smem:$0x3FA0] =	sst s2  }
0xb: {  	[smem:$0x3FA1] =	sst s3  }
0xc: {  	[smem:$0x3FA2] =	sst s4  }
0xd: {  	[smem:$0x3FA3] =	sst s5  }
0xe: {  	[smem:$0x3FA4] =	sst s6  }
0xf: {  	[smem:$0x3FA5] =	sst s7  }
0x10: {  	[smem:$0x3FA6] =	sst s8  }
0x11: {  	[smem:$0x3FA7] =	sst s9;
	s0 =	simm.s32 @!p0 $0x0  }
0x12: {  	s1 =	sld [smem:$0x3F8D];
	s0 =	simm.s32 @p0 $0x1  }
0x13: {  	[smem:$0x3FA8] =	sst s0;
	s0 =	simm.s32 @!p1 $0x0  }
0x14: {  	s2 =	sld [smem:$0x3F8C];
	s0 =	simm.s32 @p1 $0x1  }
0x15: {  	[smem:$0x3FA9] =	sst s0;
	s0 =	simm.s32 @!p2 $0x0  }
0x16: {  	s3 =	sld [smem:$0x3FDB];
	s0 =	simm.s32 @p2 $0x1  }
0x17: {  	s4 =	simm.s32 $0x1BF5;
	[smem:$0x3FAB] =	sst s0  }
0x18: {  	s0 =	sld [smem:$0x3F8E];
	_ =	swait.ge [sflag:s4], $0x0  }
0x19: {  	s7 =	sld [smem:$0x3F8F]  }
0x1a: {  	s8 =	sadd.s32 $0xFFFFE003, lr  }
0x1b: {  	s9 =	sadd.s32 $0xFFFFFEF7, lr;
	s5 =	simm.s32 $0xFFFFFFFF;
	p2 =	slt.u32 s8, $0xFFFFF086  }
0x1c: {  	p1 =	slt.u32 s9, $0xF7A;
	s5 =	simm.s32 @!p2 $0x0  }
0x1d: {  	s5 =	simm.s32 @p1 $0x1;
	p0 =	seq.s32 s7, s2  }
0x1e: {  	s7 =	smul.u32 @!p0 $0xF7A, s2;
	p2 =	seq.s32 @!p0 s5, $0x0  }
0x1f: {  	s9 =	smul.u32 $0xF7A, s1;
	s8 =	simm.s32 @!p0 $0x1BF5;
	p2 =	por !p2, p0  }
0x20: {  	[sflag:s8] =	ssyncset.s32 @!p0 $0xFFFFF086;
	s6 =	sadd.s32 @!p0 s3, s7;
	s7 =	simm.s32 @!p0 $0x108  }
0x21: {  	s3 =	sadd.s32 s3, s9;
	s6 =	sadd.s32 @!p0 $0x88, s6;
	s7 =	simm.s32 @p2 $0x1082  }
0x22: {  	[simem:s7], [sflag:s8] =	dma.local @!p0 [hbm:s6], $0xF7A  }
0x23: {  	s9 =	sor.u32 $0xD0000000, s2;
	s6 =	simm.s32 $0x108;
	_ =	swait.ge @!p0 [sflag:s8], $0x0  }
0x24: {  	s3 =	sadd.s32 $0x88, s3;
	s6 =	simm.s32 @!p1 $0x1082;
	[sflag:s4] =	ssyncset.s32 $0xFFFFF086  }
0x25: {  	[simem:s6], [sflag:s4] =	dma.local [hbm:s3], $0xF7A  }
0x26: {  	[smem:$0x3F8F] =	sst s1;
	(tag) =	ssettag s2;
	_ =	strace s9  }
0x27: {  	s1 =	sld [smem:$0x3F9F]  }
0x28: {  	s2 =	sld [smem:$0x3FA0]  }
0x29: {  	s4 =	sld [smem:$0x3FA2]  }
0x2a: {  	p0 =	seq.s32 s5, $0x0;
	s5 =	sld [smem:$0x3FA3]  }
0x2b: {  	s6 =	sld [smem:$0x3FA4]  }
0x2c: {  	s7 =	sld [smem:$0x3FA5]  }
0x2d: {  	s3 =	simm.s32 $0x108;
	s8 =	sld [smem:$0x3FA6]  }
0x2e: {  	s3 =	simm.s32 @!p0 $0x1082;
	s9 =	sld [smem:$0x3FA7]  }
0x2f: {  	lr =	sadd.s32 s0, s3;
	s0 =	sld [smem:$0x3F9E]  }
0x30: {  	s3 =	sld [smem:$0x3FA1]  }
0x31: {  	[smem:$0x3FAA] =	sst s10  }
0x32: {  	s10 =	sld [smem:$0x3FA8];
	_ =	sdelay $0x3  }
0x33: {  	p0 =	seq.s32 s10, $0x1;
	s10 =	sld [smem:$0x3FAA];
	_ =	sdelay $0x3  }
0x34: {  	[smem:$0x3FAA] =	sst s10  }
0x35: {  	s10 =	sld [smem:$0x3FA9];
	_ =	sdelay $0x3  }
0x36: {  	p1 =	seq.s32 s10, $0x1;
	s10 =	sld [smem:$0x3FAA];
	_ =	sdelay $0x3  }
0x37: {  	[smem:$0x3FAA] =	sst s10  }
0x38: {  	s10 =	sld [smem:$0x3FAB]  }
0x39: {  	_ = 	snop;
	(pc) =	sbr.ind lr, $3  }
0x3a: {  	_ = 	snop  }
0x3b: {  	_ = 	snop  }
0x3c: {  	p2 =	seq.s32 s10, $0x1;
	s10 =	sld [smem:$0x3FAA]  }
0x3d: {  	_ =	shalt  }
0x3e: {  	_ =	shalt  }
0x3f: {  	_ =	shalt  }
0x40: {  	_ =	shalt  }
0x41: {  	_ =	shalt  }
0x42: {  	_ =	shalt  }
0x43: {  	_ =	shalt  }
0x44: {  	_ =	shalt  }
0x45: {  	_ =	shalt  }
0x46: {  	_ =	shalt  }
0x47: {  	_ =	shalt  }
0x48: {  	_ =	shalt  }
0x49: {  	_ =	shalt  }
0x4a: {  	_ =	shalt  }
0x4b: {  	_ =	shalt  }
0x4c: {  	_ =	shalt  }
0x4d: {  	_ =	shalt  }
0x4e: {  	_ =	shalt  }
0x4f: {  	_ =	shalt  }
0x50: {  	_ =	shalt  }
0x51: {  	_ =	shalt  }
0x52: {  	_ =	shalt  }
0x53: {  	_ =	shalt  }
0x54: {  	_ =	shalt  }
0x55: {  	_ =	shalt  }
0x56: {  	_ =	shalt  }
0x57: {  	_ =	shalt  }
0x58: {  	_ =	shalt  }
0x59: {  	_ =	shalt  }
0x5a: {  	_ =	shalt  }
0x5b: {  	_ =	shalt  }
0x5c: {  	_ =	shalt  }
0x5d: {  	_ =	shalt  }
0x5e: {  	_ =	shalt  }
0x5f: {  	_ =	shalt  }
0x60: {  	_ =	shalt  }
0x61: {  	_ =	shalt  }
0x62: {  	_ =	shalt  }
0x63: {  	_ =	shalt  }
0x64: {  	_ =	shalt  }
0x65: {  	_ =	shalt  }
0x66: {  	_ =	shalt  }
0x67: {  	_ =	shalt  }
0x68: {  	_ =	shalt  }
0x69: {  	_ =	shalt  }
0x6a: {  	_ =	shalt  }
0x6b: {  	_ =	shalt  }
0x6c: {  	_ =	shalt  }
0x6d: {  	_ =	shalt  }
0x6e: {  	_ =	shalt  }
0x6f: {  	_ =	shalt  }
0x70: {  	_ =	shalt  }
0x71: {  	_ =	shalt  }
0x72: {  	_ =	shalt  }
0x73: {  	_ =	shalt  }
0x74: {  	_ =	shalt  }
0x75: {  	_ =	shalt  }
0x76: {  	_ =	shalt  }
0x77: {  	_ =	shalt  }
0x78: {  	_ =	shalt  }
0x79: {  	_ =	shalt  }
0x7a: {  	_ =	shalt  }
0x7b: {  	_ =	shalt  }
0x7c: {  	_ =	shalt  }
0x7d: {  	_ =	shalt  }
0x7e: {  	_ =	shalt  }
0x7f: {  	_ =	shalt  }
0x80: {  	_ =	shalt  }
0x81: {  	_ =	shalt  }
0x82: {  	_ =	shalt  }
0x83: {  	_ =	shalt  }
0x84: {  	_ =	shalt  }
0x85: {  	_ =	shalt  }
0x86: {  	_ =	shalt  }
0x87: {  	_ =	shalt  }
.Lfunc_end0:
.L_simem_size_0:
called_computation.1_lowered:
.L_overlay_start_0:
0x88: {  	s2 =	sld [smem:$0x3FD9]  }
0x89: {  	s3 =	sld [smem:$0x3FFE];
	_ =	sdelay $0x1  }
0x8a: {  	s1 =	srdreg.scid  }
0x8b: {  	s0 =	sand.u32 $0x1, s1  }
0x8c: {  	s14 =	sshll.u32 s0, $0xA;
	s2 =	sadd.s32 s3, s2  }
0x8d: {  	s2 =	sadd.s32 s2, s14  }
0x8e: {  	[smem:$0x3FB6] =	sst s2  }
0x8f: {  	_ = 	snop  }
0x90: {  	s2 =	sld [smem:$0x3FD0];
	_ =	sdelay $0x2  }
0x91: {  	s15 =	simm.s32 $0xA;
	s4 =	simm.s32 $0x10  }
0x92: {  	[smem:s4], [sflag:s15] =	dma.local [hbm:s2], $0x1  }
0x93: {  	_ =	swait.eq [sflag:s15], $0x1  }
0x94: {  	[sflag:s15] =	ssyncset.done $0x0  }
0x95: {  	[sflag:s15] =	ssyncadd.s32 $0xFFFFFFFF  }
0x96: {  	s16 =	sld [smem:$0x10];
	(tm) =	ssettm $0x1  }
0x97: {  	s17 =	sld [smem:$0x3FFB];
	_ =	sdelay $0x3  }
0x98: {  	_ =	strace s17  }
0x99: {  	s3 =	sld [smem:$0x3FFC];
	_ =	sdelay $0x3  }
0x9a: {  	_ =	strace s3  }
0x9b: {  	s3 =	sld [smem:$0x3FFD];
	_ =	sdelay $0x3  }
0x9c: {  	_ =	strace s3  }
0x9d: {  	_ =	strace $0x8FFFFFFF  }
0x9e: {  	s18 =	sld [smem:$0x3FDB];
	_ =	sdelay $0x1  }
0x9f: {  	s19 =	simm.s32 $_scs_section_size  }
0xa0: {  	s5 =	simm.s32 $_size__tile_overlayer_lowered;
	s6 =	simm.s32 $_tile_overlayer_lowered  }
0xa1: {  	s22 =	simm.s32 $0x1BFF;
	s21 =	sshll.u32 s6, $0x1;
	s3 =	sadd.s32 s19, s18  }
0xa2: {  	s7 =	simm.s32 $0x0;
	s20 =	sshll.u32 s5, $0x1;
	s5 =	sadd.s32 s21, s3  }
0xa3: {  	[timem:s7], [sflag:s22] =	dma.local [hbm:s5], s20  }
0xa4: {  	_ =	swait.ge [sflag:s22], s20  }
0xa5: {  	s4 =	ssub.s32 $0x0, s20;
	[sflag:s22] =	ssyncset.done $0x0  }
0xa6: {  	[sflag:s22] =	ssyncadd.s32 s4;
	_ =	sdelay $0x1  }
0xa7: {  	s23 =	simm.s32 $0x1B8B  }
0xa8: {  	_ =	swait.ge [sflag:s23], $0x1  }
0xa9: {  	[sflag:s23] =	ssyncset.done $0x0  }
0xaa: {  	s25 =	simm.s32 $0x1B8E;
	s24 =	sld [smem:$0x3FFE];
	[sflag:s23] =	ssyncadd.s32 $0xFFFFFFFF  }
0xab: {  	s26 =	simm.s32 $execute0_lowered;
	[smem:$0x3FD2] =	sst s25  }
0xac: {  	s5 =	sshll.u32 s26, $0x1;
	_ =	strace $0x80000049;
	[dreg:$0x1] =	wrdreg $0xFFFFFFFF  }
0xad: {  	s28 =	simm.s32 $_size_execute0_lowered;
	s3 =	sadd.s32 s3, s5;
	[dreg:$0x0] =	wrdreg $0x0  }
0xae: {  	s5 =	sshll.u32 s28, $0x1;
	[dreg:$0x2] =	wrdreg s3  }
0xaf: {  	[dreg:$0x3] =	wrdreg s5  }
0xb0: {  	[dreg:$0x4] =	wrdreg $0xC0  }
0xb1: {  	_ =	task [dreg:s7], $0x5FFFF  }
0xb2: {  	[dreg:$0x1] =	wrdreg $0xFFFFFFFF  }
0xb3: {  	[dreg:$0x0] =	wrdreg $0x60  }
0xb4: {  	[dreg:$0x2] =	wrdreg s24  }
0xb5: {  	[dreg:$0x3] =	wrdreg s16  }
0xb6: {  	[dreg:$0x4] =	wrdreg $0x6E500  }
0xb7: {  	[dreg:$0x5] =	wrdreg $0x1A6D00  }
0xb8: {  	[dreg:$0x6] =	wrdreg $0x1CDE00  }
0xb9: {  	[dreg:$0x7] =	wrdreg $0x9  }
0xba: {  	_ =	task.clear_ibuf [dreg:s7], $0x8FFFF;
	_ =	strace $0x90000049  }
0xbb: {  	s29 =	simm.s32 $0x9;
	_ =	strace $0x8000004B  }
0xbc: {  	_ =	swait.ge [sflag:s29], $0x1  }
0xbd: {  	[sflag:s29] =	ssyncadd.s32 $0xFFFFFFFF  }
0xbe: {  	_ =	strace $0x9000004B  }
0xbf: {  	_ =	sfence  }
0xc0: {  	s30 =	sld [smem:$0x0];
	_ =	sdelay $0x2  }
0xc1: {  	s31 =	sshll.u32 s1, $0xD;
	s1 =	sshrl.u32 s1, $0x2  }
0xc2: {  	s3 =	sand.u32 $0x4000, s31;
	s1 =	sadd.s32 s1, s30  }
0xc3: {  	s0 =	sor.u32 s3, s0;
	s1 =	sshll.u32 s1, $0x11  }
0xc4: {  	s0 =	sor.u32 s1, s0  }
0xc5: {  	s0 =	sadd.s32 $0x8F2B, s0  }
0xc6: {  	[sflag:s0] =	ssyncadd.remote.s32 $0x1  }
0xc7: {  	_ =	sfence.sel $0xFFFF  }
0xc8: {  	[dreg:$0x0] =	wrdreg $0xFFFFFFFF;
	(pc) =	sbr.abs _section_cstart, $3  }
0xc9: {  	[dreg:$0x1] =	wrdreg $0xFFFFFFFF  }
0xca: {  	_ =	task.clear_ibuf [dreg:s7], $0x2FFFF;
	_ =	strace $0x9FFFFFFF  }
0xcb: {  	(tm) =	ssettm $0x7FFFFFFF  }
tec
execute0_lowered:
.L_overlay_start_1:
0x0: {  	(tag) =	ssettag $0x1  }
0x1: {  	s0 =	rddreg [dreg:$0x0]  }
0x2: {  	s4 =	rddreg [dreg:$0x1]  }
0x3: {  	s1 =	rddreg [dreg:$0x2]  }
0x4: {  	s2 =	rddreg [dreg:$0x3];
	s20 =	stileid.u32  }
0x5: {  	s3 =	rddreg [dreg:$0x4];
	s18 =	smul.u32 $0x4E20, s20  }
0x6: {  	s5 =	simm.s32 $0x0;
	s6 =	srdreg.scid;
	s22 =	smul.u32 $0x4E200, s20  }
0x7: {  	s29 =	simm.s32 $0x1;
	s8 =	sand.u32 $0x1, s6;
	s25 =	smul.u32 $0x4E2, s20  }
0x8: {  	s30 =	simm.s32 $0x50;
	s31 =	simm.s32 $0x5B40;
	s9 =	smul.u32 $0x27100, s8  }
0x9: {  	[smem:$0x7FF] =	sst s5;
	s26 =	sshll.u32 s20, $0x1;
	s11 =	smul.u32 $0x4E20, s8  }
0xa: {  	s12 =	sor.u32 s8, s26;
	s16 =	ssub.s32 $0x2, s8;
	s8 =	smul.u32 $0x2710, s8  }
0xb: {  	s10 =	sadd.s32 $0x1EF2200, s0;
	s13 =	sadd.s32 $0x41400, s0;
	s14 =	smul.u32 $0x2710, s12  }
0xc: {  	s6 =	sadd.s32 $0x6600, s0;
	s7 =	sadd.s32 $0x10400, s0;
	s15 =	smul.u32 $0x27100, s12  }
0xd: {  	_ =	strace $0x8000004A;
	s12 =	smul.u32 $0x4E20, s12;
	s17 =	sshrl.u32 s16, $0x1  }
0xe: {  	s23 =	sshrl.u32 s22, $0x2;
	s22 =	simm.s32 $0x6040;
	s9 =	sadd.s32 s9, s0  }
0xf: {  	s0 =	sadd.s32 s11, s0;
	s16 =	ssub.s32 s16, s17;
	s17 =	smul.u32 $0x9C40, s20  }
0x10: {  	s8 =	sadd.s32 s8, s18;
	s4 =	sadd.s32 s11, s4;
	s18 =	simm.s32 $0x140  }
0x11: {  	s14 =	sshrl.u32 s14, $0x3;
	s15 =	sadd.s32 s10, s15;
	s12 =	sadd.s32 s13, s12  }
0x12: {  	s19 =	smax.u32 s16, $0x1;
	s8 =	sadd.s32 $0x50, s8;
	[dreg:$0x8] =	wrdreg s15  }
0x13: {  	s16 =	sadd.s32 s23, s1;
	s0 =	sadd.s32 s25, s0;
	[dreg:$0x9] =	wrdreg s12  }
0x14: {  	s23 =	simm.s32 $0x2;
	s28 =	sadd.s32 s6, s14;
	[dreg:$0xa] =	wrdreg s19  }
0x15: {  	s14 =	sadd.s32 s7, s14;
	s21 =	sshrl.u32 s17, $0x2;
	[dreg:$0xb] =	wrdreg s8  }
0x16: {  	s8 =	sshrl.u32 s8, $0x4;
	s19 =	smul.u32 $0x2710, s20;
	[dreg:$0xd] =	wrdreg s16  }
0x17: {  	s0 =	sadd.s32 $0xDD800, s0;
	s17 =	simm.s32 $0xA0;
	[dreg:$0x6] =	wrdreg s28  }
0x18: {  	[dreg:$0x7] =	wrdreg s14;
	s14 =	sadd.s32 s21, s2;
	s15 =	sadd.s32 s21, s3  }
0x19: {  	s24 =	sshll.u32 s8, $0x5;
	[dreg:$0x10] =	wrdreg s0;
	s28 =	sadd.s32 s25, s4  }
0x1a: {  	s8 =	sshll.u32 s8, $0x8;
	s13 =	sadd.s32 s24, s13;
	[dreg:$0x11] =	wrdreg s28  }
0x1b: {  	s8 =	sadd.s32 s8, s10;
	s26 =	sadd.s32 s19, s9;
	[dreg:$0xc] =	wrdreg s13  }
0x1c: {  	v0 =	vimm.f32 $0.0e+00;
	vm0 =	vcmask $0x300;
	s0 =	simm.s32 $0x0;
	[dreg:$0xe] =	wrdreg s8;
	s8 =	sadd.s32 $0xE7600, s26  }
0x1d: {  	v1 =	vsel vm0, $0x3F800000, v0;
	s24 =	simm.s32 $0x6CC0;
	s19 =	simm.s32 $0x5140;
	[dreg:$0xf] =	wrdreg s8  }
.LBB2_1:
0x1e: {  	s4 =	sand.u32 $0x3E00, s5  }
0x1f: {  	s8 =	sand.u32 $0x70, s5;
	s9 =	sshrl.u32 s4, $0x2  }
0x20: {  	s4 =	simm.s32 $0x40;
	s9 =	sor.u32 s8, s9;
	s8 =	simm.s32 $0x0  }
.LBB2_2:
0x21: {  	p0 =	sne.s32 s4, $0x31C0  }
0x22: {  	[tilespmem:s9+$0x6040] =	vst v0;
	s8 =	sadd.s32 $0x10, s8;
	s9 =	smov.u32 s4;
	s4 =	sadd.s32 $0x40, s4  }
.Ltmp0:
0x23: {  	(pc) =	sbr.rel @p0 .LBB2_2-.Ltmp0, $4  }
0x24: {  	_ = 	snop  }
0x25: {  	s9 =	sand.u32 $0x3E00, s9  }
0x26: {  	s10 =	sand.u32 $0x70, s8;
	s9 =	sshrl.u32 s9, $0x2  }
0x27: {  	s9 =	sor.u32 s10, s9  }
0x28: {  	[tilespmem:s9+$0x6040] =	vst v0  }
0x29: {  	[tilespmem:$0x6CC0] =	vst v0  }
0x2a: {  	[tilespmem:$0x6CD0] =	vst v0  }
0x2b: {  	[tilespmem:$0x6CE0] =	vst v0  }
0x2c: {  	[tilespmem:$0x6CF0] =	vst v0  }
0x2d: {  	[tilespmem:$0x6D00] =	vst v0  }
0x2e: {  	[tilespmem:$0x6D10] =	vst v0  }
0x2f: {  	[tilespmem:$0x6D20] =	vst v0  }
0x30: {  	[tilespmem:$0x6D30] =	vst v0  }
0x31: {  	[tilespmem:$0x6D40] =	vst v0  }
0x32: {  	[tilespmem:$0x6D50] =	vst v0  }
0x33: {  	[tilespmem:$0x6D60] =	vst v0  }
0x34: {  	[tilespmem:$0x6D70] =	vst v0  }
0x35: {  	[tilespmem:$0x6D80] =	vst v0  }
0x36: {  	[tilespmem:$0x6D90] =	vst v0  }
0x37: {  	[tilespmem:$0x6DA0] =	vst v0  }
0x38: {  	[tilespmem:$0x6DB0] =	vst v0  }
0x39: {  	[tilespmem:$0x6DC0] =	vst v0  }
0x3a: {  	[tilespmem:$0x6DD0] =	vst v0  }
0x3b: {  	[tilespmem:$0x6DE0] =	vst v0  }
0x3c: {  	[tilespmem:$0x6DF0] =	vst v0  }
0x3d: {  	[tilespmem:$0x6E00] =	vst v0  }
0x3e: {  	[tilespmem:$0x6E10] =	vst v0  }
0x3f: {  	[tilespmem:$0x6E20] =	vst v0  }
0x40: {  	[tilespmem:$0x6E30] =	vst v0  }
0x41: {  	s4 =	simm.s32 $0x40;
	s8 =	simm.s32 $0x0;
	[tilespmem:$0x6E40] =	vst v0  }
.LBB2_4:
0x42: {  	p0 =	sne.s32 s4, $0x13C0;
	[tilespmem:s8+$0x5B40] =	vst v1;
	s8 =	smov.u32 s4;
	s4 =	sadd.s32 $0x40, s4  }
.Ltmp1:
0x43: {  	(pc) =	sbr.rel @p0 .LBB2_4-.Ltmp1, $2  }
0x44: {  	_ =	sdelay $0x2  }
0x45: {  	s8 =	sshra.s32 s8, $0x2  }
0x46: {  	[tilespmem:s8+$0x5B40] =	vst v1  }
0x47: {  	[spmem:s16] =	stream.linear.scatter [tilespmem:s22], [sflag:$0x2], $0xC80, $0x38;
	[tilespmem:$0x1F4F0] =	vst v63  }
0x48: {  	_ =	swait.ge [sflag:s23], $0xC80  }
0x49: {  	[sflag:s23] =	ssyncset.done $0x0  }
0x4a: {  	s4 =	sadd.s32 $0x0, s14;
	[sflag:s23] =	ssyncadd.s32 $0xFFFFF380  }
0x4b: {  	[spmem:s4] =	stream.linear.scatter [tilespmem:s24], [sflag:$0x2], $0x190, $0x38;
	[tilespmem:$0x1F4F0] =	vst v63  }
0x4c: {  	_ =	swait.ge [sflag:s23], $0x190  }
0x4d: {  	[sflag:s23] =	ssyncset.done $0x0  }
0x4e: {  	s28 =	sadd.s32 $0x0, s15;
	[sflag:s23] =	ssyncadd.s32 $0xFFFFFE70  }
0x4f: {  	[spmem:s28] =	stream.linear.scatter [tilespmem:s24], [sflag:$0x2], $0x190, $0x38;
	[tilespmem:$0x1F4F0] =	vst v63  }
0x50: {  	_ =	swait.ge [sflag:s23], $0x190  }
0x51: {  	s8 =	smov.u32 s16;
	s4 =	simm.s32 $0x640;
	[sflag:s23] =	ssyncset.done $0x0  }
.LBB2_6:
0x52: {  	p0 =	sne.s32 s4, $0x9600;
	[sflag:s23] =	ssyncadd.s32 $0xFFFFFE70;
	s8 =	sadd.s32 $0xC80, s8  }
0x53: {  	[spmem:s8] =	stream.linear.scatter [tilespmem:s22], [sflag:$0x2], $0xC80, $0x38;
	[tilespmem:$0x1F4F0] =	vst v63  }
0x54: {  	s9 =	smov.u32 s4;
	s4 =	sadd.s32 $0x640, s4;
	_ =	swait.ge [sflag:s23], $0xC80  }
0x55: {  	s9 =	sshra.s32 s9, $0x2;
	[sflag:s23] =	ssyncset.done $0x0  }
0x56: {  	s10 =	sadd.s32 s9, s14;
	[sflag:s23] =	ssyncadd.s32 $0xFFFFF380  }
0x57: {  	[spmem:s10] =	stream.linear.scatter [tilespmem:s24], [sflag:$0x2], $0x190, $0x38;
	[tilespmem:$0x1F4F0] =	vst v63  }
0x58: {  	_ =	swait.ge [sflag:s23], $0x190  }
.Ltmp2:
0x59: {  	[sflag:s23] =	ssyncset.done $0x0;
	(pc) =	sbr.rel @p0 .LBB2_6-.Ltmp2, $4  }
0x5a: {  	s9 =	sadd.s32 s9, s15;
	[sflag:s23] =	ssyncadd.s32 $0xFFFFFE70  }
0x5b: {  	[spmem:s9] =	stream.linear.scatter [tilespmem:s24], [sflag:$0x2], $0x190, $0x38;
	[tilespmem:$0x1F4F0] =	vst v63  }
0x5c: {  	_ =	swait.ge [sflag:s23], $0x190  }
0x5d: {  	[sflag:s23] =	ssyncset.done $0x0  }
0x5e: {  	[sflag:s23] =	ssyncadd.s32 $0xFFFFFE70  }
0x5f: {  	[bflag:$0x0] =	sbarrier.arrive $0xFFFF  }
0x60: {  	s4 =	simm.s32 $0x0;
	s8 =	rddreg [dreg:$0x6]  }
0x61: {  	[tilespmem:s4], [sflag:$0x1] =	stream.linear.gather [hbm4b:s8+s4], $0x50, $0x38;
	[tilespmem:$0x1F4F0] =	vst v63  }
0x62: {  	s16 =	rddreg [dreg:$0x7]  }
0x63: {  	[tilespmem:s17], [sflag:$0x1] =	stream.linear.gather [hbm4b:s16+s4], $0x50, $0x38;
	[tilespmem:$0x1F4F0] =	vst v63  }
0x64: {  	s17 =	rddreg [dreg:$0x8]  }
0x65: {  	[tilespmem:s18], [sflag:$0x1] =	stream.linear.gather [hbm4b:s17+s4], $0x2800, $0x38;
	[tilespmem:$0x1F4F0] =	vst v63  }
0x66: {  	s20 =	rddreg [dreg:$0x9]  }
0x67: {  	[tilespmem:s19], [sflag:$0x1] =	stream.linear.gather [hbm4b:s20+s4], $0x500, $0x38;
	[tilespmem:$0x1F4F0] =	vst v63  }
0x68: {  	s4 =	sand.u32 $0x1, s4  }
0x69: {  	s16 =	rddreg [dreg:$0xb];
	s21 =	sxor.u32 $0x1, s4  }
0x6a: {  	s10 =	sshrl.u32 s16, $0x3;
	s9 =	smul.u32 $0x50, s21  }
0x6b: {  	s11 =	sadd.s32 s6, s10;
	s25 =	sadd.s32 s7, s10;
	s13 =	smul.u32 $0xA000, s21  }
0x6c: {  	[tilespmem:s9], [sflag:$0x1] =	stream.linear.gather [hbm4b:s11+s5], $0x50, $0x38;
	[tilespmem:$0x1F4F0] =	vst v63  }
0x6d: {  	s8 =	smul.u32 $0x1400, s21;
	s12 =	sadd.s32 $0xA0, s9;
	s26 =	sshrl.u32 s13, $0x2  }
0x6e: {  	[tilespmem:s12], [sflag:$0x1] =	stream.linear.gather [hbm4b:s25+s5], $0x50, $0x38;
	[tilespmem:$0x1F4F0] =	vst v63  }
0x6f: {  	s8 =	sshrl.u32 s8, $0x2;
	s11 =	sor.u32 $0x140, s26;
	s12 =	rddreg [dreg:$0xe]  }
0x70: {  	[tilespmem:s11], [sflag:$0x1] =	stream.linear.gather [hbm4b:s12+s5], $0x2800, $0x38;
	[tilespmem:$0x1F4F0] =	vst v63  }
0x71: {  	s13 =	rddreg [dreg:$0xc];
	s8 =	sadd.s32 $0x5140, s8  }
0x72: {  	[tilespmem:s8], [sflag:$0x1] =	stream.linear.gather [hbm4b:s13+s5], $0x500, $0x38;
	[tilespmem:$0x1F4F0] =	vst v63  }
0x73: {  	_ =	swait.ge [sflag:s29], $0x50  }
0x74: {  	[sflag:s29] =	ssyncset.done $0x0  }
0x75: {  	[sflag:s29] =	ssyncadd.s32 $0xFFFFFFB0  }
0x76: {  	_ =	swait.ge [sflag:s29], $0x50  }
0x77: {  	[sflag:s29] =	ssyncset.done $0x0  }
0x78: {  	[sflag:s29] =	ssyncadd.s32 $0xFFFFFFB0  }
0x79: {  	_ =	swait.ge [sflag:s29], $0x2800  }
0x7a: {  	[sflag:s29] =	ssyncset.done $0x0  }
0x7b: {  	s18 =	smul.u32 $0xA000, s4;
	[sflag:s29] =	ssyncadd.s32 $0xFFFFD800  }
0x7c: {  	s19 =	sadd.s32 $0x50, s16;
	_ =	swait.ge [sflag:s29], $0x500  }
0x7d: {  	s20 =	smul.u32 $0x50, s4;
	s8 =	sshrl.u32 s18, $0x2;
	[sflag:s29] =	ssyncset.done $0x0  }
0x7e: {  	s4 =	smul.u32 $0x1400, s4;
	s8 =	sor.u32 $0x140, s8;
	[sflag:s29] =	ssyncadd.s32 $0xFFFFFB00  }
0x7f: {  	[spmem:s1] =	stream.indirect.scatter.add.f32 [tilespmem:s8], [sflag:$0x2], $0x80, s20, s30, $0xb8;
	[tilespmem:$0x1F4F0] =	vst v63  }
0x80: {  	s10 =	sshrl.u32 s19, $0x3;
	s21 =	simm.s32 $0x1;
	_ =	swait.ge [sflag:s23], $0x2800  }
0x81: {  	s9 =	sand.u32 $0x1, s21;
	s26 =	sshrl.u32 s4, $0x2;
	[sflag:s23] =	ssyncset.done $0x0  }
0x82: {  	s4 =	sadd.s32 $0xA0, s13;
	s28 =	sxor.u32 $0x1, s9;
	[sflag:s23] =	ssyncadd.s32 $0xFFFFD800  }
0x83: {  	[spmem:s2] =	stream.indirect.scatter.add.f32 [tilespmem:s31], [sflag:$0x2], $0x10, s20, s30, $0xb8;
	[tilespmem:$0x1F4F0] =	vst v63  }
0x84: {  	s16 =	smul.u32 $0xA000, s9;
	s25 =	simm.s32 $0x2;
	_ =	swait.ge [sflag:s23], $0x500  }
0x85: {  	s11 =	sadd.s32 $0x50, s19;
	s13 =	sadd.s32 $0x5140, s26;
	[sflag:s23] =	ssyncset.done $0x0  }
0x86: {  	s8 =	sadd.s32 $0x500, s12;
	s12 =	sadd.s32 $0xA0, s20;
	[sflag:s23] =	ssyncadd.s32 $0xFFFFFB00  }
.LBB2_8:
0x87: {  	[spmem:s3] =	stream.indirect.scatter.add.f32 [tilespmem:s13], [sflag:$0x2], $0x10, s12, s30, $0xb8;
	[tilespmem:$0x1F4F0] =	vst v63  }
0x88: {  	s12 =	smov.u32 s25  }
0x89: {  	s13 =	sadd.s32 s6, s10;
	s16 =	sshrl.u32 s16, $0x2;
	_ =	swait.ge [sflag:s23], $0x500  }
0x8a: {  	s18 =	sshrl.u32 s11, $0x3;
	s20 =	smul.u32 $0x50, s28;
	[sflag:s23] =	ssyncset.done $0x0  }
0x8b: {  	s26 =	sadd.s32 $0x1, s25;
	s21 =	smul.u32 $0x1400, s9;
	[sflag:s23] =	ssyncadd.s32 $0xFFFFFB00  }
0x8c: {  	s10 =	sadd.s32 s7, s10;
	s17 =	smul.u32 $0xA000, s28;
	s19 =	sadd.s32 $0xA0, s20  }
0x8d: {  	[tilespmem:s20], [sflag:$0x1] =	stream.linear.gather [hbm4b:s13+s5], $0x50, $0x38;
	[tilespmem:$0x1F4F0] =	vst v63  }
0x8e: {  	s13 =	sshrl.u32 s17, $0x2;
	s17 =	smul.u32 $0x1400, s28;
	s20 =	sshrl.u32 s21, $0x2  }
0x8f: {  	[tilespmem:s19], [sflag:$0x1] =	stream.linear.gather [hbm4b:s10+s5], $0x50, $0x38;
	[tilespmem:$0x1F4F0] =	vst v63  }
0x90: {  	p0 =	sne.s32 s25, $0x7B;
	s10 =	sor.u32 $0x140, s13;
	s13 =	sshrl.u32 s17, $0x2  }
0x91: {  	[tilespmem:s10], [sflag:$0x1] =	stream.linear.gather [hbm4b:s8+s5], $0x2800, $0x38;
	[tilespmem:$0x1F4F0] =	vst v63  }
0x92: {  	s13 =	sadd.s32 $0x5140, s13;
	s10 =	smov.u32 s18  }
0x93: {  	[tilespmem:s13], [sflag:$0x1] =	stream.linear.gather [hbm4b:s4+s5], $0x500, $0x38;
	[tilespmem:$0x1F4F0] =	vst v63  }
0x94: {  	_ =	swait.ge [sflag:s29], $0x50  }
0x95: {  	[sflag:s29] =	ssyncset.done $0x0  }
0x96: {  	[sflag:s29] =	ssyncadd.s32 $0xFFFFFFB0  }
0x97: {  	_ =	swait.ge [sflag:s29], $0x50  }
0x98: {  	[sflag:s29] =	ssyncset.done $0x0  }
0x99: {  	[sflag:s29] =	ssyncadd.s32 $0xFFFFFFB0  }
0x9a: {  	_ =	swait.ge [sflag:s29], $0x2800  }
0x9b: {  	s17 =	smul.u32 $0x50, s9;
	[sflag:s29] =	ssyncset.done $0x0  }
0x9c: {  	s9 =	sor.u32 $0x140, s16;
	[sflag:s29] =	ssyncadd.s32 $0xFFFFD800  }
0x9d: {  	_ =	swait.ge [sflag:s29], $0x500  }
0x9e: {  	[sflag:s29] =	ssyncset.done $0x0  }
0x9f: {  	[sflag:s29] =	ssyncadd.s32 $0xFFFFFB00  }
0xa0: {  	[spmem:s1] =	stream.indirect.scatter.add.f32 [tilespmem:s9], [sflag:$0x2], $0x80, s17, s30, $0xb8;
	[tilespmem:$0x1F4F0] =	vst v63  }
0xa1: {  	_ =	swait.ge [sflag:s23], $0x2800  }
0xa2: {  	s11 =	sadd.s32 $0x50, s11;
	s8 =	sadd.s32 $0x500, s8;
	[sflag:s23] =	ssyncset.done $0x0  }
.Ltmp3:
0xa3: {  	s4 =	sadd.s32 $0xA0, s4;
	[sflag:s23] =	ssyncadd.s32 $0xFFFFD800;
	(pc) =	sbr.rel @p0 .LBB2_8-.Ltmp3, $4  }
0xa4: {  	[spmem:s2] =	stream.indirect.scatter.add.f32 [tilespmem:s31], [sflag:$0x2], $0x10, s17, s30, $0xb8;
	[tilespmem:$0x1F4F0] =	vst v63  }
0xa5: {  	s25 =	smov.u32 s26;
	s13 =	sadd.s32 $0x5140, s20;
	_ =	swait.ge [sflag:s23], $0x500  }
0xa6: {  	s9 =	sand.u32 $0x1, s12;
	s12 =	sadd.s32 $0xA0, s17;
	[sflag:s23] =	ssyncset.done $0x0  }
0xa7: {  	s28 =	sxor.u32 $0x1, s9;
	s16 =	smul.u32 $0xA000, s9;
	[sflag:s23] =	ssyncadd.s32 $0xFFFFFB00  }
0xa8: {  	[spmem:s3] =	stream.indirect.scatter.add.f32 [tilespmem:s13], [sflag:$0x2], $0x10, s12, s30, $0xb8;
	[tilespmem:$0x1F4F0] =	vst v63  }
0xa9: {  	_ =	swait.ge [sflag:s23], $0x500  }
0xaa: {  	s11 =	smul.u32 $0x50, s28;
	[sflag:s23] =	ssyncset.done $0x0  }
0xab: {  	s21 =	sadd.s32 s6, s10;
	s26 =	smul.u32 $0xA000, s28;
	[sflag:s23] =	ssyncadd.s32 $0xFFFFFB00  }
0xac: {  	[tilespmem:s11], [sflag:$0x1] =	stream.linear.gather [hbm4b:s21+s5], $0x50, $0x38;
	[tilespmem:$0x1F4F0] =	vst v63  }
0xad: {  	s25 =	sadd.s32 s7, s10;
	s12 =	smul.u32 $0x1400, s28;
	s11 =	sadd.s32 $0xA0, s11  }
0xae: {  	[tilespmem:s11], [sflag:$0x1] =	stream.linear.gather [hbm4b:s25+s5], $0x50, $0x38;
	[tilespmem:$0x1F4F0] =	vst v63  }
0xaf: {  	s11 =	sshrl.u32 s26, $0x2  }
0xb0: {  	s13 =	sshrl.u32 s12, $0x2;
	s10 =	sor.u32 $0x140, s11  }
0xb1: {  	[tilespmem:s10], [sflag:$0x1] =	stream.linear.gather [hbm4b:s8+s5], $0x2800, $0x38;
	[tilespmem:$0x1F4F0] =	vst v63  }
0xb2: {  	s8 =	sadd.s32 $0x5140, s13  }
0xb3: {  	[tilespmem:s8], [sflag:$0x1] =	stream.linear.gather [hbm4b:s4+s5], $0x500, $0x38;
	[tilespmem:$0x1F4F0] =	vst v63  }
0xb4: {  	_ =	swait.ge [sflag:s29], $0x50  }
0xb5: {  	[sflag:s29] =	ssyncset.done $0x0  }
0xb6: {  	[sflag:s29] =	ssyncadd.s32 $0xFFFFFFB0  }
0xb7: {  	_ =	swait.ge [sflag:s29], $0x50  }
0xb8: {  	[sflag:s29] =	ssyncset.done $0x0  }
0xb9: {  	[sflag:s29] =	ssyncadd.s32 $0xFFFFFFB0  }
0xba: {  	_ =	swait.ge [sflag:s29], $0x2800  }
0xbb: {  	[sflag:s29] =	ssyncset.done $0x0  }
0xbc: {  	[sflag:s29] =	ssyncadd.s32 $0xFFFFD800  }
0xbd: {  	_ =	swait.ge [sflag:s29], $0x500  }
0xbe: {  	s18 =	smul.u32 $0x50, s9;
	s17 =	sshrl.u32 s16, $0x2;
	[sflag:s29] =	ssyncset.done $0x0  }
0xbf: {  	s4 =	sor.u32 $0x140, s17;
	[sflag:s29] =	ssyncadd.s32 $0xFFFFFB00  }
0xc0: {  	[spmem:s1] =	stream.indirect.scatter.add.f32 [tilespmem:s4], [sflag:$0x2], $0x80, s18, s30, $0xb8;
	[tilespmem:$0x1F4F0] =	vst v63  }
0xc1: {  	_ =	swait.ge [sflag:s23], $0x2800  }
0xc2: {  	[sflag:s23] =	ssyncset.done $0x0  }
0xc3: {  	s19 =	smul.u32 $0x1400, s9;
	[sflag:s23] =	ssyncadd.s32 $0xFFFFD800  }
0xc4: {  	[spmem:s2] =	stream.indirect.scatter.add.f32 [tilespmem:s31], [sflag:$0x2], $0x10, s18, s30, $0xb8;
	[tilespmem:$0x1F4F0] =	vst v63  }
0xc5: {  	_ =	swait.ge [sflag:s23], $0x500  }
0xc6: {  	s4 =	sshrl.u32 s19, $0x2;
	[sflag:s23] =	ssyncset.done $0x0  }
0xc7: {  	s8 =	sadd.s32 $0xA0, s18;
	s4 =	sadd.s32 $0x5140, s4;
	[sflag:s23] =	ssyncadd.s32 $0xFFFFFB00  }
0xc8: {  	[spmem:s3] =	stream.indirect.scatter.add.f32 [tilespmem:s4], [sflag:$0x2], $0x10, s8, s30, $0xb8;
	[tilespmem:$0x1F4F0] =	vst v63  }
0xc9: {  	_ =	swait.ge [sflag:s23], $0x500  }
0xca: {  	[sflag:s23] =	ssyncset.done $0x0  }
0xcb: {  	[sflag:s23] =	ssyncadd.s32 $0xFFFFFB00  }
0xcc: {  	_ =	swait.ge [sflag:s29], $0x50  }
0xcd: {  	[sflag:s29] =	ssyncset.done $0x0  }
0xce: {  	[sflag:s29] =	ssyncadd.s32 $0xFFFFFFB0  }
0xcf: {  	_ =	swait.ge [sflag:s29], $0x50  }
0xd0: {  	[sflag:s29] =	ssyncset.done $0x0  }
0xd1: {  	[sflag:s29] =	ssyncadd.s32 $0xFFFFFFB0  }
0xd2: {  	_ =	swait.ge [sflag:s29], $0x2800  }
0xd3: {  	[sflag:s29] =	ssyncset.done $0x0  }
0xd4: {  	[sflag:s29] =	ssyncadd.s32 $0xFFFFD800  }
0xd5: {  	_ =	swait.ge [sflag:s29], $0x500  }
0xd6: {  	[sflag:s29] =	ssyncset.done $0x0  }
0xd7: {  	s20 =	simm.s32 $0x0;
	s18 =	simm.s32 $0x140;
	[sflag:s29] =	ssyncadd.s32 $0xFFFFFB00  }
0xd8: {  	[spmem:s1] =	stream.indirect.scatter.add.f32 [tilespmem:s18], [sflag:$0x2], $0x80, s20, s30, $0xb8;
	[tilespmem:$0x1F4F0] =	vst v63  }
0xd9: {  	_ =	swait.ge [sflag:s23], $0x2800  }
0xda: {  	[sflag:s23] =	ssyncset.done $0x0  }
0xdb: {  	[sflag:s23] =	ssyncadd.s32 $0xFFFFD800  }
0xdc: {  	[spmem:s2] =	stream.indirect.scatter.add.f32 [tilespmem:s31], [sflag:$0x2], $0x10, s20, s30, $0xb8;
	[tilespmem:$0x1F4F0] =	vst v63  }
0xdd: {  	_ =	swait.ge [sflag:s23], $0x500  }
0xde: {  	[sflag:s23] =	ssyncset.done $0x0  }
0xdf: {  	s17 =	simm.s32 $0xA0;
	s19 =	simm.s32 $0x5140;
	[sflag:s23] =	ssyncadd.s32 $0xFFFFFB00  }
0xe0: {  	[spmem:s3] =	stream.indirect.scatter.add.f32 [tilespmem:s19], [sflag:$0x2], $0x10, s17, s30, $0xb8;
	[tilespmem:$0x1F4F0] =	vst v63  }
0xe1: {  	_ =	swait.ge [sflag:s23], $0x500  }
0xe2: {  	[sflag:s23] =	ssyncset.done $0x0  }
0xe3: {  	[sflag:s23] =	ssyncadd.s32 $0xFFFFFB00  }
0xe4: {  	[bflag:$0x0] =	sbarrier.arrive $0xFFFF  }
0xe5: {  	s16 =	rddreg [dreg:$0xd]  }
0xe6: {  	[tilespmem:s22], [sflag:$0x2] =	stream.linear.gather [spmem:s16], $0xC80, $0x38;
	[tilespmem:$0x1F4F0] =	vst v63  }
0xe7: {  	_ =	swait.ge [sflag:s23], $0xC80  }
0xe8: {  	[sflag:s23] =	ssyncset.done $0x0  }
0xe9: {  	s11 =	rddreg [dreg:$0xf];
	[sflag:s23] =	ssyncadd.s32 $0xFFFFF380  }
0xea: {  	[hbm4b:s11+s5] =	stream.linear.scatter [tilespmem:s22], [sflag:$0x2], $0xC80, $0x38;
	[tilespmem:$0x1F4F0] =	vst v63  }
0xeb: {  	_ =	swait.ge [sflag:s23], $0xC80  }
0xec: {  	[sflag:s23] =	ssyncset.done $0x0  }
0xed: {  	s21 =	sadd.s32 $0x0, s14;
	[sflag:s23] =	ssyncadd.s32 $0xFFFFF380  }
0xee: {  	[tilespmem:s24], [sflag:$0x2] =	stream.linear.gather [spmem:s21], $0x190, $0x38;
	[tilespmem:$0x1F4F0] =	vst v63  }
0xef: {  	_ =	swait.ge [sflag:s23], $0x190  }
0xf0: {  	[sflag:s23] =	ssyncset.done $0x0  }
0xf1: {  	s25 =	rddreg [dreg:$0x11];
	[sflag:s23] =	ssyncadd.s32 $0xFFFFFE70  }
0xf2: {  	[hbm4b:s25+s5] =	stream.linear.scatter [tilespmem:s24], [sflag:$0x2], $0x190, $0x38;
	[tilespmem:$0x1F4F0] =	vst v63  }
0xf3: {  	_ =	swait.ge [sflag:s23], $0x190  }
0xf4: {  	[sflag:s23] =	ssyncset.done $0x0  }
0xf5: {  	s26 =	sadd.s32 $0x0, s15;
	[sflag:s23] =	ssyncadd.s32 $0xFFFFFE70  }
0xf6: {  	[tilespmem:s24], [sflag:$0x2] =	stream.linear.gather [spmem:s26], $0x190, $0x38;
	[tilespmem:$0x1F4F0] =	vst v63  }
0xf7: {  	_ =	swait.ge [sflag:s23], $0x190  }
0xf8: {  	[sflag:s23] =	ssyncset.done $0x0  }
0xf9: {  	s28 =	rddreg [dreg:$0x10];
	[sflag:s23] =	ssyncadd.s32 $0xFFFFFE70  }
0xfa: {  	[hbm4b:s28+s5] =	stream.linear.scatter [tilespmem:s24], [sflag:$0x2], $0x190, $0x38;
	[tilespmem:$0x1F4F0] =	vst v63  }
0xfb: {  	s4 =	simm.s32 $0x640;
	s10 =	smov.u32 s16;
	_ =	swait.ge [sflag:s23], $0x190  }
0xfc: {  	s9 =	sadd.s32 $0x32, s25;
	s8 =	sadd.s32 $0x32, s28;
	[sflag:s23] =	ssyncset.done $0x0  }
.LBB2_10:
0xfd: {  	[sflag:s23] =	ssyncadd.s32 $0xFFFFFE70  }
0xfe: {  	s10 =	sadd.s32 $0xC80, s10;
	s11 =	sadd.s32 $0x190, s11;
	s12 =	smov.u32 s4  }
0xff: {  	[tilespmem:s22], [sflag:$0x2] =	stream.linear.gather [spmem:s10], $0xC80, $0x38;
	[tilespmem:$0x1F4F0] =	vst v63  }
0x100: {  	p0 =	sne.s32 s4, $0x9600;
	s4 =	sadd.s32 $0x640, s4;
	_ =	swait.ge [sflag:s23], $0xC80  }
0x101: {  	[sflag:s23] =	ssyncset.done $0x0  }
0x102: {  	[sflag:s23] =	ssyncadd.s32 $0xFFFFF380  }
0x103: {  	[hbm4b:s11+s5] =	stream.linear.scatter [tilespmem:s22], [sflag:$0x2], $0xC80, $0x38;
	[tilespmem:$0x1F4F0] =	vst v63  }
0x104: {  	_ =	swait.ge [sflag:s23], $0xC80  }
0x105: {  	s12 =	sshra.s32 s12, $0x2;
	[sflag:s23] =	ssyncset.done $0x0  }
0x106: {  	s13 =	sadd.s32 s12, s14;
	[sflag:s23] =	ssyncadd.s32 $0xFFFFF380  }
0x107: {  	[tilespmem:s24], [sflag:$0x2] =	stream.linear.gather [spmem:s13], $0x190, $0x38;
	[tilespmem:$0x1F4F0] =	vst v63  }
0x108: {  	_ =	swait.ge [sflag:s23], $0x190  }
0x109: {  	[sflag:s23] =	ssyncset.done $0x0  }
0x10a: {  	[sflag:s23] =	ssyncadd.s32 $0xFFFFFE70  }
0x10b: {  	[hbm4b:s9+s5] =	stream.linear.scatter [tilespmem:s24], [sflag:$0x2], $0x190, $0x38;
	[tilespmem:$0x1F4F0] =	vst v63  }
0x10c: {  	_ =	swait.ge [sflag:s23], $0x190  }
0x10d: {  	[sflag:s23] =	ssyncset.done $0x0  }
0x10e: {  	s12 =	sadd.s32 s12, s15;
	[sflag:s23] =	ssyncadd.s32 $0xFFFFFE70  }
0x10f: {  	[tilespmem:s24], [sflag:$0x2] =	stream.linear.gather [spmem:s12], $0x190, $0x38;
	[tilespmem:$0x1F4F0] =	vst v63  }
0x110: {  	_ =	swait.ge [sflag:s23], $0x190  }
.Ltmp4:
0x111: {  	[sflag:s23] =	ssyncset.done $0x0;
	(pc) =	sbr.rel @p0 .LBB2_10-.Ltmp4, $4  }
0x112: {  	[sflag:s23] =	ssyncadd.s32 $0xFFFFFE70  }
0x113: {  	[hbm4b:s8+s5] =	stream.linear.scatter [tilespmem:s24], [sflag:$0x2], $0x190, $0x38;
	[tilespmem:$0x1F4F0] =	vst v63  }
0x114: {  	_ =	swait.ge [sflag:s23], $0x190  }
0x115: {  	s9 =	sadd.s32 $0x32, s9;
	s8 =	sadd.s32 $0x32, s8;
	[sflag:s23] =	ssyncset.done $0x0  }
0x116: {  	s0 =	sadd.s32 $0x1, s0;
	s4 =	rddreg [dreg:$0xa]  }
0x117: {  	p0 =	sne.s32 s0, s4  }
.Ltmp5:
0x118: {  	_ = 	snop;
	(pc) =	sbr.rel @p0 .LBB2_1-.Ltmp5, $2  }
0x119: {  	_ =	sdelay $0x2  }
0x11a: {  	[sflag:s23] =	ssyncadd.s32 $0xFFFFFE70  }
0x11b: {  	_ =	sfence.sel $0x180000  }
0x11c: {  	[bflag:$0x0] =	sbarrier.arrive $0xFFFF  }
0x11d: {  	_ =	strace $0x9000004A  }
0x11e: {  	s0 =	stileid.u32;
	[bflag:$0x2] =	sbarrier.arrive $0xFFFF  }
0x11f: {  	p0 =	sne.s32 s0, $0x0;
	s0 =	rddreg [dreg:$0x5]  }
0x120: {  	s0 =	sadd.s32 @!p0 $0x100000, s0  }
0x121: {  	[sflag:s0] =	ssyncadd.tile.s32 @!p0 $0x1;
	_ =	shalt  }
.Lfunc_end2:
_tile_overlayer_lowered:
.L_overlay_start_2:
0x122: {  	(tag) =	ssettag $0x2  }
0x123: {  	s0 =	rddreg [dreg:$0x0];
	s2 =	stileid.u32  }
0x124: {  	s1 =	rddreg [dreg:$0x1];
	p0 =	sne.s32 s2, $0x0  }
0x125: {  	s3 =	rddreg [dreg:$0x2];
	[bflag:$0x3] =	sbarrier.arrive $0xFFFF;
	s2 =	simm.s32 @!p0 $0x1C02  }
0x126: {  	[timem:s3], [sflag:s2] =	dma.local @!p0 [hbm:s0], s1  }
0x127: {  	s0 =	simm.s32 @!p0 $0x2  }
0x128: {  	_ =	swait.ge @!p0 [sflag:s0], s1  }
0x129: {  	s1 =	ssub.s32 @!p0 $0x0, s1;
	[sflag:s0] =	ssyncset.done @!p0 $0x0  }
0x12a: {  	[sflag:s0] =	ssyncadd.s32 @!p0 s1  }
0x12b: {  	[bflag:$0x3] =	sbarrier.arrive $0xFFFF  }
0x12c: {  	_ =	shalt  }

// kernel: kernel.7.cloned.1.call-start
scs
__scs_entry_jumppad:
0x0: {  	(pc) =	sbr.rel $0x88, $3  }
0x1: {  	(tag) =	ssettag $0x0;
	lr =	simm.s32 $0x1  }
0x2: {  	[smem:$0x3F8F] =	sst lr;
	_ =	strace $0xD0000000  }
0x3: {  	_ = 	snop  }
0x4: {  	_ = 	snop  }
0x5: {  	_ = 	snop  }
0x6: {  	_ = 	snop  }
0x7: {  	_ = 	snop  }
__scs_overlays_trampoline_lowered:
0x8: {  	[smem:$0x3F9E] =	sst s0  }
0x9: {  	[smem:$0x3F9F] =	sst s1  }
0xa: {  	[smem:$0x3FA0] =	sst s2  }
0xb: {  	[smem:$0x3FA1] =	sst s3  }
0xc: {  	[smem:$0x3FA2] =	sst s4  }
0xd: {  	[smem:$0x3FA3] =	sst s5  }
0xe: {  	[smem:$0x3FA4] =	sst s6  }
0xf: {  	[smem:$0x3FA5] =	sst s7  }
0x10: {  	[smem:$0x3FA6] =	sst s8  }
0x11: {  	[smem:$0x3FA7] =	sst s9;
	s0 =	simm.s32 @!p0 $0x0  }
0x12: {  	s1 =	sld [smem:$0x3F8D];
	s0 =	simm.s32 @p0 $0x1  }
0x13: {  	[smem:$0x3FA8] =	sst s0;
	s0 =	simm.s32 @!p1 $0x0  }
0x14: {  	s2 =	sld [smem:$0x3F8C];
	s0 =	simm.s32 @p1 $0x1  }
0x15: {  	[smem:$0x3FA9] =	sst s0;
	s0 =	simm.s32 @!p2 $0x0  }
0x16: {  	s3 =	sld [smem:$0x3FDB];
	s0 =	simm.s32 @p2 $0x1  }
0x17: {  	s4 =	simm.s32 $0x1BF5;
	[smem:$0x3FAB] =	sst s0  }
0x18: {  	s0 =	sld [smem:$0x3F8E];
	_ =	swait.ge [sflag:s4], $0x0  }
0x19: {  	s7 =	sld [smem:$0x3F8F]  }
0x1a: {  	s8 =	sadd.s32 $0xFFFFE003, lr  }
0x1b: {  	s9 =	sadd.s32 $0xFFFFFEF7, lr;
	s5 =	simm.s32 $0xFFFFFFFF;
	p2 =	slt.u32 s8, $0xFFFFF086  }
0x1c: {  	p1 =	slt.u32 s9, $0xF7A;
	s5 =	simm.s32 @!p2 $0x0  }
0x1d: {  	s5 =	simm.s32 @p1 $0x1;
	p0 =	seq.s32 s7, s2  }
0x1e: {  	s7 =	smul.u32 @!p0 $0xF7A, s2;
	p2 =	seq.s32 @!p0 s5, $0x0  }
0x1f: {  	s9 =	smul.u32 $0xF7A, s1;
	s8 =	simm.s32 @!p0 $0x1BF5;
	p2 =	por !p2, p0  }
0x20: {  	[sflag:s8] =	ssyncset.s32 @!p0 $0xFFFFF086;
	s6 =	sadd.s32 @!p0 s3, s7;
	s7 =	simm.s32 @!p0 $0x108  }
0x21: {  	s3 =	sadd.s32 s3, s9;
	s6 =	sadd.s32 @!p0 $0x88, s6;
	s7 =	simm.s32 @p2 $0x1082  }
0x22: {  	[simem:s7], [sflag:s8] =	dma.local @!p0 [hbm:s6], $0xF7A  }
0x23: {  	s9 =	sor.u32 $0xD0000000, s2;
	s6 =	simm.s32 $0x108;
	_ =	swait.ge @!p0 [sflag:s8], $0x0  }
0x24: {  	s3 =	sadd.s32 $0x88, s3;
	s6 =	simm.s32 @!p1 $0x1082;
	[sflag:s4] =	ssyncset.s32 $0xFFFFF086  }
0x25: {  	[simem:s6], [sflag:s4] =	dma.local [hbm:s3], $0xF7A  }
0x26: {  	[smem:$0x3F8F] =	sst s1;
	(tag) =	ssettag s2;
	_ =	strace s9  }
0x27: {  	s1 =	sld [smem:$0x3F9F]  }
0x28: {  	s2 =	sld [smem:$0x3FA0]  }
0x29: {  	s4 =	sld [smem:$0x3FA2]  }
0x2a: {  	p0 =	seq.s32 s5, $0x0;
	s5 =	sld [smem:$0x3FA3]  }
0x2b: {  	s6 =	sld [smem:$0x3FA4]  }
0x2c: {  	s7 =	sld [smem:$0x3FA5]  }
0x2d: {  	s3 =	simm.s32 $0x108;
	s8 =	sld [smem:$0x3FA6]  }
0x2e: {  	s3 =	simm.s32 @!p0 $0x1082;
	s9 =	sld [smem:$0x3FA7]  }
0x2f: {  	lr =	sadd.s32 s0, s3;
	s0 =	sld [smem:$0x3F9E]  }
0x30: {  	s3 =	sld [smem:$0x3FA1]  }
0x31: {  	[smem:$0x3FAA] =	sst s10  }
0x32: {  	s10 =	sld [smem:$0x3FA8];
	_ =	sdelay $0x3  }
0x33: {  	p0 =	seq.s32 s10, $0x1;
	s10 =	sld [smem:$0x3FAA];
	_ =	sdelay $0x3  }
0x34: {  	[smem:$0x3FAA] =	sst s10  }
0x35: {  	s10 =	sld [smem:$0x3FA9];
	_ =	sdelay $0x3  }
0x36: {  	p1 =	seq.s32 s10, $0x1;
	s10 =	sld [smem:$0x3FAA];
	_ =	sdelay $0x3  }
0x37: {  	[smem:$0x3FAA] =	sst s10  }
0x38: {  	s10 =	sld [smem:$0x3FAB]  }
0x39: {  	_ = 	snop;
	(pc) =	sbr.ind lr, $3  }
0x3a: {  	_ = 	snop  }
0x3b: {  	_ = 	snop  }
0x3c: {  	p2 =	seq.s32 s10, $0x1;
	s10 =	sld [smem:$0x3FAA]  }
0x3d: {  	_ =	shalt  }
0x3e: {  	_ =	shalt  }
0x3f: {  	_ =	shalt  }
0x40: {  	_ =	shalt  }
0x41: {  	_ =	shalt  }
0x42: {  	_ =	shalt  }
0x43: {  	_ =	shalt  }
0x44: {  	_ =	shalt  }
0x45: {  	_ =	shalt  }
0x46: {  	_ =	shalt  }
0x47: {  	_ =	shalt  }
0x48: {  	_ =	shalt  }
0x49: {  	_ =	shalt  }
0x4a: {  	_ =	shalt  }
0x4b: {  	_ =	shalt  }
0x4c: {  	_ =	shalt  }
0x4d: {  	_ =	shalt  }
0x4e: {  	_ =	shalt  }
0x4f: {  	_ =	shalt  }
0x50: {  	_ =	shalt  }
0x51: {  	_ =	shalt  }
0x52: {  	_ =	shalt  }
0x53: {  	_ =	shalt  }
0x54: {  	_ =	shalt  }
0x55: {  	_ =	shalt  }
0x56: {  	_ =	shalt  }
0x57: {  	_ =	shalt  }
0x58: {  	_ =	shalt  }
0x59: {  	_ =	shalt  }
0x5a: {  	_ =	shalt  }
0x5b: {  	_ =	shalt  }
0x5c: {  	_ =	shalt  }
0x5d: {  	_ =	shalt  }
0x5e: {  	_ =	shalt  }
0x5f: {  	_ =	shalt  }
0x60: {  	_ =	shalt  }
0x61: {  	_ =	shalt  }
0x62: {  	_ =	shalt  }
0x63: {  	_ =	shalt  }
0x64: {  	_ =	shalt  }
0x65: {  	_ =	shalt  }
0x66: {  	_ =	shalt  }
0x67: {  	_ =	shalt  }
0x68: {  	_ =	shalt  }
0x69: {  	_ =	shalt  }
0x6a: {  	_ =	shalt  }
0x6b: {  	_ =	shalt  }
0x6c: {  	_ =	shalt  }
0x6d: {  	_ =	shalt  }
0x6e: {  	_ =	shalt  }
0x6f: {  	_ =	shalt  }
0x70: {  	_ =	shalt  }
0x71: {  	_ =	shalt  }
0x72: {  	_ =	shalt  }
0x73: {  	_ =	shalt  }
0x74: {  	_ =	shalt  }
0x75: {  	_ =	shalt  }
0x76: {  	_ =	shalt  }
0x77: {  	_ =	shalt  }
0x78: {  	_ =	shalt  }
0x79: {  	_ =	shalt  }
0x7a: {  	_ =	shalt  }
0x7b: {  	_ =	shalt  }
0x7c: {  	_ =	shalt  }
0x7d: {  	_ =	shalt  }
0x7e: {  	_ =	shalt  }
0x7f: {  	_ =	shalt  }
0x80: {  	_ =	shalt  }
0x81: {  	_ =	shalt  }
0x82: {  	_ =	shalt  }
0x83: {  	_ =	shalt  }
0x84: {  	_ =	shalt  }
0x85: {  	_ =	shalt  }
0x86: {  	_ =	shalt  }
0x87: {  	_ =	shalt  }
.Lfunc_end0:
.L_simem_size_0:
called_computation_lowered:
.L_overlay_start_0:
0x88: {  	s2 =	sld [smem:$0x3FD9]  }
0x89: {  	s3 =	sld [smem:$0x3FFE];
	_ =	sdelay $0x1  }
0x8a: {  	s1 =	srdreg.scid  }
0x8b: {  	s0 =	sand.u32 $0x1, s1  }
0x8c: {  	s14 =	sshll.u32 s0, $0xA;
	s2 =	sadd.s32 s3, s2  }
0x8d: {  	s2 =	sadd.s32 s2, s14  }
0x8e: {  	[smem:$0x3FB6] =	sst s2  }
0x8f: {  	_ = 	snop  }
0x90: {  	s2 =	sld [smem:$0x3FD0];
	_ =	sdelay $0x2  }
0x91: {  	s15 =	simm.s32 $0xA;
	s4 =	simm.s32 $0x10  }
0x92: {  	[smem:s4], [sflag:s15] =	dma.local [hbm:s2], $0x1  }
0x93: {  	_ =	swait.eq [sflag:s15], $0x1  }
0x94: {  	[sflag:s15] =	ssyncset.done $0x0  }
0x95: {  	[sflag:s15] =	ssyncadd.s32 $0xFFFFFFFF  }
0x96: {  	s16 =	sld [smem:$0x10];
	(tm) =	ssettm $0x1  }
0x97: {  	s17 =	sld [smem:$0x3FFB];
	_ =	sdelay $0x3  }
0x98: {  	_ =	strace s17  }
0x99: {  	s3 =	sld [smem:$0x3FFC];
	_ =	sdelay $0x3  }
0x9a: {  	_ =	strace s3  }
0x9b: {  	s3 =	sld [smem:$0x3FFD];
	_ =	sdelay $0x3  }
0x9c: {  	_ =	strace s3  }
0x9d: {  	_ =	strace $0x8FFFFFFF  }
0x9e: {  	s18 =	sld [smem:$0x3FDB];
	_ =	sdelay $0x1  }
0x9f: {  	s19 =	simm.s32 $_scs_section_size  }
0xa0: {  	s5 =	simm.s32 $_size__tile_overlayer_lowered;
	s6 =	simm.s32 $_tile_overlayer_lowered  }
0xa1: {  	s22 =	simm.s32 $0x1BFF;
	s21 =	sshll.u32 s6, $0x1;
	s3 =	sadd.s32 s19, s18  }
0xa2: {  	s7 =	simm.s32 $0x0;
	s20 =	sshll.u32 s5, $0x1;
	s5 =	sadd.s32 s21, s3  }
0xa3: {  	[timem:s7], [sflag:s22] =	dma.local [hbm:s5], s20  }
0xa4: {  	_ =	swait.ge [sflag:s22], s20  }
0xa5: {  	s4 =	ssub.s32 $0x0, s20;
	[sflag:s22] =	ssyncset.done $0x0  }
0xa6: {  	[sflag:s22] =	ssyncadd.s32 s4;
	_ =	sdelay $0x1  }
0xa7: {  	s23 =	simm.s32 $0x1B8B  }
0xa8: {  	_ =	swait.ge [sflag:s23], $0x1  }
0xa9: {  	[sflag:s23] =	ssyncset.done $0x0  }
0xaa: {  	s25 =	simm.s32 $0x1B8E;
	s24 =	sld [smem:$0x3FFE];
	[sflag:s23] =	ssyncadd.s32 $0xFFFFFFFF  }
0xab: {  	s26 =	simm.s32 $execute0_lowered;
	[smem:$0x3FD2] =	sst s25  }
0xac: {  	s5 =	sshll.u32 s26, $0x1;
	_ =	strace $0x80000046;
	[dreg:$0x1] =	wrdreg $0xFFFFFFFF  }
0xad: {  	s28 =	simm.s32 $_size_execute0_lowered;
	s3 =	sadd.s32 s3, s5;
	[dreg:$0x0] =	wrdreg $0x0  }
0xae: {  	s5 =	sshll.u32 s28, $0x1;
	[dreg:$0x2] =	wrdreg s3  }
0xaf: {  	[dreg:$0x3] =	wrdreg s5  }
0xb0: {  	[dreg:$0x4] =	wrdreg $0xC0  }
0xb1: {  	_ =	task [dreg:s7], $0x5FFFF  }
0xb2: {  	[dreg:$0x1] =	wrdreg $0xFFFFFFFF  }
0xb3: {  	[dreg:$0x0] =	wrdreg $0x60  }
0xb4: {  	[dreg:$0x2] =	wrdreg s16  }
0xb5: {  	[dreg:$0x3] =	wrdreg s24  }
0xb6: {  	[dreg:$0x4] =	wrdreg $0x9  }
0xb7: {  	_ =	task.clear_ibuf [dreg:s7], $0x5FFFF;
	_ =	strace $0x90000046  }
0xb8: {  	s29 =	simm.s32 $0x9;
	_ =	strace $0x80000048  }
0xb9: {  	_ =	swait.ge [sflag:s29], $0x1  }
0xba: {  	[sflag:s29] =	ssyncadd.s32 $0xFFFFFFFF  }
0xbb: {  	_ =	strace $0x90000048  }
0xbc: {  	_ =	sfence  }
0xbd: {  	s30 =	sld [smem:$0x0];
	_ =	sdelay $0x2  }
0xbe: {  	s31 =	sshll.u32 s1, $0xD;
	s1 =	sshrl.u32 s1, $0x2  }
0xbf: {  	s3 =	sand.u32 $0x4000, s31;
	s1 =	sadd.s32 s1, s30  }
0xc0: {  	s0 =	sor.u32 s3, s0;
	s1 =	sshll.u32 s1, $0x11  }
0xc1: {  	s0 =	sor.u32 s1, s0  }
0xc2: {  	s0 =	sadd.s32 $0x8F2B, s0  }
0xc3: {  	[sflag:s0] =	ssyncadd.remote.s32 $0x1  }
0xc4: {  	_ =	sfence.sel $0xFFFF  }
0xc5: {  	[dreg:$0x0] =	wrdreg $0xFFFFFFFF;
	(pc) =	sbr.abs _section_cstart, $3  }
0xc6: {  	[dreg:$0x1] =	wrdreg $0xFFFFFFFF  }
0xc7: {  	_ =	task.clear_ibuf [dreg:s7], $0x2FFFF;
	_ =	strace $0x9FFFFFFF  }
0xc8: {  	(tm) =	ssettm $0x7FFFFFFF  }
0xc9: {  	_ =	shalt  }
tec
execute0_lowered:
.L_overlay_start_1:
0x0: {  	(tag) =	ssettag $0x1  }
0x1: {  	s2 =	rddreg [dreg:$0x0]  }
0x2: {  	s0 =	rddreg [dreg:$0x1]  }
0x3: {  	s1 =	srdreg.scid;
	s8 =	stileid.u32  }
0x4: {  	s3 =	simm.s32 $0x0;
	s14 =	simm.s32 $0x2B20;
	s16 =	simm.s32 $0xF320  }
0x5: {  	s17 =	simm.s32 $0x19820;
	s18 =	simm.s32 $0x1B120;
	s19 =	simm.s32 $0x5320  }
0x6: {  	s20 =	simm.s32 $0x11B20;
	s21 =	simm.s32 $0x19D20;
	[smem:$0x7FF] =	sst s3  }
0x7: {  	s22 =	simm.s32 $0x1B620;
	_ =	strace $0x80000047;
	[dreg:$0x5] =	wrdreg s14  }
0x8: {  	s23 =	simm.s32 $0x7B20;
	s24 =	simm.s32 $0x14320;
	[dreg:$0x6] =	wrdreg s16  }
0x9: {  	s25 =	simm.s32 $0x1A220;
	s26 =	simm.s32 $0x1BB20;
	[dreg:$0x7] =	wrdreg s17  }
0xa: {  	s29 =	simm.s32 $0xA320;
	s30 =	simm.s32 $0x16B20;
	[dreg:$0x8] =	wrdreg s18  }
0xb: {  	s31 =	simm.s32 $0x1A720;
	s5 =	smul.u32 $0x4E20, s8;
	[dreg:$0x9] =	wrdreg s19  }
0xc: {  	s28 =	simm.s32 $0x0;
	s7 =	smul.u32 $0x4E200, s8;
	[dreg:$0xa] =	wrdreg s20  }
0xd: {  	s1 =	sand.u32 $0x1, s1;
	s8 =	smul.u32 $0x9C40, s8;
	[dreg:$0xb] =	wrdreg s21  }
0xe: {  	s4 =	sadd.s32 $0x46400, s0;
	s6 =	smul.u32 $0x2710, s1;
	[dreg:$0xc] =	wrdreg s22  }
0xf: {  	s9 =	ssub.s32 $0x2, s1;
	s10 =	smul.u32 $0x4E20, s1;
	[dreg:$0xd] =	wrdreg s23  }
0x10: {  	s1 =	smul.u32 $0x27100, s1;
	s14 =	simm.s32 $0x320;
	[dreg:$0xe] =	wrdreg s24  }
0x11: {  	s16 =	simm.s32 $0x19320;
	s17 =	simm.s32 $0x1AC20;
	[dreg:$0xf] =	wrdreg s25  }
0x12: {  	s18 =	simm.s32 $0x1E0;
	s19 =	simm.s32 $0xA0;
	[dreg:$0x10] =	wrdreg s26  }
0x13: {  	s20 =	simm.s32 $0x230;
	s21 =	simm.s32 $0xF0;
	[dreg:$0x11] =	wrdreg s29  }
0x14: {  	s22 =	simm.s32 $0x280;
	[dreg:$0x12] =	wrdreg s30;
	s23 =	simm.s32 $0x140  }
0x15: {  	s24 =	simm.s32 $0x2D0;
	[dreg:$0x13] =	wrdreg s31;
	s25 =	simm.s32 $0x1C020  }
0x16: {  	s26 =	simm.s32 $0x1;
	s8 =	sadd.s32 s8, s0;
	s11 =	sshrl.u32 s9, $0x1  }
0x17: {  	s6 =	sadd.s32 s6, s5;
	s5 =	sadd.s32 $0x41400, s0;
	s8 =	sadd.s32 s10, s8  }
0x18: {  	s11 =	ssub.s32 s9, s11;
	s6 =	sshrl.u32 s6, $0x3;
	s12 =	sadd.s32 $0x6D600, s8  }
0x19: {  	s13 =	sadd.s32 $0x109A00, s8;
	s6 =	sadd.s32 s6, s0;
	[dreg:$0x3] =	wrdreg s12  }
0x1a: {  	s0 =	sadd.s32 s7, s0;
	s7 =	smax.u32 s11, $0x1;
	[dreg:$0x4] =	wrdreg s13  }
0x1b: {  	s11 =	simm.s32 $0x2;
	s12 =	simm.s32 $0x190;
	s13 =	simm.s32 $0x50  }
0x1c: {  	[dreg:$0x14] =	wrdreg s7;
	s1 =	sadd.s32 s1, s0;
	s15 =	sadd.s32 $0x6600, s6  }
0x1d: {  	s10 =	sadd.s32 $0x10400, s6;
	s0 =	sadd.s32 $0x687E00, s1;
	[dreg:$0x16] =	wrdreg s15  }
0x1e: {  	s1 =	sadd.s32 $0x1A5E00, s1;
	s15 =	simm.s32 $0xCB20;
	[dreg:$0x15] =	wrdreg s0  }
.LBB2_1:
0x1f: {  	[tilespmem:s3], [sflag:$0x2] =	stream.linear.gather [hbm4b:s10+s3], $0x190, $0x38;
	[tilespmem:$0x1C520] =	vst v63  }
0x20: {  	_ =	swait.ge [sflag:s11], $0x190  }
0x21: {  	[sflag:s11] =	ssyncset.done $0x0  }
0x22: {  	s0 =	rddreg [dreg:$0x16];
	[sflag:s11] =	ssyncadd.s32 $0xFFFFFE70  }
0x23: {  	[tilespmem:s12], [sflag:$0x2] =	stream.linear.gather [hbm4b:s0+s3], $0x190, $0x38;
	[tilespmem:$0x1C520] =	vst v63  }
0x24: {  	_ =	swait.ge [sflag:s11], $0x190  }
0x25: {  	[sflag:s11] =	ssyncset.done $0x0  }
0x26: {  	[sflag:s11] =	ssyncadd.s32 $0xFFFFFE70  }
0x27: {  	[tilespmem:s14], [sflag:$0x1] =	stream.indirect.gather [hbm4b:s2+s13], $0x80, s3, s13, $0xb8;
	[tilespmem:$0x1C520] =	vst v63  }
0x28: {  	_ = 	snop  }
0x29: {  	[tilespmem:s15], [sflag:$0x1] =	stream.indirect.gather [hbm4b:s4+s13], $0x80, s12, s13, $0xb8;
	[tilespmem:$0x1C520] =	vst v63  }
0x2a: {  	_ = 	snop  }
0x2b: {  	[tilespmem:s16], [sflag:$0x1] =	stream.indirect.gather [hbm4b:s5+s13], $0x10, s3, s13, $0xb8;
	[tilespmem:$0x1C520] =	vst v63  }
0x2c: {  	_ = 	snop  }
0x2d: {  	[tilespmem:s17], [sflag:$0x1] =	stream.indirect.gather [hbm4b:s5+s13], $0x10, s12, s13, $0xb8;
	[tilespmem:$0x1C520] =	vst v63  }
0x2e: {  	s6 =	rddreg [dreg:$0x5]  }
0x2f: {  	[tilespmem:s6], [sflag:$0x1] =	stream.indirect.gather [hbm4b:s2+s13], $0x80, s13, s13, $0xb8;
	[tilespmem:$0x1C520] =	vst v63  }
0x30: {  	s7 =	rddreg [dreg:$0x6]  }
0x31: {  	[tilespmem:s7], [sflag:$0x1] =	stream.indirect.gather [hbm4b:s4+s13], $0x80, s18, s13, $0xb8;
	[tilespmem:$0x1C520] =	vst v63  }
0x32: {  	s9 =	rddreg [dreg:$0x7]  }
0x33: {  	[tilespmem:s9], [sflag:$0x1] =	stream.indirect.gather [hbm4b:s5+s13], $0x10, s13, s13, $0xb8;
	[tilespmem:$0x1C520] =	vst v63  }
0x34: {  	s8 =	rddreg [dreg:$0x8]  }
0x35: {  	[tilespmem:s8], [sflag:$0x1] =	stream.indirect.gather [hbm4b:s5+s13], $0x10, s18, s13, $0xb8;
	[tilespmem:$0x1C520] =	vst v63  }
0x36: {  	s9 =	rddreg [dreg:$0x9]  }
0x37: {  	[tilespmem:s9], [sflag:$0x1] =	stream.indirect.gather [hbm4b:s2+s13], $0x80, s19, s13, $0xb8;
	[tilespmem:$0x1C520] =	vst v63  }
0x38: {  	s8 =	rddreg [dreg:$0xa]  }
0x39: {  	[tilespmem:s8], [sflag:$0x1] =	stream.indirect.gather [hbm4b:s4+s13], $0x80, s20, s13, $0xb8;
	[tilespmem:$0x1C520] =	vst v63  }
0x3a: {  	s9 =	rddreg [dreg:$0xb]  }
0x3b: {  	[tilespmem:s9], [sflag:$0x1] =	stream.indirect.gather [hbm4b:s5+s13], $0x10, s19, s13, $0xb8;
	[tilespmem:$0x1C520] =	vst v63  }
0x3c: {  	s8 =	rddreg [dreg:$0xc]  }
0x3d: {  	[tilespmem:s8], [sflag:$0x1] =	stream.indirect.gather [hbm4b:s5+s13], $0x10, s20, s13, $0xb8;
	[tilespmem:$0x1C520] =	vst v63  }
0x3e: {  	s9 =	rddreg [dreg:$0xd]  }
0x3f: {  	[tilespmem:s9], [sflag:$0x1] =	stream.indirect.gather [hbm4b:s2+s13], $0x80, s21, s13, $0xb8;
	[tilespmem:$0x1C520] =	vst v63  }
0x40: {  	s8 =	rddreg [dreg:$0xe]  }
0x41: {  	[tilespmem:s8], [sflag:$0x1] =	stream.indirect.gather [hbm4b:s4+s13], $0x80, s22, s13, $0xb8;
	[tilespmem:$0x1C520] =	vst v63  }
0x42: {  	s9 =	rddreg [dreg:$0xf]  }
0x43: {  	[tilespmem:s9], [sflag:$0x1] =	stream.indirect.gather [hbm4b:s5+s13], $0x10, s21, s13, $0xb8;
	[tilespmem:$0x1C520] =	vst v63  }
0x44: {  	s8 =	rddreg [dreg:$0x10]  }
0x45: {  	[tilespmem:s8], [sflag:$0x1] =	stream.indirect.gather [hbm4b:s5+s13], $0x10, s22, s13, $0xb8;
	[tilespmem:$0x1C520] =	vst v63  }
0x46: {  	s9 =	rddreg [dreg:$0x11]  }
0x47: {  	[tilespmem:s9], [sflag:$0x1] =	stream.indirect.gather [hbm4b:s2+s13], $0x80, s23, s13, $0xb8;
	[tilespmem:$0x1C520] =	vst v63  }
0x48: {  	s8 =	rddreg [dreg:$0x12]  }
0x49: {  	[tilespmem:s8], [sflag:$0x1] =	stream.indirect.gather [hbm4b:s4+s13], $0x80, s24, s13, $0xb8;
	[tilespmem:$0x1C520] =	vst v63  }
0x4a: {  	s9 =	rddreg [dreg:$0x13]  }
0x4b: {  	[tilespmem:s9], [sflag:$0x1] =	stream.indirect.gather [hbm4b:s5+s13], $0x10, s23, s13, $0xb8;
	[tilespmem:$0x1C520] =	vst v63  }
0x4c: {  	_ = 	snop  }
0x4d: {  	[tilespmem:s25], [sflag:$0x1] =	stream.indirect.gather [hbm4b:s5+s13], $0x10, s24, s13, $0xb8;
	[tilespmem:$0x1C520] =	vst v63  }
0x4e: {  	_ =	swait.ge [sflag:s26], $0x2800  }
0x4f: {  	[sflag:s26] =	ssyncset.done $0x0  }
0x50: {  	[sflag:s26] =	ssyncadd.s32 $0xFFFFD800  }
0x51: {  	_ =	swait.ge [sflag:s26], $0x2800  }
0x52: {  	[sflag:s26] =	ssyncset.done $0x0  }
0x53: {  	[sflag:s26] =	ssyncadd.s32 $0xFFFFD800  }
0x54: {  	_ =	swait.ge [sflag:s26], $0x500  }
0x55: {  	[sflag:s26] =	ssyncset.done $0x0  }
0x56: {  	[sflag:s26] =	ssyncadd.s32 $0xFFFFFB00  }
0x57: {  	_ =	swait.ge [sflag:s26], $0x500  }
0x58: {  	[sflag:s26] =	ssyncset.done $0x0  }
0x59: {  	[sflag:s26] =	ssyncadd.s32 $0xFFFFFB00  }
0x5a: {  	_ =	swait.ge [sflag:s26], $0x2800  }
0x5b: {  	[sflag:s26] =	ssyncset.done $0x0  }
0x5c: {  	[sflag:s26] =	ssyncadd.s32 $0xFFFFD800  }
0x5d: {  	_ =	swait.ge [sflag:s26], $0x2800  }
0x5e: {  	[sflag:s26] =	ssyncset.done $0x0  }
0x5f: {  	[sflag:s26] =	ssyncadd.s32 $0xFFFFD800  }
0x60: {  	_ =	swait.ge [sflag:s26], $0x500  }
0x61: {  	[sflag:s26] =	ssyncset.done $0x0  }
0x62: {  	[sflag:s26] =	ssyncadd.s32 $0xFFFFFB00  }
0x63: {  	_ =	swait.ge [sflag:s26], $0x500  }
0x64: {  	[sflag:s26] =	ssyncset.done $0x0  }
0x65: {  	[sflag:s26] =	ssyncadd.s32 $0xFFFFFB00  }
0x66: {  	_ =	swait.ge [sflag:s26], $0x2800  }
0x67: {  	[sflag:s26] =	ssyncset.done $0x0  }
0x68: {  	[sflag:s26] =	ssyncadd.s32 $0xFFFFD800  }
0x69: {  	_ =	swait.ge [sflag:s26], $0x2800  }
0x6a: {  	[sflag:s26] =	ssyncset.done $0x0  }
0x6b: {  	[sflag:s26] =	ssyncadd.s32 $0xFFFFD800  }
0x6c: {  	_ =	swait.ge [sflag:s26], $0x500  }
0x6d: {  	[sflag:s26] =	ssyncset.done $0x0  }
0x6e: {  	[sflag:s26] =	ssyncadd.s32 $0xFFFFFB00  }
0x6f: {  	_ =	swait.ge [sflag:s26], $0x500  }
0x70: {  	[sflag:s26] =	ssyncset.done $0x0  }
0x71: {  	[sflag:s26] =	ssyncadd.s32 $0xFFFFFB00  }
0x72: {  	_ =	swait.ge [sflag:s26], $0x2800  }
0x73: {  	[sflag:s26] =	ssyncset.done $0x0  }
0x74: {  	[sflag:s26] =	ssyncadd.s32 $0xFFFFD800  }
0x75: {  	_ =	swait.ge [sflag:s26], $0x2800  }
0x76: {  	[sflag:s26] =	ssyncset.done $0x0  }
0x77: {  	[sflag:s26] =	ssyncadd.s32 $0xFFFFD800  }
0x78: {  	_ =	swait.ge [sflag:s26], $0x500  }
0x79: {  	[sflag:s26] =	ssyncset.done $0x0  }
0x7a: {  	[sflag:s26] =	ssyncadd.s32 $0xFFFFFB00  }
0x7b: {  	_ =	swait.ge [sflag:s26], $0x500  }
0x7c: {  	[sflag:s26] =	ssyncset.done $0x0  }
0x7d: {  	[sflag:s26] =	ssyncadd.s32 $0xFFFFFB00  }
0x7e: {  	_ =	swait.ge [sflag:s26], $0x2800  }
0x7f: {  	[sflag:s26] =	ssyncset.done $0x0  }
0x80: {  	[sflag:s26] =	ssyncadd.s32 $0xFFFFD800  }
0x81: {  	_ =	swait.ge [sflag:s26], $0x2800  }
0x82: {  	[sflag:s26] =	ssyncset.done $0x0  }
0x83: {  	[sflag:s26] =	ssyncadd.s32 $0xFFFFD800  }
0x84: {  	_ =	swait.ge [sflag:s26], $0x500  }
0x85: {  	[sflag:s26] =	ssyncset.done $0x0  }
0x86: {  	[sflag:s26] =	ssyncadd.s32 $0xFFFFFB00  }
0x87: {  	_ =	swait.ge [sflag:s26], $0x500  }
0x88: {  	[sflag:s26] =	ssyncset.done $0x0  }
0x89: {  	[sflag:s26] =	ssyncadd.s32 $0xFFFFFB00  }
0x8a: {  	[hbm4b:s1+s3] =	stream.linear.scatter [tilespmem:s14], [sflag:$0x2], $0xC800, $0x38;
	[tilespmem:$0x1C520] =	vst v63  }
0x8b: {  	_ =	swait.ge [sflag:s11], $0xC800  }
0x8c: {  	[sflag:s11] =	ssyncset.done $0x0  }
0x8d: {  	s7 =	rddreg [dreg:$0x15];
	[sflag:s11] =	ssyncadd.s32 $0xFFFF3800  }
0x8e: {  	[hbm4b:s7+s3] =	stream.linear.scatter [tilespmem:s15], [sflag:$0x2], $0xC800, $0x38;
	[tilespmem:$0x1C520] =	vst v63  }
0x8f: {  	_ =	swait.ge [sflag:s11], $0xC800  }
0x90: {  	s8 =	rddreg [dreg:$0x4];
	[sflag:s11] =	ssyncset.done $0x0  }
0x91: {  	[sflag:s11] =	ssyncadd.s32 $0xFFFF3800;
	s6 =	sadd.s32 $0x0, s8  }
0x92: {  	[hbm4b:s6+s3] =	stream.linear.scatter [tilespmem:s16], [sflag:$0x2], $0x1900, $0x38;
	[tilespmem:$0x1C520] =	vst v63  }
0x93: {  	_ =	swait.ge [sflag:s11], $0x1900  }
0x94: {  	s9 =	rddreg [dreg:$0x3];
	[sflag:s11] =	ssyncset.done $0x0  }
0x95: {  	[sflag:s11] =	ssyncadd.s32 $0xFFFFE700;
	s6 =	sadd.s32 $0x0, s9  }
0x96: {  	[hbm4b:s6+s3] =	stream.linear.scatter [tilespmem:s17], [sflag:$0x2], $0x1900, $0x38;
	[tilespmem:$0x1C520] =	vst v63  }
0x97: {  	s29 =	simm.s32 $0x320;
	s31 =	sadd.s32 $0x32, s10;
	_ =	swait.ge [sflag:s11], $0x1900  }
0x98: {  	s30 =	sadd.s32 $0x32, s0;
	s8 =	smov.u32 s1;
	[sflag:s11] =	ssyncset.done $0x0  }
.LBB2_2:
0x99: {  	[sflag:s11] =	ssyncadd.s32 $0xFFFFE700  }
0x9a: {  	[tilespmem:s3], [sflag:$0x2] =	stream.linear.gather [hbm4b:s31+s3], $0x190, $0x38;
	[tilespmem:$0x1C520] =	vst v63  }
0x9b: {  	_ =	swait.ge [sflag:s11], $0x190  }
0x9c: {  	[sflag:s11] =	ssyncset.done $0x0  }
0x9d: {  	[sflag:s11] =	ssyncadd.s32 $0xFFFFFE70  }
0x9e: {  	[tilespmem:s12], [sflag:$0x2] =	stream.linear.gather [hbm4b:s30+s3], $0x190, $0x38;
	[tilespmem:$0x1C520] =	vst v63  }
0x9f: {  	_ =	swait.ge [sflag:s11], $0x190  }
0xa0: {  	[sflag:s11] =	ssyncset.done $0x0  }
0xa1: {  	[sflag:s11] =	ssyncadd.s32 $0xFFFFFE70  }
0xa2: {  	[tilespmem:s14], [sflag:$0x1] =	stream.indirect.gather [hbm4b:s2+s13], $0x80, s3, s13, $0xb8;
	[tilespmem:$0x1C520] =	vst v63  }
0xa3: {  	_ = 	snop  }
0xa4: {  	[tilespmem:s15], [sflag:$0x1] =	stream.indirect.gather [hbm4b:s4+s13], $0x80, s12, s13, $0xb8;
	[tilespmem:$0x1C520] =	vst v63  }
0xa5: {  	_ = 	snop  }
0xa6: {  	[tilespmem:s16], [sflag:$0x1] =	stream.indirect.gather [hbm4b:s5+s13], $0x10, s3, s13, $0xb8;
	[tilespmem:$0x1C520] =	vst v63  }
0xa7: {  	_ = 	snop  }
0xa8: {  	[tilespmem:s17], [sflag:$0x1] =	stream.indirect.gather [hbm4b:s5+s13], $0x10, s12, s13, $0xb8;
	[tilespmem:$0x1C520] =	vst v63  }
0xa9: {  	s9 =	rddreg [dreg:$0x5]  }
0xaa: {  	[tilespmem:s9], [sflag:$0x1] =	stream.indirect.gather [hbm4b:s2+s13], $0x80, s13, s13, $0xb8;
	[tilespmem:$0x1C520] =	vst v63  }
0xab: {  	s0 =	rddreg [dreg:$0x6]  }
0xac: {  	[tilespmem:s0], [sflag:$0x1] =	stream.indirect.gather [hbm4b:s4+s13], $0x80, s18, s13, $0xb8;
	[tilespmem:$0x1C520] =	vst v63  }
0xad: {  	s9 =	rddreg [dreg:$0x7]  }
0xae: {  	[tilespmem:s9], [sflag:$0x1] =	stream.indirect.gather [hbm4b:s5+s13], $0x10, s13, s13, $0xb8;
	[tilespmem:$0x1C520] =	vst v63  }
0xaf: {  	s0 =	rddreg [dreg:$0x8]  }
0xb0: {  	[tilespmem:s0], [sflag:$0x1] =	stream.indirect.gather [hbm4b:s5+s13], $0x10, s18, s13, $0xb8;
	[tilespmem:$0x1C520] =	vst v63  }
0xb1: {  	s9 =	rddreg [dreg:$0x9]  }
0xb2: {  	[tilespmem:s9], [sflag:$0x1] =	stream.indirect.gather [hbm4b:s2+s13], $0x80, s19, s13, $0xb8;
	[tilespmem:$0x1C520] =	vst v63  }
0xb3: {  	s0 =	rddreg [dreg:$0xa]  }
0xb4: {  	[tilespmem:s0], [sflag:$0x1] =	stream.indirect.gather [hbm4b:s4+s13], $0x80, s20, s13, $0xb8;
	[tilespmem:$0x1C520] =	vst v63  }
0xb5: {  	s9 =	rddreg [dreg:$0xb]  }
0xb6: {  	[tilespmem:s9], [sflag:$0x1] =	stream.indirect.gather [hbm4b:s5+s13], $0x10, s19, s13, $0xb8;
	[tilespmem:$0x1C520] =	vst v63  }
0xb7: {  	s0 =	rddreg [dreg:$0xc]  }
0xb8: {  	[tilespmem:s0], [sflag:$0x1] =	stream.indirect.gather [hbm4b:s5+s13], $0x10, s20, s13, $0xb8;
	[tilespmem:$0x1C520] =	vst v63  }
0xb9: {  	s9 =	rddreg [dreg:$0xd]  }
0xba: {  	[tilespmem:s9], [sflag:$0x1] =	stream.indirect.gather [hbm4b:s2+s13], $0x80, s21, s13, $0xb8;
	[tilespmem:$0x1C520] =	vst v63  }
0xbb: {  	s0 =	rddreg [dreg:$0xe]  }
0xbc: {  	[tilespmem:s0], [sflag:$0x1] =	stream.indirect.gather [hbm4b:s4+s13], $0x80, s22, s13, $0xb8;
	[tilespmem:$0x1C520] =	vst v63  }
0xbd: {  	s9 =	rddreg [dreg:$0xf]  }
0xbe: {  	[tilespmem:s9], [sflag:$0x1] =	stream.indirect.gather [hbm4b:s5+s13], $0x10, s21, s13, $0xb8;
	[tilespmem:$0x1C520] =	vst v63  }
0xbf: {  	s0 =	rddreg [dreg:$0x10]  }
0xc0: {  	[tilespmem:s0], [sflag:$0x1] =	stream.indirect.gather [hbm4b:s5+s13], $0x10, s22, s13, $0xb8;
	[tilespmem:$0x1C520] =	vst v63  }
0xc1: {  	s9 =	rddreg [dreg:$0x11]  }
0xc2: {  	[tilespmem:s9], [sflag:$0x1] =	stream.indirect.gather [hbm4b:s2+s13], $0x80, s23, s13, $0xb8;
	[tilespmem:$0x1C520] =	vst v63  }
0xc3: {  	s0 =	rddreg [dreg:$0x12]  }
0xc4: {  	[tilespmem:s0], [sflag:$0x1] =	stream.indirect.gather [hbm4b:s4+s13], $0x80, s24, s13, $0xb8;
	[tilespmem:$0x1C520] =	vst v63  }
0xc5: {  	s9 =	rddreg [dreg:$0x13]  }
0xc6: {  	[tilespmem:s9], [sflag:$0x1] =	stream.indirect.gather [hbm4b:s5+s13], $0x10, s23, s13, $0xb8;
	[tilespmem:$0x1C520] =	vst v63  }
0xc7: {  	_ = 	snop  }
0xc8: {  	[tilespmem:s25], [sflag:$0x1] =	stream.indirect.gather [hbm4b:s5+s13], $0x10, s24, s13, $0xb8;
	[tilespmem:$0x1C520] =	vst v63  }
0xc9: {  	_ =	swait.ge [sflag:s26], $0x2800  }
0xca: {  	[sflag:s26] =	ssyncset.done $0x0  }
0xcb: {  	[sflag:s26] =	ssyncadd.s32 $0xFFFFD800  }
0xcc: {  	_ =	swait.ge [sflag:s26], $0x2800  }
0xcd: {  	[sflag:s26] =	ssyncset.done $0x0  }
0xce: {  	[sflag:s26] =	ssyncadd.s32 $0xFFFFD800  }
0xcf: {  	_ =	swait.ge [sflag:s26], $0x500  }
0xd0: {  	[sflag:s26] =	ssyncset.done $0x0  }
0xd1: {  	[sflag:s26] =	ssyncadd.s32 $0xFFFFFB00  }
0xd2: {  	_ =	swait.ge [sflag:s26], $0x500  }
0xd3: {  	[sflag:s26] =	ssyncset.done $0x0  }
0xd4: {  	[sflag:s26] =	ssyncadd.s32 $0xFFFFFB00  }
0xd5: {  	_ =	swait.ge [sflag:s26], $0x2800  }
0xd6: {  	[sflag:s26] =	ssyncset.done $0x0  }
0xd7: {  	[sflag:s26] =	ssyncadd.s32 $0xFFFFD800  }
0xd8: {  	_ =	swait.ge [sflag:s26], $0x2800  }
0xd9: {  	[sflag:s26] =	ssyncset.done $0x0  }
0xda: {  	[sflag:s26] =	ssyncadd.s32 $0xFFFFD800  }
0xdb: {  	_ =	swait.ge [sflag:s26], $0x500  }
0xdc: {  	[sflag:s26] =	ssyncset.done $0x0  }
0xdd: {  	[sflag:s26] =	ssyncadd.s32 $0xFFFFFB00  }
0xde: {  	_ =	swait.ge [sflag:s26], $0x500  }
0xdf: {  	[sflag:s26] =	ssyncset.done $0x0  }
0xe0: {  	[sflag:s26] =	ssyncadd.s32 $0xFFFFFB00  }
0xe1: {  	_ =	swait.ge [sflag:s26], $0x2800  }
0xe2: {  	[sflag:s26] =	ssyncset.done $0x0  }
0xe3: {  	[sflag:s26] =	ssyncadd.s32 $0xFFFFD800  }
0xe4: {  	_ =	swait.ge [sflag:s26], $0x2800  }
0xe5: {  	[sflag:s26] =	ssyncset.done $0x0  }
0xe6: {  	[sflag:s26] =	ssyncadd.s32 $0xFFFFD800  }
0xe7: {  	_ =	swait.ge [sflag:s26], $0x500  }
0xe8: {  	[sflag:s26] =	ssyncset.done $0x0  }
0xe9: {  	[sflag:s26] =	ssyncadd.s32 $0xFFFFFB00  }
0xea: {  	_ =	swait.ge [sflag:s26], $0x500  }
0xeb: {  	[sflag:s26] =	ssyncset.done $0x0  }
0xec: {  	[sflag:s26] =	ssyncadd.s32 $0xFFFFFB00  }
0xed: {  	_ =	swait.ge [sflag:s26], $0x2800  }
0xee: {  	[sflag:s26] =	ssyncset.done $0x0  }
0xef: {  	[sflag:s26] =	ssyncadd.s32 $0xFFFFD800  }
0xf0: {  	_ =	swait.ge [sflag:s26], $0x2800  }
0xf1: {  	[sflag:s26] =	ssyncset.done $0x0  }
0xf2: {  	[sflag:s26] =	ssyncadd.s32 $0xFFFFD800  }
0xf3: {  	_ =	swait.ge [sflag:s26], $0x500  }
0xf4: {  	[sflag:s26] =	ssyncset.done $0x0  }
0xf5: {  	[sflag:s26] =	ssyncadd.s32 $0xFFFFFB00  }
0xf6: {  	_ =	swait.ge [sflag:s26], $0x500  }
0xf7: {  	[sflag:s26] =	ssyncset.done $0x0  }
0xf8: {  	[sflag:s26] =	ssyncadd.s32 $0xFFFFFB00  }
0xf9: {  	_ =	swait.ge [sflag:s26], $0x2800  }
0xfa: {  	[sflag:s26] =	ssyncset.done $0x0  }
0xfb: {  	[sflag:s26] =	ssyncadd.s32 $0xFFFFD800  }
0xfc: {  	_ =	swait.ge [sflag:s26], $0x2800  }
0xfd: {  	[sflag:s26] =	ssyncset.done $0x0  }
0xfe: {  	[sflag:s26] =	ssyncadd.s32 $0xFFFFD800  }
0xff: {  	_ =	swait.ge [sflag:s26], $0x500  }
0x100: {  	[sflag:s26] =	ssyncset.done $0x0  }
0x101: {  	[sflag:s26] =	ssyncadd.s32 $0xFFFFFB00  }
0x102: {  	_ =	swait.ge [sflag:s26], $0x500  }
0x103: {  	[sflag:s26] =	ssyncset.done $0x0  }
0x104: {  	s8 =	sadd.s32 $0x1900, s8;
	[sflag:s26] =	ssyncadd.s32 $0xFFFFFB00  }
0x105: {  	[hbm4b:s8+s3] =	stream.linear.scatter [tilespmem:s14], [sflag:$0x2], $0xC800, $0x38;
	[tilespmem:$0x1C520] =	vst v63  }
0x106: {  	_ =	swait.ge [sflag:s11], $0xC800  }
0x107: {  	[sflag:s11] =	ssyncset.done $0x0  }
0x108: {  	s7 =	sadd.s32 $0x1900, s7;
	[sflag:s11] =	ssyncadd.s32 $0xFFFF3800  }
0x109: {  	[hbm4b:s7+s3] =	stream.linear.scatter [tilespmem:s15], [sflag:$0x2], $0xC800, $0x38;
	[tilespmem:$0x1C520] =	vst v63  }
0x10a: {  	_ =	swait.ge [sflag:s11], $0xC800  }
0x10b: {  	s6 =	smov.u32 s29;
	s9 =	rddreg [dreg:$0x4];
	[sflag:s11] =	ssyncset.done $0x0  }
0x10c: {  	[sflag:s11] =	ssyncadd.s32 $0xFFFF3800;
	s0 =	sadd.s32 s6, s9  }
0x10d: {  	[hbm4b:s0+s3] =	stream.linear.scatter [tilespmem:s16], [sflag:$0x2], $0x1900, $0x38;
	[tilespmem:$0x1C520] =	vst v63  }
0x10e: {  	p0 =	sne.s32 s29, $0x4B00;
	_ =	swait.ge [sflag:s11], $0x1900  }
.Ltmp0:
0x10f: {  	s9 =	rddreg [dreg:$0x3];
	[sflag:s11] =	ssyncset.done $0x0;
	(pc) =	sbr.rel @p0 .LBB2_2-.Ltmp0, $4  }
0x110: {  	[sflag:s11] =	ssyncadd.s32 $0xFFFFE700;
	s0 =	sadd.s32 s6, s9  }
0x111: {  	[hbm4b:s0+s3] =	stream.linear.scatter [tilespmem:s17], [sflag:$0x2], $0x1900, $0x38;
	[tilespmem:$0x1C520] =	vst v63  }
0x112: {  	s29 =	sadd.s32 $0x320, s29;
	_ =	swait.ge [sflag:s11], $0x1900  }
0x113: {  	s31 =	sadd.s32 $0x32, s31;
	s30 =	sadd.s32 $0x32, s30;
	[sflag:s11] =	ssyncset.done $0x0  }
0x114: {  	s28 =	sadd.s32 $0x1, s28;
	s0 =	rddreg [dreg:$0x14]  }
0x115: {  	p0 =	sne.s32 s28, s0  }
.Ltmp1:
0x116: {  	_ = 	snop;
	(pc) =	sbr.rel @p0 .LBB2_1-.Ltmp1, $2  }
0x117: {  	_ =	sdelay $0x2  }
0x118: {  	[sflag:s11] =	ssyncadd.s32 $0xFFFFE700  }
0x119: {  	_ =	sfence.sel $0x180000  }
0x11a: {  	[bflag:$0x0] =	sbarrier.arrive $0xFFFF  }
0x11b: {  	_ =	strace $0x90000047  }
0x11c: {  	s0 =	stileid.u32;
	[bflag:$0x2] =	sbarrier.arrive $0xFFFF  }
0x11d: {  	p0 =	sne.s32 s0, $0x0;
	s0 =	rddreg [dreg:$0x2]  }
0x11e: {  	s0 =	sadd.s32 @!p0 $0x100000, s0  }
0x11f: {  	[sflag:s0] =	ssyncadd.tile.s32 @!p0 $0x1;
	_ =	shalt  }
.Lfunc_end2:
_tile_overlayer_lowered:
.L_overlay_start_2:
0x120: {  	(tag) =	ssettag $0x2  }
0x121: {  	s0 =	rddreg [dreg:$0x0];
	s2 =	stileid.u32  }
0x122: {  	s1 =	rddreg [dreg:$0x1];
	p0 =	sne.s32 s2, $0x0  }
0x123: {  	s3 =	rddreg [dreg:$0x2];
	[bflag:$0x3] =	sbarrier.arrive $0xFFFF;
	s2 =	simm.s32 @!p0 $0x1C02  }
0x124: {  	[timem:s3], [sflag:s2] =	dma.local @!p0 [hbm:s0], s1  }
0x125: {  	s0 =	simm.s32 @!p0 $0x2  }
0x126: {  	_ =	swait.ge @!p0 [sflag:s0], s1  }
0x127: {  	s1 =	ssub.s32 @!p0 $0x0, s1;
	[sflag:s0] =	ssyncset.done @!p0 $0x0  }
0x128: {  	[sflag:s0] =	ssyncadd.s32 @!p0 s1  }
0x129: {  	[bflag:$0x3] =	sbarrier.arrive $0xFFFF  }
0x12a: {  	_ =	shalt  }

</sc_bundles>
